<compile_context>
chip_gen: v7x
topology: tpu7x:2x2x1
jax: 0.10.2.dev20260603
libtpu: 0.0.44.dev20260713+nightly
codegen_flags: <defaults>
</compile_context>

<pallas_src>
import jax
import jax.numpy as jnp
from jax import lax
from jax.experimental import pallas as pl
from jax.experimental.pallas import tpu as pltpu
from jax.experimental.pallas import tpu_sc as plsc

N_NODES = 10000
N_EDGES = 320000
FEATS = 128

NC = 2
NS = 16
LANES = 16

EDGES_PER_TILE = N_EDGES // (NC * NS)
CHUNK = 50
STEPS = EDGES_PER_TILE // CHUNK
NSLOT = 5
STAGE = 25
NBLK = STEPS // STAGE
NCYC = STAGE // NSLOT
ACC_ROWS = 10240
ROWS_PER_SUB = ACC_ROWS // NS
ZCH = 40


def _sc_aggregate_kernel(x_hbm, e_hbm, part_hbm, *refs):
    rows = refs[0:NSLOT]
    src_v = refs[NSLOT]
    dst_v = refs[NSLOT + 1]
    acc_sh = refs[NSLOT + 2]
    rsem = refs[NSLOT + 3:2 * NSLOT + 3]

    c = lax.axis_index("c")
    s = lax.axis_index("s")

    def sg(k, j):
        pltpu.async_copy(x_hbm.at[src_v.at[j]], rows[k], rsem[k])

    def wg(k):
        pltpu.make_async_copy(x_hbm.at[src_v.at[0]], rows[k], rsem[k]).wait()

    def ss(k, j):
        pltpu.async_copy(rows[k], acc_sh.at[dst_v.at[j]], rsem[k], add=True)

    def ws(k):
        pltpu.make_async_copy(rows[k], acc_sh.at[dst_v.at[0]], rsem[k]).wait()

    pltpu.sync_copy(e_hbm.at[0, c, s, 0], src_v)
    pltpu.sync_copy(e_hbm.at[1, c, s, 0], dst_v)
    for j in range(3):
        sg(j, j)

    @pl.loop(0, ZCH)
    def _zero_rows(r):
        @pl.loop(0, FEATS, step=LANES)
        def _zero_lanes(col):
            rows[NSLOT - 1][r, pl.ds(col, LANES)] = (
                jnp.zeros((LANES,), jnp.float32))

    for n in range(ROWS_PER_SUB // ZCH):
        pltpu.async_copy(rows[NSLOT - 1].at[pl.ds(0, ZCH)],
                         acc_sh.at[pl.ds(s * ROWS_PER_SUB + n * ZCH, ZCH)],
                         rsem[NSLOT - 1])
    for n in range(ROWS_PER_SUB // ZCH):
        pltpu.make_async_copy(rows[NSLOT - 1].at[pl.ds(0, ZCH)],
                              acc_sh.at[pl.ds(0, ZCH)],
                              rsem[NSLOT - 1]).wait()

    plsc.subcore_barrier()

    @pl.loop(0, NBLK)
    def _block(b):
        @pl.when(b > 0)
        def _stage():
            pltpu.sync_copy(e_hbm.at[0, c, s, b], src_v)
            pltpu.sync_copy(e_hbm.at[1, c, s, b], dst_v)
            for j in range(3):
                sg(j, j)

        wg(0); ss(0, 0); sg(3, 3)
        for j in range(1, NSLOT):
            wg(j); ss(j, j); ws(j - 1); sg((j + 3) % NSLOT, j + 3)

        @pl.loop(1, NCYC - 1)
        def _cycle(i):
            j0 = i * NSLOT
            for u in range(NSLOT):
                wg(u); ss(u, j0 + u)
                sg((u + 3) % NSLOT, j0 + u + 3)
                ws((u + 4) % NSLOT)

        j0 = (NCYC - 1) * NSLOT
        for u in range(NSLOT):
            wg(u); ss(u, j0 + u); ws((u + 4) % NSLOT)
            if u + 3 < NSLOT:
                sg((u + 3) % NSLOT, j0 + u + 3)
        ws(NSLOT - 1)

    plsc.subcore_barrier()

    @pl.when(s < NS - 1)
    def _full():
        pltpu.sync_copy(acc_sh.at[pl.ds(s * ROWS_PER_SUB, ROWS_PER_SUB)],
                        part_hbm.at[c, pl.ds(s * ROWS_PER_SUB, ROWS_PER_SUB)])

    @pl.when(s == NS - 1)
    def _tail():
        last = N_NODES - (NS - 1) * ROWS_PER_SUB
        pltpu.sync_copy(acc_sh.at[pl.ds((NS - 1) * ROWS_PER_SUB, last)],
                        part_hbm.at[c, pl.ds((NS - 1) * ROWS_PER_SUB, last)])


def _sc_aggregate(x, eidx):
    mesh = plsc.VectorSubcoreMesh(core_axis_name="c", subcore_axis_name="s")
    scratch = (
        [pltpu.VMEM((CHUNK, FEATS), jnp.float32)] * NSLOT
        + [pltpu.VMEM((STAGE, CHUNK), jnp.int32)] * 2
        + [pltpu.VMEM_SHARED((ACC_ROWS, FEATS), jnp.float32)]
        + [pltpu.SemaphoreType.DMA] * NSLOT
    )
    kern = pl.kernel(
        _sc_aggregate_kernel,
        out_type=jax.ShapeDtypeStruct((NC, ACC_ROWS, FEATS), jnp.float32),
        mesh=mesh,
        scratch_types=scratch,
    )
    return kern(x, eidx)


def _mm_kernel(p_ref, w_ref, o_ref):
    x = p_ref[0] + p_ref[1]
    o_ref[...] = jnp.dot(x, w_ref[...], preferred_element_type=jnp.float32)


ROW_BLOCK = 2000


def _combine_matmul(partials, weight):
    return pl.pallas_call(
        _mm_kernel,
        grid=(N_NODES // ROW_BLOCK,),
        in_specs=[
            pl.BlockSpec((NC, ROW_BLOCK, FEATS), lambda i: (0, i, 0)),
            pl.BlockSpec((FEATS, FEATS), lambda i: (0, 0)),
        ],
        out_specs=pl.BlockSpec((ROW_BLOCK, FEATS), lambda i: (i, 0)),
        out_shape=jax.ShapeDtypeStruct((N_NODES, FEATS), jnp.float32),
    )(partials, weight)


@jax.jit
def kernel(inputs, edge_index, weight):
    e6 = edge_index.astype(jnp.int32).reshape(2, NC, NS, NBLK, STAGE, CHUNK)
    partials = _sc_aggregate(inputs, e6)
    return _combine_matmul(partials, weight)

# --- scband reference (transcript-rebuilt; emitter-appended) ---
"""Pipeline reference for scband-gcnlayer-20358144983127 (READ-ONLY COPY).

The authoritative reference and input builder live on the scoring server;
editing this copy changes nothing except your own understanding.
"""

import jax, jax.numpy as jnp
import numpy as np

N_NODES = 10000
N_EDGES = 320000
IN_FEATS = 128
OUT_FEATS = 128


def setup_inputs(seed: int = 0) -> dict:
    key = jax.random.key(seed)
    k1, k2, k3 = jax.random.split(key, 3)
    inputs = jax.random.normal(k1, (N_NODES, IN_FEATS), dtype=jnp.float32)
    edge_index = jax.random.randint(k2, (2, N_EDGES), 0, N_NODES, dtype=jnp.int64)
    # learned parameter: weight [in_feats, out_feats] (nn.Parameter(th.randn(...)))
    weight = jax.random.normal(k3, (IN_FEATS, OUT_FEATS), dtype=jnp.float32)
    return {"inputs": inputs, "edge_index": edge_index, "weight": weight}


def reference(inputs, edge_index, weight):
    # h = linear(inputs, weight)
    h = inputs @ weight
    # h = gspmmv(graph, h): sparse adjacency matmul == sum-aggregate neighbor features.
    # out[dst] = sum over edges (src -> dst) of h[src]
    src = edge_index[0]
    dst = edge_index[1]
    msgs = jnp.take(h, src, axis=0)              # gather  [E, out_feats]
    out = jax.ops.segment_sum(msgs, dst, num_segments=inputs.shape[0])  # scatter-add
    return out

if __name__ == "__main__":
    import jax
    _d = setup_inputs()
    print(jax.jit(kernel)(*tuple(_d.values())))

</pallas_src>

<mosaic_0001>
#map = affine_map<(d0, d1) -> (0, 0)>
#map1 = affine_map<(d0, d1) -> (0, 0, 0, 0, 0, 0)>
#map2 = affine_map<(d0, d1) -> (0, 0, 0)>
module attributes {stable_mosaic.version = 14 : i64} {
  func.func @_sc_aggregate_kernel(%arg0: i32, %arg1: i32, %arg2: memref<10000x128xf32, #tpu.memory_space<hbm>>, %arg3: memref<2x2x16x8x25x50xi32, #tpu.memory_space<hbm>>, %arg4: memref<2x10240x128xf32, #tpu.memory_space<hbm>>, %arg5: memref<50x128xf32, #tpu.memory_space<vmem>>, %arg6: memref<50x128xf32, #tpu.memory_space<vmem>>, %arg7: memref<50x128xf32, #tpu.memory_space<vmem>>, %arg8: memref<50x128xf32, #tpu.memory_space<vmem>>, %arg9: memref<50x128xf32, #tpu.memory_space<vmem>>, %arg10: memref<25x50xi32, #tpu.memory_space<vmem>>, %arg11: memref<25x50xi32, #tpu.memory_space<vmem>>, %arg12: memref<10240x128xf32, #tpu.memory_space<vmem_shared>>, %arg13: memref<!tpu.dma_semaphore, #tpu.memory_space<semaphore_mem>>, %arg14: memref<!tpu.dma_semaphore, #tpu.memory_space<semaphore_mem>>, %arg15: memref<!tpu.dma_semaphore, #tpu.memory_space<semaphore_mem>>, %arg16: memref<!tpu.dma_semaphore, #tpu.memory_space<semaphore_mem>>, %arg17: memref<!tpu.dma_semaphore, #tpu.memory_space<semaphore_mem>>) attributes {dimension_semantics = [#tpu.dimension_semantics<core_parallel>, #tpu.dimension_semantics<subcore_parallel>], iteration_bounds = array<i64: 2, 16>, scalar_prefetch = 0 : i64, scratch_operands = 13 : i64, tpu.core_type = #tpu.core_type<sc_vector_subcore>, window_params = [{transform_indices = #map}, {transform_indices = #map1}, {transform_indices = #map2}]} {
    %run_scoped3A = arith.constant 0 : i32
    %run_scoped3A_0 = arith.constant 0 : i32
    "tpu.region"() ({
      %run_scoped3A_452 = tpu.sem_alloc : memref<!tpu.dma_semaphore, #tpu.memory_space<semaphore_mem>>
      %dma_start3A_453 = arith.constant 0 : i32
      %dma_start3A_454 = arith.constant 0 : i32
      %dma_start3A_455 = tpu.memref_slice %arg3[%run_scoped3A, %arg0, %arg1, %run_scoped3A_0, %dma_start3A_453, %dma_start3A_454] : memref<2x2x16x8x25x50xi32, #tpu.memory_space<hbm>> -> memref<1x1x1x1x25x50xi32, #tpu.memory_space<hbm>>
      %dma_start3A_456 = tpu.memref_squeeze %dma_start3A_455 : memref<1x1x1x1x25x50xi32, #tpu.memory_space<hbm>> -> memref<25x50xi32, #tpu.memory_space<hbm>>
      %dma_start3A_457 = arith.constant 0 : i32
      %dma_start3A_458 = arith.constant 0 : i32
      %dma_start3A_459 = tpu.memref_slice %arg3[%run_scoped3A, %arg0, %arg1, %run_scoped3A_0, %dma_start3A_457, %dma_start3A_458] : memref<2x2x16x8x25x50xi32, #tpu.memory_space<hbm>> -> memref<1x1x1x1x25x50xi32, #tpu.memory_space<hbm>>
      %dma_start3A_460 = tpu.memref_squeeze %dma_start3A_459 : memref<1x1x1x1x25x50xi32, #tpu.memory_space<hbm>> -> memref<25x50xi32, #tpu.memory_space<hbm>>
      tpu.enqueue_dma source(%dma_start3A_460 : memref<25x50xi32, #tpu.memory_space<hbm>>) target(%arg10 : memref<25x50xi32, #tpu.memory_space<vmem>>) target_semaphore(%run_scoped3A_452 : memref<!tpu.dma_semaphore, #tpu.memory_space<semaphore_mem>>)
      %dma_wait3A_461 = arith.constant 0 : i32
      %dma_wait3A_462 = arith.constant 0 : i32
      %dma_wait3A_463 = tpu.memref_slice %arg3[%run_scoped3A, %arg0, %arg1, %run_scoped3A_0, %dma_wait3A_461, %dma_wait3A_462] : memref<2x2x16x8x25x50xi32, #tpu.memory_space<hbm>> -> memref<1x1x1x1x25x50xi32, #tpu.memory_space<hbm>>
      %dma_wait3A_464 = tpu.memref_squeeze %dma_wait3A_463 : memref<1x1x1x1x25x50xi32, #tpu.memory_space<hbm>> -> memref<25x50xi32, #tpu.memory_space<hbm>>
      %dma_wait3A_465 = arith.constant 0 : i32
      %dma_wait3A_466 = arith.constant 0 : i32
      %dma_wait3A_467 = tpu.memref_slice %arg3[%run_scoped3A, %arg0, %arg1, %run_scoped3A_0, %dma_wait3A_465, %dma_wait3A_466] : memref<2x2x16x8x25x50xi32, #tpu.memory_space<hbm>> -> memref<1x1x1x1x25x50xi32, #tpu.memory_space<hbm>>
      %dma_wait3A_468 = tpu.memref_squeeze %dma_wait3A_467 : memref<1x1x1x1x25x50xi32, #tpu.memory_space<hbm>> -> memref<25x50xi32, #tpu.memory_space<hbm>>
      tpu.wait_dma2 semaphore(%run_scoped3A_452 : memref<!tpu.dma_semaphore, #tpu.memory_space<semaphore_mem>>) src(%dma_wait3A_468 : memref<25x50xi32, #tpu.memory_space<hbm>>) dst(%arg10 : memref<25x50xi32, #tpu.memory_space<vmem>>)
      tpu.yield
    }) : () -> ()
    %run_scoped3A_1 = arith.constant 1 : i32
    %run_scoped3A_2 = arith.constant 0 : i32
    "tpu.region"() ({
      %run_scoped3A_452 = tpu.sem_alloc : memref<!tpu.dma_semaphore, #tpu.memory_space<semaphore_mem>>
      %dma_start3A_453 = arith.constant 0 : i32
      %dma_start3A_454 = arith.constant 0 : i32
      %dma_start3A_455 = tpu.memref_slice %arg3[%run_scoped3A_1, %arg0, %arg1, %run_scoped3A_2, %dma_start3A_453, %dma_start3A_454] : memref<2x2x16x8x25x50xi32, #tpu.memory_space<hbm>> -> memref<1x1x1x1x25x50xi32, #tpu.memory_space<hbm>>
      %dma_start3A_456 = tpu.memref_squeeze %dma_start3A_455 : memref<1x1x1x1x25x50xi32, #tpu.memory_space<hbm>> -> memref<25x50xi32, #tpu.memory_space<hbm>>
      %dma_start3A_457 = arith.constant 0 : i32
      %dma_start3A_458 = arith.constant 0 : i32
      %dma_start3A_459 = tpu.memref_slice %arg3[%run_scoped3A_1, %arg0, %arg1, %run_scoped3A_2, %dma_start3A_457, %dma_start3A_458] : memref<2x2x16x8x25x50xi32, #tpu.memory_space<hbm>> -> memref<1x1x1x1x25x50xi32, #tpu.memory_space<hbm>>
      %dma_start3A_460 = tpu.memref_squeeze %dma_start3A_459 : memref<1x1x1x1x25x50xi32, #tpu.memory_space<hbm>> -> memref<25x50xi32, #tpu.memory_space<hbm>>
      tpu.enqueue_dma source(%dma_start3A_460 : memref<25x50xi32, #tpu.memory_space<hbm>>) target(%arg11 : memref<25x50xi32, #tpu.memory_space<vmem>>) target_semaphore(%run_scoped3A_452 : memref<!tpu.dma_semaphore, #tpu.memory_space<semaphore_mem>>)
      %dma_wait3A_461 = arith.constant 0 : i32
      %dma_wait3A_462 = arith.constant 0 : i32
      %dma_wait3A_463 = tpu.memref_slice %arg3[%run_scoped3A_1, %arg0, %arg1, %run_scoped3A_2, %dma_wait3A_461, %dma_wait3A_462] : memref<2x2x16x8x25x50xi32, #tpu.memory_space<hbm>> -> memref<1x1x1x1x25x50xi32, #tpu.memory_space<hbm>>
      %dma_wait3A_464 = tpu.memref_squeeze %dma_wait3A_463 : memref<1x1x1x1x25x50xi32, #tpu.memory_space<hbm>> -> memref<25x50xi32, #tpu.memory_space<hbm>>
      %dma_wait3A_465 = arith.constant 0 : i32
      %dma_wait3A_466 = arith.constant 0 : i32
      %dma_wait3A_467 = tpu.memref_slice %arg3[%run_scoped3A_1, %arg0, %arg1, %run_scoped3A_2, %dma_wait3A_465, %dma_wait3A_466] : memref<2x2x16x8x25x50xi32, #tpu.memory_space<hbm>> -> memref<1x1x1x1x25x50xi32, #tpu.memory_space<hbm>>
      %dma_wait3A_468 = tpu.memref_squeeze %dma_wait3A_467 : memref<1x1x1x1x25x50xi32, #tpu.memory_space<hbm>> -> memref<25x50xi32, #tpu.memory_space<hbm>>
      tpu.wait_dma2 semaphore(%run_scoped3A_452 : memref<!tpu.dma_semaphore, #tpu.memory_space<semaphore_mem>>) src(%dma_wait3A_468 : memref<25x50xi32, #tpu.memory_space<hbm>>) dst(%arg11 : memref<25x50xi32, #tpu.memory_space<vmem>>)
      tpu.yield
    }) : () -> ()
    %dma_start3A = arith.constant 0 : i32
    %dma_start3A_3 = arith.constant 0 : i32
    %dma_start3A_4 = tpu.memref_slice %arg10[%dma_start3A, %dma_start3A_3] : memref<25x50xi32, #tpu.memory_space<vmem>> -> memref<1x50xi32, #tpu.memory_space<vmem>>
    %dma_start3A_5 = tpu.memref_squeeze %dma_start3A_4 : memref<1x50xi32, #tpu.memory_space<vmem>> -> memref<50xi32, #tpu.memory_space<vmem>>
    %dma_start3A_6 = arith.constant 0 : i32
    %dma_start3A_7 = arith.constant 0 : i32
    %dma_start3A_8 = tpu.memref_slice %arg2[%dma_start3A_6, %dma_start3A_7] : memref<10000x128xf32, #tpu.memory_space<hbm>> -> memref<10000x128xf32, #tpu.memory_space<hbm>>
    tpu.enqueue_indirect_dma source(%dma_start3A_8 : memref<10000x128xf32, #tpu.memory_space<hbm>>) target(%arg5 : memref<50x128xf32, #tpu.memory_space<vmem>>) offsets(%dma_start3A_5 : memref<50xi32, #tpu.memory_space<vmem>>) semaphore(%arg13 : memref<!tpu.dma_semaphore, #tpu.memory_space<semaphore_mem>>)
    %dma_start3A_9 = arith.constant 1 : i32
    %dma_start3A_10 = arith.constant 0 : i32
    %dma_start3A_11 = tpu.memref_slice %arg10[%dma_start3A_9, %dma_start3A_10] : memref<25x50xi32, #tpu.memory_space<vmem>> -> memref<1x50xi32, #tpu.memory_space<vmem>>
    %dma_start3A_12 = tpu.memref_squeeze %dma_start3A_11 : memref<1x50xi32, #tpu.memory_space<vmem>> -> memref<50xi32, #tpu.memory_space<vmem>>
    %dma_start3A_13 = arith.constant 0 : i32
    %dma_start3A_14 = arith.constant 0 : i32
    %dma_start3A_15 = tpu.memref_slice %arg2[%dma_start3A_13, %dma_start3A_14] : memref<10000x128xf32, #tpu.memory_space<hbm>> -> memref<10000x128xf32, #tpu.memory_space<hbm>>
    tpu.enqueue_indirect_dma source(%dma_start3A_15 : memref<10000x128xf32, #tpu.memory_space<hbm>>) target(%arg6 : memref<50x128xf32, #tpu.memory_space<vmem>>) offsets(%dma_start3A_12 : memref<50xi32, #tpu.memory_space<vmem>>) semaphore(%arg14 : memref<!tpu.dma_semaphore, #tpu.memory_space<semaphore_mem>>)
    %dma_start3A_16 = arith.constant 2 : i32
    %dma_start3A_17 = arith.constant 0 : i32
    %dma_start3A_18 = tpu.memref_slice %arg10[%dma_start3A_16, %dma_start3A_17] : memref<25x50xi32, #tpu.memory_space<vmem>> -> memref<1x50xi32, #tpu.memory_space<vmem>>
    %dma_start3A_19 = tpu.memref_squeeze %dma_start3A_18 : memref<1x50xi32, #tpu.memory_space<vmem>> -> memref<50xi32, #tpu.memory_space<vmem>>
    %dma_start3A_20 = arith.constant 0 : i32
    %dma_start3A_21 = arith.constant 0 : i32
    %dma_start3A_22 = tpu.memref_slice %arg2[%dma_start3A_20, %dma_start3A_21] : memref<10000x128xf32, #tpu.memory_space<hbm>> -> memref<10000x128xf32, #tpu.memory_space<hbm>>
    tpu.enqueue_indirect_dma source(%dma_start3A_22 : memref<10000x128xf32, #tpu.memory_space<hbm>>) target(%arg7 : memref<50x128xf32, #tpu.memory_space<vmem>>) offsets(%dma_start3A_19 : memref<50xi32, #tpu.memory_space<vmem>>) semaphore(%arg15 : memref<!tpu.dma_semaphore, #tpu.memory_space<semaphore_mem>>)
    %scan3A = arith.constant 0 : i32
    %scan3A_23 = arith.constant 40 : i32
    %scan3A_24 = arith.addi %scan3A, %scan3A_23 : i32
    %scan3A_25 = arith.constant 1 : i32
    scf.for %scan3A_452 = %scan3A to %scan3A_24 step %scan3A_25  : i32 {
      %mul3A_453 = arith.constant 1 : i32
      %mul3A_454 = arith.muli %scan3A_452, %mul3A_453 : i32
      %add3A_455 = arith.constant 0 : i32
      %add3A_456 = arith.addi %add3A_455, %mul3A_454 : i32
      %scan3A_457 = arith.constant 0 : i32
      %scan3A_458 = arith.constant 8 : i32
      %scan3A_459 = arith.addi %scan3A_457, %scan3A_458 : i32
      %scan3A_460 = arith.constant 1 : i32
      scf.for %scan3A_462 = %scan3A_457 to %scan3A_459 step %scan3A_460  : i32 {
        %mul3A_463 = arith.constant 16 : i32
        %mul3A_464 = arith.muli %scan3A_462, %mul3A_463 : i32
        %add3A_465 = arith.constant 0 : i32
        %add3A_466 = arith.addi %add3A_465, %mul3A_464 : i32
        %broadcast_in_dim3A = arith.constant 0.000000e+00 : f32
        %broadcast_in_dim3A_467 = vector.broadcast %broadcast_in_dim3A : f32 to vector<16xf32>
        %swap3A = arith.index_cast %add3A_456 : i32 to index
        %swap3A_468 = arith.index_cast %add3A_466 : i32 to index
        %swap3A_469 = tpu.vector_load %arg9[%swap3A, %swap3A_468] {strides = array<i32>} : memref<50x128xf32, #tpu.memory_space<vmem>>, vector<1x16xf32>,
        %swap3A_470 = vector.shape_cast %swap3A_469 : vector<1x16xf32> to vector<16xf32>
        %swap3A_471 = vector.shape_cast %broadcast_in_dim3A_467 : vector<16xf32> to vector<1x16xf32>
        tpu.vector_store %arg9[%swap3A, %swap3A_468], %swap3A_471 {strides = array<i32>} : memref<50x128xf32, #tpu.memory_space<vmem>>, vector<1x16xf32>,
      }
      %scan3A_461 = arith.constant 8 : i32
    }
    %scan3A_26 = arith.constant 40 : i32
    %mul3A = arith.constant 640 : i32
    %mul3A_27 = arith.muli %arg1, %mul3A : i32
    %add3A = arith.constant 0 : i32
    %add3A_28 = arith.addi %mul3A_27, %add3A : i32
    %dma_start3A_29 = arith.constant 0 : i32
    %dma_start3A_30 = arith.constant 0 : i32
    %dma_start3A_31 = tpu.memref_slice %arg9[%dma_start3A_29, %dma_start3A_30] : memref<50x128xf32, #tpu.memory_space<vmem>> -> memref<40x128xf32, #tpu.memory_space<vmem>>
    %dma_start3A_32 = arith.constant 0 : i32
    %dma_start3A_33 = tpu.memref_slice %arg12[%add3A_28, %dma_start3A_32] : memref<10240x128xf32, #tpu.memory_space<vmem_shared>> -> memref<40x128xf32, #tpu.memory_space<vmem_shared>>
    %dma_start3A_34 = arith.constant 0 : i32
    %dma_start3A_35 = tpu.memref_slice %arg12[%add3A_28, %dma_start3A_34] : memref<10240x128xf32, #tpu.memory_space<vmem_shared>> -> memref<40x128xf32, #tpu.memory_space<vmem_shared>>
    %dma_start3A_36 = arith.constant 0 : i32
    %dma_start3A_37 = arith.constant 0 : i32
    %dma_start3A_38 = tpu.memref_slice %arg9[%dma_start3A_36, %dma_start3A_37] : memref<50x128xf32, #tpu.memory_space<vmem>> -> memref<40x128xf32, #tpu.memory_space<vmem>>
    tpu.enqueue_dma source(%dma_start3A_38 : memref<40x128xf32, #tpu.memory_space<vmem>>) target(%dma_start3A_35 : memref<40x128xf32, #tpu.memory_space<vmem_shared>>) target_semaphore(%arg17 : memref<!tpu.dma_semaphore, #tpu.memory_space<semaphore_mem>>)
    %mul3A_39 = arith.constant 640 : i32
    %mul3A_40 = arith.muli %arg1, %mul3A_39 : i32
    %add3A_41 = arith.constant 40 : i32
    %add3A_42 = arith.addi %mul3A_40, %add3A_41 : i32
    %dma_start3A_43 = arith.constant 0 : i32
    %dma_start3A_44 = arith.constant 0 : i32
    %dma_start3A_45 = tpu.memref_slice %arg9[%dma_start3A_43, %dma_start3A_44] : memref<50x128xf32, #tpu.memory_space<vmem>> -> memref<40x128xf32, #tpu.memory_space<vmem>>
    %dma_start3A_46 = arith.constant 0 : i32
    %dma_start3A_47 = tpu.memref_slice %arg12[%add3A_42, %dma_start3A_46] : memref<10240x128xf32, #tpu.memory_space<vmem_shared>> -> memref<40x128xf32, #tpu.memory_space<vmem_shared>>
    %dma_start3A_48 = arith.constant 0 : i32
    %dma_start3A_49 = tpu.memref_slice %arg12[%add3A_42, %dma_start3A_48] : memref<10240x128xf32, #tpu.memory_space<vmem_shared>> -> memref<40x128xf32, #tpu.memory_space<vmem_shared>>
    %dma_start3A_50 = arith.constant 0 : i32
    %dma_start3A_51 = arith.constant 0 : i32
    %dma_start3A_52 = tpu.memref_slice %arg9[%dma_start3A_50, %dma_start3A_51] : memref<50x128xf32, #tpu.memory_space<vmem>> -> memref<40x128xf32, #tpu.memory_space<vmem>>
    tpu.enqueue_dma source(%dma_start3A_52 : memref<40x128xf32, #tpu.memory_space<vmem>>) target(%dma_start3A_49 : memref<40x128xf32, #tpu.memory_space<vmem_shared>>) target_semaphore(%arg17 : memref<!tpu.dma_semaphore, #tpu.memory_space<semaphore_mem>>)
    %mul3A_53 = arith.constant 640 : i32
    %mul3A_54 = arith.muli %arg1, %mul3A_53 : i32
    %add3A_55 = arith.constant 80 : i32
    %add3A_56 = arith.addi %mul3A_54, %add3A_55 : i32
    %dma_start3A_57 = arith.constant 0 : i32
    %dma_start3A_58 = arith.constant 0 : i32
    %dma_start3A_59 = tpu.memref_slice %arg9[%dma_start3A_57, %dma_start3A_58] : memref<50x128xf32, #tpu.memory_space<vmem>> -> memref<40x128xf32, #tpu.memory_space<vmem>>
    %dma_start3A_60 = arith.constant 0 : i32
    %dma_start3A_61 = tpu.memref_slice %arg12[%add3A_56, %dma_start3A_60] : memref<10240x128xf32, #tpu.memory_space<vmem_shared>> -> memref<40x128xf32, #tpu.memory_space<vmem_shared>>
    %dma_start3A_62 = arith.constant 0 : i32
    %dma_start3A_63 = tpu.memref_slice %arg12[%add3A_56, %dma_start3A_62] : memref<10240x128xf32, #tpu.memory_space<vmem_shared>> -> memref<40x128xf32, #tpu.memory_space<vmem_shared>>
    %dma_start3A_64 = arith.constant 0 : i32
    %dma_start3A_65 = arith.constant 0 : i32
    %dma_start3A_66 = tpu.memref_slice %arg9[%dma_start3A_64, %dma_start3A_65] : memref<50x128xf32, #tpu.memory_space<vmem>> -> memref<40x128xf32, #tpu.memory_space<vmem>>
    tpu.enqueue_dma source(%dma_start3A_66 : memref<40x128xf32, #tpu.memory_space<vmem>>) target(%dma_start3A_63 : memref<40x128xf32, #tpu.memory_space<vmem_shared>>) target_semaphore(%arg17 : memref<!tpu.dma_semaphore, #tpu.memory_space<semaphore_mem>>)
    %mul3A_67 = arith.constant 640 : i32
    %mul3A_68 = arith.muli %arg1, %mul3A_67 : i32
    %add3A_69 = arith.constant 120 : i32
    %add3A_70 = arith.addi %mul3A_68, %add3A_69 : i32
    %dma_start3A_71 = arith.constant 0 : i32
    %dma_start3A_72 = arith.constant 0 : i32
    %dma_start3A_73 = tpu.memref_slice %arg9[%dma_start3A_71, %dma_start3A_72] : memref<50x128xf32, #tpu.memory_space<vmem>> -> memref<40x128xf32, #tpu.memory_space<vmem>>
    %dma_start3A_74 = arith.constant 0 : i32
    %dma_start3A_75 = tpu.memref_slice %arg12[%add3A_70, %dma_start3A_74] : memref<10240x128xf32, #tpu.memory_space<vmem_shared>> -> memref<40x128xf32, #tpu.memory_space<vmem_shared>>
    %dma_start3A_76 = arith.constant 0 : i32
    %dma_start3A_77 = tpu.memref_slice %arg12[%add3A_70, %dma_start3A_76] : memref<10240x128xf32, #tpu.memory_space<vmem_shared>> -> memref<40x128xf32, #tpu.memory_space<vmem_shared>>
    %dma_start3A_78 = arith.constant 0 : i32
    %dma_start3A_79 = arith.constant 0 : i32
    %dma_start3A_80 = tpu.memref_slice %arg9[%dma_start3A_78, %dma_start3A_79] : memref<50x128xf32, #tpu.memory_space<vmem>> -> memref<40x128xf32, #tpu.memory_space<vmem>>
    tpu.enqueue_dma source(%dma_start3A_80 : memref<40x128xf32, #tpu.memory_space<vmem>>) target(%dma_start3A_77 : memref<40x128xf32, #tpu.memory_space<vmem_shared>>) target_semaphore(%arg17 : memref<!tpu.dma_semaphore, #tpu.memory_space<semaphore_mem>>)
    %mul3A_81 = arith.constant 640 : i32
    %mul3A_82 = arith.muli %arg1, %mul3A_81 : i32
    %add3A_83 = arith.constant 160 : i32
    %add3A_84 = arith.addi %mul3A_82, %add3A_83 : i32
    %dma_start3A_85 = arith.constant 0 : i32
    %dma_start3A_86 = arith.constant 0 : i32
    %dma_start3A_87 = tpu.memref_slice %arg9[%dma_start3A_85, %dma_start3A_86] : memref<50x128xf32, #tpu.memory_space<vmem>> -> memref<40x128xf32, #tpu.memory_space<vmem>>
    %dma_start3A_88 = arith.constant 0 : i32
    %dma_start3A_89 = tpu.memref_slice %arg12[%add3A_84, %dma_start3A_88] : memref<10240x128xf32, #tpu.memory_space<vmem_shared>> -> memref<40x128xf32, #tpu.memory_space<vmem_shared>>
    %dma_start3A_90 = arith.constant 0 : i32
    %dma_start3A_91 = tpu.memref_slice %arg12[%add3A_84, %dma_start3A_90] : memref<10240x128xf32, #tpu.memory_space<vmem_shared>> -> memref<40x128xf32, #tpu.memory_space<vmem_shared>>
    %dma_start3A_92 = arith.constant 0 : i32
    %dma_start3A_93 = arith.constant 0 : i32
    %dma_start3A_94 = tpu.memref_slice %arg9[%dma_start3A_92, %dma_start3A_93] : memref<50x128xf32, #tpu.memory_space<vmem>> -> memref<40x128xf32, #tpu.memory_space<vmem>>
    tpu.enqueue_dma source(%dma_start3A_94 : memref<40x128xf32, #tpu.memory_space<vmem>>) target(%dma_start3A_91 : memref<40x128xf32, #tpu.memory_space<vmem_shared>>) target_semaphore(%arg17 : memref<!tpu.dma_semaphore, #tpu.memory_space<semaphore_mem>>)
    %mul3A_95 = arith.constant 640 : i32
    %mul3A_96 = arith.muli %arg1, %mul3A_95 : i32
    %add3A_97 = arith.constant 200 : i32
    %add3A_98 = arith.addi %mul3A_96, %add3A_97 : i32
    %dma_start3A_99 = arith.constant 0 : i32
    %dma_start3A_100 = arith.constant 0 : i32
    %dma_start3A_101 = tpu.memref_slice %arg9[%dma_start3A_99, %dma_start3A_100] : memref<50x128xf32, #tpu.memory_space<vmem>> -> memref<40x128xf32, #tpu.memory_space<vmem>>
    %dma_start3A_102 = arith.constant 0 : i32
    %dma_start3A_103 = tpu.memref_slice %arg12[%add3A_98, %dma_start3A_102] : memref<10240x128xf32, #tpu.memory_space<vmem_shared>> -> memref<40x128xf32, #tpu.memory_space<vmem_shared>>
    %dma_start3A_104 = arith.constant 0 : i32
    %dma_start3A_105 = tpu.memref_slice %arg12[%add3A_98, %dma_start3A_104] : memref<10240x128xf32, #tpu.memory_space<vmem_shared>> -> memref<40x128xf32, #tpu.memory_space<vmem_shared>>
    %dma_start3A_106 = arith.constant 0 : i32
    %dma_start3A_107 = arith.constant 0 : i32
    %dma_start3A_108 = tpu.memref_slice %arg9[%dma_start3A_106, %dma_start3A_107] : memref<50x128xf32, #tpu.memory_space<vmem>> -> memref<40x128xf32, #tpu.memory_space<vmem>>
    tpu.enqueue_dma source(%dma_start3A_108 : memref<40x128xf32, #tpu.memory_space<vmem>>) target(%dma_start3A_105 : memref<40x128xf32, #tpu.memory_space<vmem_shared>>) target_semaphore(%arg17 : memref<!tpu.dma_semaphore, #tpu.memory_space<semaphore_mem>>)
    %mul3A_109 = arith.constant 640 : i32
    %mul3A_110 = arith.muli %arg1, %mul3A_109 : i32
    %add3A_111 = arith.constant 240 : i32
    %add3A_112 = arith.addi %mul3A_110, %add3A_111 : i32
    %dma_start3A_113 = arith.constant 0 : i32
    %dma_start3A_114 = arith.constant 0 : i32
    %dma_start3A_115 = tpu.memref_slice %arg9[%dma_start3A_113, %dma_start3A_114] : memref<50x128xf32, #tpu.memory_space<vmem>> -> memref<40x128xf32, #tpu.memory_space<vmem>>
    %dma_start3A_116 = arith.constant 0 : i32
    %dma_start3A_117 = tpu.memref_slice %arg12[%add3A_112, %dma_start3A_116] : memref<10240x128xf32, #tpu.memory_space<vmem_shared>> -> memref<40x128xf32, #tpu.memory_space<vmem_shared>>
    %dma_start3A_118 = arith.constant 0 : i32
    %dma_start3A_119 = tpu.memref_slice %arg12[%add3A_112, %dma_start3A_118] : memref<10240x128xf32, #tpu.memory_space<vmem_shared>> -> memref<40x128xf32, #tpu.memory_space<vmem_shared>>
    %dma_start3A_120 = arith.constant 0 : i32
    %dma_start3A_121 = arith.constant 0 : i32
    %dma_start3A_122 = tpu.memref_slice %arg9[%dma_start3A_120, %dma_start3A_121] : memref<50x128xf32, #tpu.memory_space<vmem>> -> memref<40x128xf32, #tpu.memory_space<vmem>>
    tpu.enqueue_dma source(%dma_start3A_122 : memref<40x128xf32, #tpu.memory_space<vmem>>) target(%dma_start3A_119 : memref<40x128xf32, #tpu.memory_space<vmem_shared>>) target_semaphore(%arg17 : memref<!tpu.dma_semaphore, #tpu.memory_space<semaphore_mem>>)
    %mul3A_123 = arith.constant 640 : i32
    %mul3A_124 = arith.muli %arg1, %mul3A_123 : i32
    %add3A_125 = arith.constant 280 : i32
    %add3A_126 = arith.addi %mul3A_124, %add3A_125 : i32
    %dma_start3A_127 = arith.constant 0 : i32
    %dma_start3A_128 = arith.constant 0 : i32
    %dma_start3A_129 = tpu.memref_slice %arg9[%dma_start3A_127, %dma_start3A_128] : memref<50x128xf32, #tpu.memory_space<vmem>> -> memref<40x128xf32, #tpu.memory_space<vmem>>
    %dma_start3A_130 = arith.constant 0 : i32
    %dma_start3A_131 = tpu.memref_slice %arg12[%add3A_126, %dma_start3A_130] : memref<10240x128xf32, #tpu.memory_space<vmem_shared>> -> memref<40x128xf32, #tpu.memory_space<vmem_shared>>
    %dma_start3A_132 = arith.constant 0 : i32
    %dma_start3A_133 = tpu.memref_slice %arg12[%add3A_126, %dma_start3A_132] : memref<10240x128xf32, #tpu.memory_space<vmem_shared>> -> memref<40x128xf32, #tpu.memory_space<vmem_shared>>
    %dma_start3A_134 = arith.constant 0 : i32
    %dma_start3A_135 = arith.constant 0 : i32
    %dma_start3A_136 = tpu.memref_slice %arg9[%dma_start3A_134, %dma_start3A_135] : memref<50x128xf32, #tpu.memory_space<vmem>> -> memref<40x128xf32, #tpu.memory_space<vmem>>
    tpu.enqueue_dma source(%dma_start3A_136 : memref<40x128xf32, #tpu.memory_space<vmem>>) target(%dma_start3A_133 : memref<40x128xf32, #tpu.memory_space<vmem_shared>>) target_semaphore(%arg17 : memref<!tpu.dma_semaphore, #tpu.memory_space<semaphore_mem>>)
    %mul3A_137 = arith.constant 640 : i32
    %mul3A_138 = arith.muli %arg1, %mul3A_137 : i32
    %add3A_139 = arith.constant 320 : i32
    %add3A_140 = arith.addi %mul3A_138, %add3A_139 : i32
    %dma_start3A_141 = arith.constant 0 : i32
    %dma_start3A_142 = arith.constant 0 : i32
    %dma_start3A_143 = tpu.memref_slice %arg9[%dma_start3A_141, %dma_start3A_142] : memref<50x128xf32, #tpu.memory_space<vmem>> -> memref<40x128xf32, #tpu.memory_space<vmem>>
    %dma_start3A_144 = arith.constant 0 : i32
    %dma_start3A_145 = tpu.memref_slice %arg12[%add3A_140, %dma_start3A_144] : memref<10240x128xf32, #tpu.memory_space<vmem_shared>> -> memref<40x128xf32, #tpu.memory_space<vmem_shared>>
    %dma_start3A_146 = arith.constant 0 : i32
    %dma_start3A_147 = tpu.memref_slice %arg12[%add3A_140, %dma_start3A_146] : memref<10240x128xf32, #tpu.memory_space<vmem_shared>> -> memref<40x128xf32, #tpu.memory_space<vmem_shared>>
    %dma_start3A_148 = arith.constant 0 : i32
    %dma_start3A_149 = arith.constant 0 : i32
    %dma_start3A_150 = tpu.memref_slice %arg9[%dma_start3A_148, %dma_start3A_149] : memref<50x128xf32, #tpu.memory_space<vmem>> -> memref<40x128xf32, #tpu.memory_space<vmem>>
    tpu.enqueue_dma source(%dma_start3A_150 : memref<40x128xf32, #tpu.memory_space<vmem>>) target(%dma_start3A_147 : memref<40x128xf32, #tpu.memory_space<vmem_shared>>) target_semaphore(%arg17 : memref<!tpu.dma_semaphore, #tpu.memory_space<semaphore_mem>>)
    %mul3A_151 = arith.constant 640 : i32
    %mul3A_152 = arith.muli %arg1, %mul3A_151 : i32
    %add3A_153 = arith.constant 360 : i32
    %add3A_154 = arith.addi %mul3A_152, %add3A_153 : i32
    %dma_start3A_155 = arith.constant 0 : i32
    %dma_start3A_156 = arith.constant 0 : i32
    %dma_start3A_157 = tpu.memref_slice %arg9[%dma_start3A_155, %dma_start3A_156] : memref<50x128xf32, #tpu.memory_space<vmem>> -> memref<40x128xf32, #tpu.memory_space<vmem>>
    %dma_start3A_158 = arith.constant 0 : i32
    %dma_start3A_159 = tpu.memref_slice %arg12[%add3A_154, %dma_start3A_158] : memref<10240x128xf32, #tpu.memory_space<vmem_shared>> -> memref<40x128xf32, #tpu.memory_space<vmem_shared>>
    %dma_start3A_160 = arith.constant 0 : i32
    %dma_start3A_161 = tpu.memref_slice %arg12[%add3A_154, %dma_start3A_160] : memref<10240x128xf32, #tpu.memory_space<vmem_shared>> -> memref<40x128xf32, #tpu.memory_space<vmem_shared>>
    %dma_start3A_162 = arith.constant 0 : i32
    %dma_start3A_163 = arith.constant 0 : i32
    %dma_start3A_164 = tpu.memref_slice %arg9[%dma_start3A_162, %dma_start3A_163] : memref<50x128xf32, #tpu.memory_space<vmem>> -> memref<40x128xf32, #tpu.memory_space<vmem>>
    tpu.enqueue_dma source(%dma_start3A_164 : memref<40x128xf32, #tpu.memory_space<vmem>>) target(%dma_start3A_161 : memref<40x128xf32, #tpu.memory_space<vmem_shared>>) target_semaphore(%arg17 : memref<!tpu.dma_semaphore, #tpu.memory_space<semaphore_mem>>)
    %mul3A_165 = arith.constant 640 : i32
    %mul3A_166 = arith.muli %arg1, %mul3A_165 : i32
    %add3A_167 = arith.constant 400 : i32
    %add3A_168 = arith.addi %mul3A_166, %add3A_167 : i32
    %dma_start3A_169 = arith.constant 0 : i32
    %dma_start3A_170 = arith.constant 0 : i32
    %dma_start3A_171 = tpu.memref_slice %arg9[%dma_start3A_169, %dma_start3A_170] : memref<50x128xf32, #tpu.memory_space<vmem>> -> memref<40x128xf32, #tpu.memory_space<vmem>>
    %dma_start3A_172 = arith.constant 0 : i32
    %dma_start3A_173 = tpu.memref_slice %arg12[%add3A_168, %dma_start3A_172] : memref<10240x128xf32, #tpu.memory_space<vmem_shared>> -> memref<40x128xf32, #tpu.memory_space<vmem_shared>>
    %dma_start3A_174 = arith.constant 0 : i32
    %dma_start3A_175 = tpu.memref_slice %arg12[%add3A_168, %dma_start3A_174] : memref<10240x128xf32, #tpu.memory_space<vmem_shared>> -> memref<40x128xf32, #tpu.memory_space<vmem_shared>>
    %dma_start3A_176 = arith.constant 0 : i32
    %dma_start3A_177 = arith.constant 0 : i32
    %dma_start3A_178 = tpu.memref_slice %arg9[%dma_start3A_176, %dma_start3A_177] : memref<50x128xf32, #tpu.memory_space<vmem>> -> memref<40x128xf32, #tpu.memory_space<vmem>>
    tpu.enqueue_dma source(%dma_start3A_178 : memref<40x128xf32, #tpu.memory_space<vmem>>) target(%dma_start3A_175 : memref<40x128xf32, #tpu.memory_space<vmem_shared>>) target_semaphore(%arg17 : memref<!tpu.dma_semaphore, #tpu.memory_space<semaphore_mem>>)
    %mul3A_179 = arith.constant 640 : i32
    %mul3A_180 = arith.muli %arg1, %mul3A_179 : i32
    %add3A_181 = arith.constant 440 : i32
    %add3A_182 = arith.addi %mul3A_180, %add3A_181 : i32
    %dma_start3A_183 = arith.constant 0 : i32
    %dma_start3A_184 = arith.constant 0 : i32
    %dma_start3A_185 = tpu.memref_slice %arg9[%dma_start3A_183, %dma_start3A_184] : memref<50x128xf32, #tpu.memory_space<vmem>> -> memref<40x128xf32, #tpu.memory_space<vmem>>
    %dma_start3A_186 = arith.constant 0 : i32
    %dma_start3A_187 = tpu.memref_slice %arg12[%add3A_182, %dma_start3A_186] : memref<10240x128xf32, #tpu.memory_space<vmem_shared>> -> memref<40x128xf32, #tpu.memory_space<vmem_shared>>
    %dma_start3A_188 = arith.constant 0 : i32
    %dma_start3A_189 = tpu.memref_slice %arg12[%add3A_182, %dma_start3A_188] : memref<10240x128xf32, #tpu.memory_space<vmem_shared>> -> memref<40x128xf32, #tpu.memory_space<vmem_shared>>
    %dma_start3A_190 = arith.constant 0 : i32
    %dma_start3A_191 = arith.constant 0 : i32
    %dma_start3A_192 = tpu.memref_slice %arg9[%dma_start3A_190, %dma_start3A_191] : memref<50x128xf32, #tpu.memory_space<vmem>> -> memref<40x128xf32, #tpu.memory_space<vmem>>
    tpu.enqueue_dma source(%dma_start3A_192 : memref<40x128xf32, #tpu.memory_space<vmem>>) target(%dma_start3A_189 : memref<40x128xf32, #tpu.memory_space<vmem_shared>>) target_semaphore(%arg17 : memref<!tpu.dma_semaphore, #tpu.memory_space<semaphore_mem>>)
    %mul3A_193 = arith.constant 640 : i32
    %mul3A_194 = arith.muli %arg1, %mul3A_193 : i32
    %add3A_195 = arith.constant 480 : i32
    %add3A_196 = arith.addi %mul3A_194, %add3A_195 : i32
    %dma_start3A_197 = arith.constant 0 : i32
    %dma_start3A_198 = arith.constant 0 : i32
    %dma_start3A_199 = tpu.memref_slice %arg9[%dma_start3A_197, %dma_start3A_198] : memref<50x128xf32, #tpu.memory_space<vmem>> -> memref<40x128xf32, #tpu.memory_space<vmem>>
    %dma_start3A_200 = arith.constant 0 : i32
    %dma_start3A_201 = tpu.memref_slice %arg12[%add3A_196, %dma_start3A_200] : memref<10240x128xf32, #tpu.memory_space<vmem_shared>> -> memref<40x128xf32, #tpu.memory_space<vmem_shared>>
    %dma_start3A_202 = arith.constant 0 : i32
    %dma_start3A_203 = tpu.memref_slice %arg12[%add3A_196, %dma_start3A_202] : memref<10240x128xf32, #tpu.memory_space<vmem_shared>> -> memref<40x128xf32, #tpu.memory_space<vmem_shared>>
    %dma_start3A_204 = arith.constant 0 : i32
    %dma_start3A_205 = arith.constant 0 : i32
    %dma_start3A_206 = tpu.memref_slice %arg9[%dma_start3A_204, %dma_start3A_205] : memref<50x128xf32, #tpu.memory_space<vmem>> -> memref<40x128xf32, #tpu.memory_space<vmem>>
    tpu.enqueue_dma source(%dma_start3A_206 : memref<40x128xf32, #tpu.memory_space<vmem>>) target(%dma_start3A_203 : memref<40x128xf32, #tpu.memory_space<vmem_shared>>) target_semaphore(%arg17 : memref<!tpu.dma_semaphore, #tpu.memory_space<semaphore_mem>>)
    %mul3A_207 = arith.constant 640 : i32
    %mul3A_208 = arith.muli %arg1, %mul3A_207 : i32
    %add3A_209 = arith.constant 520 : i32
    %add3A_210 = arith.addi %mul3A_208, %add3A_209 : i32
    %dma_start3A_211 = arith.constant 0 : i32
    %dma_start3A_212 = arith.constant 0 : i32
    %dma_start3A_213 = tpu.memref_slice %arg9[%dma_start3A_211, %dma_start3A_212] : memref<50x128xf32, #tpu.memory_space<vmem>> -> memref<40x128xf32, #tpu.memory_space<vmem>>
    %dma_start3A_214 = arith.constant 0 : i32
    %dma_start3A_215 = tpu.memref_slice %arg12[%add3A_210, %dma_start3A_214] : memref<10240x128xf32, #tpu.memory_space<vmem_shared>> -> memref<40x128xf32, #tpu.memory_space<vmem_shared>>
    %dma_start3A_216 = arith.constant 0 : i32
    %dma_start3A_217 = tpu.memref_slice %arg12[%add3A_210, %dma_start3A_216] : memref<10240x128xf32, #tpu.memory_space<vmem_shared>> -> memref<40x128xf32, #tpu.memory_space<vmem_shared>>
    %dma_start3A_218 = arith.constant 0 : i32
    %dma_start3A_219 = arith.constant 0 : i32
    %dma_start3A_220 = tpu.memref_slice %arg9[%dma_start3A_218, %dma_start3A_219] : memref<50x128xf32, #tpu.memory_space<vmem>> -> memref<40x128xf32, #tpu.memory_space<vmem>>
    tpu.enqueue_dma source(%dma_start3A_220 : memref<40x128xf32, #tpu.memory_space<vmem>>) target(%dma_start3A_217 : memref<40x128xf32, #tpu.memory_space<vmem_shared>>) target_semaphore(%arg17 : memref<!tpu.dma_semaphore, #tpu.memory_space<semaphore_mem>>)
    %mul3A_221 = arith.constant 640 : i32
    %mul3A_222 = arith.muli %arg1, %mul3A_221 : i32
    %add3A_223 = arith.constant 560 : i32
    %add3A_224 = arith.addi %mul3A_222, %add3A_223 : i32
    %dma_start3A_225 = arith.constant 0 : i32
    %dma_start3A_226 = arith.constant 0 : i32
    %dma_start3A_227 = tpu.memref_slice %arg9[%dma_start3A_225, %dma_start3A_226] : memref<50x128xf32, #tpu.memory_space<vmem>> -> memref<40x128xf32, #tpu.memory_space<vmem>>
    %dma_start3A_228 = arith.constant 0 : i32
    %dma_start3A_229 = tpu.memref_slice %arg12[%add3A_224, %dma_start3A_228] : memref<10240x128xf32, #tpu.memory_space<vmem_shared>> -> memref<40x128xf32, #tpu.memory_space<vmem_shared>>
    %dma_start3A_230 = arith.constant 0 : i32
    %dma_start3A_231 = tpu.memref_slice %arg12[%add3A_224, %dma_start3A_230] : memref<10240x128xf32, #tpu.memory_space<vmem_shared>> -> memref<40x128xf32, #tpu.memory_space<vmem_shared>>
    %dma_start3A_232 = arith.constant 0 : i32
    %dma_start3A_233 = arith.constant 0 : i32
    %dma_start3A_234 = tpu.memref_slice %arg9[%dma_start3A_232, %dma_start3A_233] : memref<50x128xf32, #tpu.memory_space<vmem>> -> memref<40x128xf32, #tpu.memory_space<vmem>>
    tpu.enqueue_dma source(%dma_start3A_234 : memref<40x128xf32, #tpu.memory_space<vmem>>) target(%dma_start3A_231 : memref<40x128xf32, #tpu.memory_space<vmem_shared>>) target_semaphore(%arg17 : memref<!tpu.dma_semaphore, #tpu.memory_space<semaphore_mem>>)
    %mul3A_235 = arith.constant 640 : i32
    %mul3A_236 = arith.muli %arg1, %mul3A_235 : i32
    %add3A_237 = arith.constant 600 : i32
    %add3A_238 = arith.addi %mul3A_236, %add3A_237 : i32
    %dma_start3A_239 = arith.constant 0 : i32
    %dma_start3A_240 = arith.constant 0 : i32
    %dma_start3A_241 = tpu.memref_slice %arg9[%dma_start3A_239, %dma_start3A_240] : memref<50x128xf32, #tpu.memory_space<vmem>> -> memref<40x128xf32, #tpu.memory_space<vmem>>
    %dma_start3A_242 = arith.constant 0 : i32
    %dma_start3A_243 = tpu.memref_slice %arg12[%add3A_238, %dma_start3A_242] : memref<10240x128xf32, #tpu.memory_space<vmem_shared>> -> memref<40x128xf32, #tpu.memory_space<vmem_shared>>
    %dma_start3A_244 = arith.constant 0 : i32
    %dma_start3A_245 = tpu.memref_slice %arg12[%add3A_238, %dma_start3A_244] : memref<10240x128xf32, #tpu.memory_space<vmem_shared>> -> memref<40x128xf32, #tpu.memory_space<vmem_shared>>
    %dma_start3A_246 = arith.constant 0 : i32
    %dma_start3A_247 = arith.constant 0 : i32
    %dma_start3A_248 = tpu.memref_slice %arg9[%dma_start3A_246, %dma_start3A_247] : memref<50x128xf32, #tpu.memory_space<vmem>> -> memref<40x128xf32, #tpu.memory_space<vmem>>
    tpu.enqueue_dma source(%dma_start3A_248 : memref<40x128xf32, #tpu.memory_space<vmem>>) target(%dma_start3A_245 : memref<40x128xf32, #tpu.memory_space<vmem_shared>>) target_semaphore(%arg17 : memref<!tpu.dma_semaphore, #tpu.memory_space<semaphore_mem>>)
    %dma_wait3A = arith.constant 0 : i32
    %dma_wait3A_249 = arith.constant 0 : i32
    %dma_wait3A_250 = tpu.memref_slice %arg9[%dma_wait3A, %dma_wait3A_249] : memref<50x128xf32, #tpu.memory_space<vmem>> -> memref<40x128xf32, #tpu.memory_space<vmem>>
    %dma_wait3A_251 = arith.constant 0 : i32
    %dma_wait3A_252 = arith.constant 0 : i32
    %dma_wait3A_253 = tpu.memref_slice %arg12[%dma_wait3A_251, %dma_wait3A_252] : memref<10240x128xf32, #tpu.memory_space<vmem_shared>> -> memref<40x128xf32, #tpu.memory_space<vmem_shared>>
    %dma_wait3A_254 = arith.constant 0 : i32
    %dma_wait3A_255 = arith.constant 0 : i32
    %dma_wait3A_256 = tpu.memref_slice %arg12[%dma_wait3A_254, %dma_wait3A_255] : memref<10240x128xf32, #tpu.memory_space<vmem_shared>> -> memref<40x128xf32, #tpu.memory_space<vmem_shared>>
    %dma_wait3A_257 = arith.constant 0 : i32
    %dma_wait3A_258 = arith.constant 0 : i32
    %dma_wait3A_259 = tpu.memref_slice %arg9[%dma_wait3A_257, %dma_wait3A_258] : memref<50x128xf32, #tpu.memory_space<vmem>> -> memref<40x128xf32, #tpu.memory_space<vmem>>
    tpu.wait_dma2 semaphore(%arg17 : memref<!tpu.dma_semaphore, #tpu.memory_space<semaphore_mem>>) src(%dma_wait3A_259 : memref<40x128xf32, #tpu.memory_space<vmem>>) dst(%dma_wait3A_256 : memref<40x128xf32, #tpu.memory_space<vmem_shared>>)
    %dma_wait3A_260 = arith.constant 0 : i32
    %dma_wait3A_261 = arith.constant 0 : i32
    %dma_wait3A_262 = tpu.memref_slice %arg9[%dma_wait3A_260, %dma_wait3A_261] : memref<50x128xf32, #tpu.memory_space<vmem>> -> memref<40x128xf32, #tpu.memory_space<vmem>>
    %dma_wait3A_263 = arith.constant 0 : i32
    %dma_wait3A_264 = arith.constant 0 : i32
    %dma_wait3A_265 = tpu.memref_slice %arg12[%dma_wait3A_263, %dma_wait3A_264] : memref<10240x128xf32, #tpu.memory_space<vmem_shared>> -> memref<40x128xf32, #tpu.memory_space<vmem_shared>>
    %dma_wait3A_266 = arith.constant 0 : i32
    %dma_wait3A_267 = arith.constant 0 : i32
    %dma_wait3A_268 = tpu.memref_slice %arg12[%dma_wait3A_266, %dma_wait3A_267] : memref<10240x128xf32, #tpu.memory_space<vmem_shared>> -> memref<40x128xf32, #tpu.memory_space<vmem_shared>>
    %dma_wait3A_269 = arith.constant 0 : i32
    %dma_wait3A_270 = arith.constant 0 : i32
    %dma_wait3A_271 = tpu.memref_slice %arg9[%dma_wait3A_269, %dma_wait3A_270] : memref<50x128xf32, #tpu.memory_space<vmem>> -> memref<40x128xf32, #tpu.memory_space<vmem>>
    tpu.wait_dma2 semaphore(%arg17 : memref<!tpu.dma_semaphore, #tpu.memory_space<semaphore_mem>>) src(%dma_wait3A_271 : memref<40x128xf32, #tpu.memory_space<vmem>>) dst(%dma_wait3A_268 : memref<40x128xf32, #tpu.memory_space<vmem_shared>>)
    %dma_wait3A_272 = arith.constant 0 : i32
    %dma_wait3A_273 = arith.constant 0 : i32
    %dma_wait3A_274 = tpu.memref_slice %arg9[%dma_wait3A_272, %dma_wait3A_273] : memref<50x128xf32, #tpu.memory_space<vmem>> -> memref<40x128xf32, #tpu.memory_space<vmem>>
    %dma_wait3A_275 = arith.constant 0 : i32
    %dma_wait3A_276 = arith.constant 0 : i32
    %dma_wait3A_277 = tpu.memref_slice %arg12[%dma_wait3A_275, %dma_wait3A_276] : memref<10240x128xf32, #tpu.memory_space<vmem_shared>> -> memref<40x128xf32, #tpu.memory_space<vmem_shared>>
    %dma_wait3A_278 = arith.constant 0 : i32
    %dma_wait3A_279 = arith.constant 0 : i32
    %dma_wait3A_280 = tpu.memref_slice %arg12[%dma_wait3A_278, %dma_wait3A_279] : memref<10240x128xf32, #tpu.memory_space<vmem_shared>> -> memref<40x128xf32, #tpu.memory_space<vmem_shared>>
    %dma_wait3A_281 = arith.constant 0 : i32
    %dma_wait3A_282 = arith.constant 0 : i32
    %dma_wait3A_283 = tpu.memref_slice %arg9[%dma_wait3A_281, %dma_wait3A_282] : memref<50x128xf32, #tpu.memory_space<vmem>> -> memref<40x128xf32, #tpu.memory_space<vmem>>
    tpu.wait_dma2 semaphore(%arg17 : memref<!tpu.dma_semaphore, #tpu.memory_space<semaphore_mem>>) src(%dma_wait3A_283 : memref<40x128xf32, #tpu.memory_space<vmem>>) dst(%dma_wait3A_280 : memref<40x128xf32, #tpu.memory_space<vmem_shared>>)
    %dma_wait3A_284 = arith.constant 0 : i32
    %dma_wait3A_285 = arith.constant 0 : i32
    %dma_wait3A_286 = tpu.memref_slice %arg9[%dma_wait3A_284, %dma_wait3A_285] : memref<50x128xf32, #tpu.memory_space<vmem>> -> memref<40x128xf32, #tpu.memory_space<vmem>>
    %dma_wait3A_287 = arith.constant 0 : i32
    %dma_wait3A_288 = arith.constant 0 : i32
    %dma_wait3A_289 = tpu.memref_slice %arg12[%dma_wait3A_287, %dma_wait3A_288] : memref<10240x128xf32, #tpu.memory_space<vmem_shared>> -> memref<40x128xf32, #tpu.memory_space<vmem_shared>>
    %dma_wait3A_290 = arith.constant 0 : i32
    %dma_wait3A_291 = arith.constant 0 : i32
    %dma_wait3A_292 = tpu.memref_slice %arg12[%dma_wait3A_290, %dma_wait3A_291] : memref<10240x128xf32, #tpu.memory_space<vmem_shared>> -> memref<40x128xf32, #tpu.memory_space<vmem_shared>>
    %dma_wait3A_293 = arith.constant 0 : i32
    %dma_wait3A_294 = arith.constant 0 : i32
    %dma_wait3A_295 = tpu.memref_slice %arg9[%dma_wait3A_293, %dma_wait3A_294] : memref<50x128xf32, #tpu.memory_space<vmem>> -> memref<40x128xf32, #tpu.memory_space<vmem>>
    tpu.wait_dma2 semaphore(%arg17 : memref<!tpu.dma_semaphore, #tpu.memory_space<semaphore_mem>>) src(%dma_wait3A_295 : memref<40x128xf32, #tpu.memory_space<vmem>>) dst(%dma_wait3A_292 : memref<40x128xf32, #tpu.memory_space<vmem_shared>>)
    %dma_wait3A_296 = arith.constant 0 : i32
    %dma_wait3A_297 = arith.constant 0 : i32
    %dma_wait3A_298 = tpu.memref_slice %arg9[%dma_wait3A_296, %dma_wait3A_297] : memref<50x128xf32, #tpu.memory_space<vmem>> -> memref<40x128xf32, #tpu.memory_space<vmem>>
    %dma_wait3A_299 = arith.constant 0 : i32
    %dma_wait3A_300 = arith.constant 0 : i32
    %dma_wait3A_301 = tpu.memref_slice %arg12[%dma_wait3A_299, %dma_wait3A_300] : memref<10240x128xf32, #tpu.memory_space<vmem_shared>> -> memref<40x128xf32, #tpu.memory_space<vmem_shared>>
    %dma_wait3A_302 = arith.constant 0 : i32
    %dma_wait3A_303 = arith.constant 0 : i32
    %dma_wait3A_304 = tpu.memref_slice %arg12[%dma_wait3A_302, %dma_wait3A_303] : memref<10240x128xf32, #tpu.memory_space<vmem_shared>> -> memref<40x128xf32, #tpu.memory_space<vmem_shared>>
    %dma_wait3A_305 = arith.constant 0 : i32
    %dma_wait3A_306 = arith.constant 0 : i32
    %dma_wait3A_307 = tpu.memref_slice %arg9[%dma_wait3A_305, %dma_wait3A_306] : memref<50x128xf32, #tpu.memory_space<vmem>> -> memref<40x128xf32, #tpu.memory_space<vmem>>
    tpu.wait_dma2 semaphore(%arg17 : memref<!tpu.dma_semaphore, #tpu.memory_space<semaphore_mem>>) src(%dma_wait3A_307 : memref<40x128xf32, #tpu.memory_space<vmem>>) dst(%dma_wait3A_304 : memref<40x128xf32, #tpu.memory_space<vmem_shared>>)
    %dma_wait3A_308 = arith.constant 0 : i32
    %dma_wait3A_309 = arith.constant 0 : i32
    %dma_wait3A_310 = tpu.memref_slice %arg9[%dma_wait3A_308, %dma_wait3A_309] : memref<50x128xf32, #tpu.memory_space<vmem>> -> memref<40x128xf32, #tpu.memory_space<vmem>>
    %dma_wait3A_311 = arith.constant 0 : i32
    %dma_wait3A_312 = arith.constant 0 : i32
    %dma_wait3A_313 = tpu.memref_slice %arg12[%dma_wait3A_311, %dma_wait3A_312] : memref<10240x128xf32, #tpu.memory_space<vmem_shared>> -> memref<40x128xf32, #tpu.memory_space<vmem_shared>>
    %dma_wait3A_314 = arith.constant 0 : i32
    %dma_wait3A_315 = arith.constant 0 : i32
    %dma_wait3A_316 = tpu.memref_slice %arg12[%dma_wait3A_314, %dma_wait3A_315] : memref<10240x128xf32, #tpu.memory_space<vmem_shared>> -> memref<40x128xf32, #tpu.memory_space<vmem_shared>>
    %dma_wait3A_317 = arith.constant 0 : i32
    %dma_wait3A_318 = arith.constant 0 : i32
    %dma_wait3A_319 = tpu.memref_slice %arg9[%dma_wait3A_317, %dma_wait3A_318] : memref<50x128xf32, #tpu.memory_space<vmem>> -> memref<40x128xf32, #tpu.memory_space<vmem>>
    tpu.wait_dma2 semaphore(%arg17 : memref<!tpu.dma_semaphore, #tpu.memory_space<semaphore_mem>>) src(%dma_wait3A_319 : memref<40x128xf32, #tpu.memory_space<vmem>>) dst(%dma_wait3A_316 : memref<40x128xf32, #tpu.memory_space<vmem_shared>>)
    %dma_wait3A_320 = arith.constant 0 : i32
    %dma_wait3A_321 = arith.constant 0 : i32
    %dma_wait3A_322 = tpu.memref_slice %arg9[%dma_wait3A_320, %dma_wait3A_321] : memref<50x128xf32, #tpu.memory_space<vmem>> -> memref<40x128xf32, #tpu.memory_space<vmem>>
    %dma_wait3A_323 = arith.constant 0 : i32
    %dma_wait3A_324 = arith.constant 0 : i32
    %dma_wait3A_325 = tpu.memref_slice %arg12[%dma_wait3A_323, %dma_wait3A_324] : memref<10240x128xf32, #tpu.memory_space<vmem_shared>> -> memref<40x128xf32, #tpu.memory_space<vmem_shared>>
    %dma_wait3A_326 = arith.constant 0 : i32
    %dma_wait3A_327 = arith.constant 0 : i32
    %dma_wait3A_328 = tpu.memref_slice %arg12[%dma_wait3A_326, %dma_wait3A_327] : memref<10240x128xf32, #tpu.memory_space<vmem_shared>> -> memref<40x128xf32, #tpu.memory_space<vmem_shared>>
    %dma_wait3A_329 = arith.constant 0 : i32
    %dma_wait3A_330 = arith.constant 0 : i32
    %dma_wait3A_331 = tpu.memref_slice %arg9[%dma_wait3A_329, %dma_wait3A_330] : memref<50x128xf32, #tpu.memory_space<vmem>> -> memref<40x128xf32, #tpu.memory_space<vmem>>
    tpu.wait_dma2 semaphore(%arg17 : memref<!tpu.dma_semaphore, #tpu.memory_space<semaphore_mem>>) src(%dma_wait3A_331 : memref<40x128xf32, #tpu.memory_space<vmem>>) dst(%dma_wait3A_328 : memref<40x128xf32, #tpu.memory_space<vmem_shared>>)
    %dma_wait3A_332 = arith.constant 0 : i32
    %dma_wait3A_333 = arith.constant 0 : i32
    %dma_wait3A_334 = tpu.memref_slice %arg9[%dma_wait3A_332, %dma_wait3A_333] : memref<50x128xf32, #tpu.memory_space<vmem>> -> memref<40x128xf32, #tpu.memory_space<vmem>>
    %dma_wait3A_335 = arith.constant 0 : i32
    %dma_wait3A_336 = arith.constant 0 : i32
    %dma_wait3A_337 = tpu.memref_slice %arg12[%dma_wait3A_335, %dma_wait3A_336] : memref<10240x128xf32, #tpu.memory_space<vmem_shared>> -> memref<40x128xf32, #tpu.memory_space<vmem_shared>>
    %dma_wait3A_338 = arith.constant 0 : i32
    %dma_wait3A_339 = arith.constant 0 : i32
    %dma_wait3A_340 = tpu.memref_slice %arg12[%dma_wait3A_338, %dma_wait3A_339] : memref<10240x128xf32, #tpu.memory_space<vmem_shared>> -> memref<40x128xf32, #tpu.memory_space<vmem_shared>>
    %dma_wait3A_341 = arith.constant 0 : i32
    %dma_wait3A_342 = arith.constant 0 : i32
    %dma_wait3A_343 = tpu.memref_slice %arg9[%dma_wait3A_341, %dma_wait3A_342] : memref<50x128xf32, #tpu.memory_space<vmem>> -> memref<40x128xf32, #tpu.memory_space<vmem>>
    tpu.wait_dma2 semaphore(%arg17 : memref<!tpu.dma_semaphore, #tpu.memory_space<semaphore_mem>>) src(%dma_wait3A_343 : memref<40x128xf32, #tpu.memory_space<vmem>>) dst(%dma_wait3A_340 : memref<40x128xf32, #tpu.memory_space<vmem_shared>>)
    %dma_wait3A_344 = arith.constant 0 : i32
    %dma_wait3A_345 = arith.constant 0 : i32
    %dma_wait3A_346 = tpu.memref_slice %arg9[%dma_wait3A_344, %dma_wait3A_345] : memref<50x128xf32, #tpu.memory_space<vmem>> -> memref<40x128xf32, #tpu.memory_space<vmem>>
    %dma_wait3A_347 = arith.constant 0 : i32
    %dma_wait3A_348 = arith.constant 0 : i32
    %dma_wait3A_349 = tpu.memref_slice %arg12[%dma_wait3A_347, %dma_wait3A_348] : memref<10240x128xf32, #tpu.memory_space<vmem_shared>> -> memref<40x128xf32, #tpu.memory_space<vmem_shared>>
    %dma_wait3A_350 = arith.constant 0 : i32
    %dma_wait3A_351 = arith.constant 0 : i32
    %dma_wait3A_352 = tpu.memref_slice %arg12[%dma_wait3A_350, %dma_wait3A_351] : memref<10240x128xf32, #tpu.memory_space<vmem_shared>> -> memref<40x128xf32, #tpu.memory_space<vmem_shared>>
    %dma_wait3A_353 = arith.constant 0 : i32
    %dma_wait3A_354 = arith.constant 0 : i32
    %dma_wait3A_355 = tpu.memref_slice %arg9[%dma_wait3A_353, %dma_wait3A_354] : memref<50x128xf32, #tpu.memory_space<vmem>> -> memref<40x128xf32, #tpu.memory_space<vmem>>
    tpu.wait_dma2 semaphore(%arg17 : memref<!tpu.dma_semaphore, #tpu.memory_space<semaphore_mem>>) src(%dma_wait3A_355 : memref<40x128xf32, #tpu.memory_space<vmem>>) dst(%dma_wait3A_352 : memref<40x128xf32, #tpu.memory_space<vmem_shared>>)
    %dma_wait3A_356 = arith.constant 0 : i32
    %dma_wait3A_357 = arith.constant 0 : i32
    %dma_wait3A_358 = tpu.memref_slice %arg9[%dma_wait3A_356, %dma_wait3A_357] : memref<50x128xf32, #tpu.memory_space<vmem>> -> memref<40x128xf32, #tpu.memory_space<vmem>>
    %dma_wait3A_359 = arith.constant 0 : i32
    %dma_wait3A_360 = arith.constant 0 : i32
    %dma_wait3A_361 = tpu.memref_slice %arg12[%dma_wait3A_359, %dma_wait3A_360] : memref<10240x128xf32, #tpu.memory_space<vmem_shared>> -> memref<40x128xf32, #tpu.memory_space<vmem_shared>>
    %dma_wait3A_362 = arith.constant 0 : i32
    %dma_wait3A_363 = arith.constant 0 : i32
    %dma_wait3A_364 = tpu.memref_slice %arg12[%dma_wait3A_362, %dma_wait3A_363] : memref<10240x128xf32, #tpu.memory_space<vmem_shared>> -> memref<40x128xf32, #tpu.memory_space<vmem_shared>>
    %dma_wait3A_365 = arith.constant 0 : i32
    %dma_wait3A_366 = arith.constant 0 : i32
    %dma_wait3A_367 = tpu.memref_slice %arg9[%dma_wait3A_365, %dma_wait3A_366] : memref<50x128xf32, #tpu.memory_space<vmem>> -> memref<40x128xf32, #tpu.memory_space<vmem>>
    tpu.wait_dma2 semaphore(%arg17 : memref<!tpu.dma_semaphore, #tpu.memory_space<semaphore_mem>>) src(%dma_wait3A_367 : memref<40x128xf32, #tpu.memory_space<vmem>>) dst(%dma_wait3A_364 : memref<40x128xf32, #tpu.memory_space<vmem_shared>>)
    %dma_wait3A_368 = arith.constant 0 : i32
    %dma_wait3A_369 = arith.constant 0 : i32
    %dma_wait3A_370 = tpu.memref_slice %arg9[%dma_wait3A_368, %dma_wait3A_369] : memref<50x128xf32, #tpu.memory_space<vmem>> -> memref<40x128xf32, #tpu.memory_space<vmem>>
    %dma_wait3A_371 = arith.constant 0 : i32
    %dma_wait3A_372 = arith.constant 0 : i32
    %dma_wait3A_373 = tpu.memref_slice %arg12[%dma_wait3A_371, %dma_wait3A_372] : memref<10240x128xf32, #tpu.memory_space<vmem_shared>> -> memref<40x128xf32, #tpu.memory_space<vmem_shared>>
    %dma_wait3A_374 = arith.constant 0 : i32
    %dma_wait3A_375 = arith.constant 0 : i32
    %dma_wait3A_376 = tpu.memref_slice %arg12[%dma_wait3A_374, %dma_wait3A_375] : memref<10240x128xf32, #tpu.memory_space<vmem_shared>> -> memref<40x128xf32, #tpu.memory_space<vmem_shared>>
    %dma_wait3A_377 = arith.constant 0 : i32
    %dma_wait3A_378 = arith.constant 0 : i32
    %dma_wait3A_379 = tpu.memref_slice %arg9[%dma_wait3A_377, %dma_wait3A_378] : memref<50x128xf32, #tpu.memory_space<vmem>> -> memref<40x128xf32, #tpu.memory_space<vmem>>
    tpu.wait_dma2 semaphore(%arg17 : memref<!tpu.dma_semaphore, #tpu.memory_space<semaphore_mem>>) src(%dma_wait3A_379 : memref<40x128xf32, #tpu.memory_space<vmem>>) dst(%dma_wait3A_376 : memref<40x128xf32, #tpu.memory_space<vmem_shared>>)
    %dma_wait3A_380 = arith.constant 0 : i32
    %dma_wait3A_381 = arith.constant 0 : i32
    %dma_wait3A_382 = tpu.memref_slice %arg9[%dma_wait3A_380, %dma_wait3A_381] : memref<50x128xf32, #tpu.memory_space<vmem>> -> memref<40x128xf32, #tpu.memory_space<vmem>>
    %dma_wait3A_383 = arith.constant 0 : i32
    %dma_wait3A_384 = arith.constant 0 : i32
    %dma_wait3A_385 = tpu.memref_slice %arg12[%dma_wait3A_383, %dma_wait3A_384] : memref<10240x128xf32, #tpu.memory_space<vmem_shared>> -> memref<40x128xf32, #tpu.memory_space<vmem_shared>>
    %dma_wait3A_386 = arith.constant 0 : i32
    %dma_wait3A_387 = arith.constant 0 : i32
    %dma_wait3A_388 = tpu.memref_slice %arg12[%dma_wait3A_386, %dma_wait3A_387] : memref<10240x128xf32, #tpu.memory_space<vmem_shared>> -> memref<40x128xf32, #tpu.memory_space<vmem_shared>>
    %dma_wait3A_389 = arith.constant 0 : i32
    %dma_wait3A_390 = arith.constant 0 : i32
    %dma_wait3A_391 = tpu.memref_slice %arg9[%dma_wait3A_389, %dma_wait3A_390] : memref<50x128xf32, #tpu.memory_space<vmem>> -> memref<40x128xf32, #tpu.memory_space<vmem>>
    tpu.wait_dma2 semaphore(%arg17 : memref<!tpu.dma_semaphore, #tpu.memory_space<semaphore_mem>>) src(%dma_wait3A_391 : memref<40x128xf32, #tpu.memory_space<vmem>>) dst(%dma_wait3A_388 : memref<40x128xf32, #tpu.memory_space<vmem_shared>>)
    %dma_wait3A_392 = arith.constant 0 : i32
    %dma_wait3A_393 = arith.constant 0 : i32
    %dma_wait3A_394 = tpu.memref_slice %arg9[%dma_wait3A_392, %dma_wait3A_393] : memref<50x128xf32, #tpu.memory_space<vmem>> -> memref<40x128xf32, #tpu.memory_space<vmem>>
    %dma_wait3A_395 = arith.constant 0 : i32
    %dma_wait3A_396 = arith.constant 0 : i32
    %dma_wait3A_397 = tpu.memref_slice %arg12[%dma_wait3A_395, %dma_wait3A_396] : memref<10240x128xf32, #tpu.memory_space<vmem_shared>> -> memref<40x128xf32, #tpu.memory_space<vmem_shared>>
    %dma_wait3A_398 = arith.constant 0 : i32
    %dma_wait3A_399 = arith.constant 0 : i32
    %dma_wait3A_400 = tpu.memref_slice %arg12[%dma_wait3A_398, %dma_wait3A_399] : memref<10240x128xf32, #tpu.memory_space<vmem_shared>> -> memref<40x128xf32, #tpu.memory_space<vmem_shared>>
    %dma_wait3A_401 = arith.constant 0 : i32
    %dma_wait3A_402 = arith.constant 0 : i32
    %dma_wait3A_403 = tpu.memref_slice %arg9[%dma_wait3A_401, %dma_wait3A_402] : memref<50x128xf32, #tpu.memory_space<vmem>> -> memref<40x128xf32, #tpu.memory_space<vmem>>
    tpu.wait_dma2 semaphore(%arg17 : memref<!tpu.dma_semaphore, #tpu.memory_space<semaphore_mem>>) src(%dma_wait3A_403 : memref<40x128xf32, #tpu.memory_space<vmem>>) dst(%dma_wait3A_400 : memref<40x128xf32, #tpu.memory_space<vmem_shared>>)
    %dma_wait3A_404 = arith.constant 0 : i32
    %dma_wait3A_405 = arith.constant 0 : i32
    %dma_wait3A_406 = tpu.memref_slice %arg9[%dma_wait3A_404, %dma_wait3A_405] : memref<50x128xf32, #tpu.memory_space<vmem>> -> memref<40x128xf32, #tpu.memory_space<vmem>>
    %dma_wait3A_407 = arith.constant 0 : i32
    %dma_wait3A_408 = arith.constant 0 : i32
    %dma_wait3A_409 = tpu.memref_slice %arg12[%dma_wait3A_407, %dma_wait3A_408] : memref<10240x128xf32, #tpu.memory_space<vmem_shared>> -> memref<40x128xf32, #tpu.memory_space<vmem_shared>>
    %dma_wait3A_410 = arith.constant 0 : i32
    %dma_wait3A_411 = arith.constant 0 : i32
    %dma_wait3A_412 = tpu.memref_slice %arg12[%dma_wait3A_410, %dma_wait3A_411] : memref<10240x128xf32, #tpu.memory_space<vmem_shared>> -> memref<40x128xf32, #tpu.memory_space<vmem_shared>>
    %dma_wait3A_413 = arith.constant 0 : i32
    %dma_wait3A_414 = arith.constant 0 : i32
    %dma_wait3A_415 = tpu.memref_slice %arg9[%dma_wait3A_413, %dma_wait3A_414] : memref<50x128xf32, #tpu.memory_space<vmem>> -> memref<40x128xf32, #tpu.memory_space<vmem>>
    tpu.wait_dma2 semaphore(%arg17 : memref<!tpu.dma_semaphore, #tpu.memory_space<semaphore_mem>>) src(%dma_wait3A_415 : memref<40x128xf32, #tpu.memory_space<vmem>>) dst(%dma_wait3A_412 : memref<40x128xf32, #tpu.memory_space<vmem_shared>>)
    %dma_wait3A_416 = arith.constant 0 : i32
    %dma_wait3A_417 = arith.constant 0 : i32
    %dma_wait3A_418 = tpu.memref_slice %arg9[%dma_wait3A_416, %dma_wait3A_417] : memref<50x128xf32, #tpu.memory_space<vmem>> -> memref<40x128xf32, #tpu.memory_space<vmem>>
    %dma_wait3A_419 = arith.constant 0 : i32
    %dma_wait3A_420 = arith.constant 0 : i32
    %dma_wait3A_421 = tpu.memref_slice %arg12[%dma_wait3A_419, %dma_wait3A_420] : memref<10240x128xf32, #tpu.memory_space<vmem_shared>> -> memref<40x128xf32, #tpu.memory_space<vmem_shared>>
    %dma_wait3A_422 = arith.constant 0 : i32
    %dma_wait3A_423 = arith.constant 0 : i32
    %dma_wait3A_424 = tpu.memref_slice %arg12[%dma_wait3A_422, %dma_wait3A_423] : memref<10240x128xf32, #tpu.memory_space<vmem_shared>> -> memref<40x128xf32, #tpu.memory_space<vmem_shared>>
    %dma_wait3A_425 = arith.constant 0 : i32
    %dma_wait3A_426 = arith.constant 0 : i32
    %dma_wait3A_427 = tpu.memref_slice %arg9[%dma_wait3A_425, %dma_wait3A_426] : memref<50x128xf32, #tpu.memory_space<vmem>> -> memref<40x128xf32, #tpu.memory_space<vmem>>
    tpu.wait_dma2 semaphore(%arg17 : memref<!tpu.dma_semaphore, #tpu.memory_space<semaphore_mem>>) src(%dma_wait3A_427 : memref<40x128xf32, #tpu.memory_space<vmem>>) dst(%dma_wait3A_424 : memref<40x128xf32, #tpu.memory_space<vmem_shared>>)
    %dma_wait3A_428 = arith.constant 0 : i32
    %dma_wait3A_429 = arith.constant 0 : i32
    %dma_wait3A_430 = tpu.memref_slice %arg9[%dma_wait3A_428, %dma_wait3A_429] : memref<50x128xf32, #tpu.memory_space<vmem>> -> memref<40x128xf32, #tpu.memory_space<vmem>>
    %dma_wait3A_431 = arith.constant 0 : i32
    %dma_wait3A_432 = arith.constant 0 : i32
    %dma_wait3A_433 = tpu.memref_slice %arg12[%dma_wait3A_431, %dma_wait3A_432] : memref<10240x128xf32, #tpu.memory_space<vmem_shared>> -> memref<40x128xf32, #tpu.memory_space<vmem_shared>>
    %dma_wait3A_434 = arith.constant 0 : i32
    %dma_wait3A_435 = arith.constant 0 : i32
    %dma_wait3A_436 = tpu.memref_slice %arg12[%dma_wait3A_434, %dma_wait3A_435] : memref<10240x128xf32, #tpu.memory_space<vmem_shared>> -> memref<40x128xf32, #tpu.memory_space<vmem_shared>>
    %dma_wait3A_437 = arith.constant 0 : i32
    %dma_wait3A_438 = arith.constant 0 : i32
    %dma_wait3A_439 = tpu.memref_slice %arg9[%dma_wait3A_437, %dma_wait3A_438] : memref<50x128xf32, #tpu.memory_space<vmem>> -> memref<40x128xf32, #tpu.memory_space<vmem>>
    tpu.wait_dma2 semaphore(%arg17 : memref<!tpu.dma_semaphore, #tpu.memory_space<semaphore_mem>>) src(%dma_wait3A_439 : memref<40x128xf32, #tpu.memory_space<vmem>>) dst(%dma_wait3A_436 : memref<40x128xf32, #tpu.memory_space<vmem_shared>>)
    %barrier3A = arith.constant 0 : index
    tpu.barrier barrier_id(%barrier3A)
    %scan3A_440 = arith.constant 0 : i32
    %scan3A_441 = arith.constant 8 : i32
    %scan3A_442 = arith.addi %scan3A_440, %scan3A_441 : i32
    %scan3A_443 = arith.constant 1 : i32
    scf.for %scan3A_452 = %scan3A_440 to %scan3A_442 step %scan3A_443  : i32 {
      %mul3A_453 = arith.constant 1 : i32
      %mul3A_454 = arith.muli %scan3A_452, %mul3A_453 : i32
      %add3A_455 = arith.constant 0 : i32
      %add3A_456 = arith.addi %add3A_455, %mul3A_454 : i32
      %gt3A = arith.constant 0 : i32
      %gt3A_457 = arith.cmpi sgt, %add3A_456, %gt3A : i32
      %convert_element_type3A_458 = arith.extui %gt3A_457 : i1 to i32
      %cond3A_459 = arith.constant 0 : i32
      %cond3A_460 = arith.cmpi ne, %convert_element_type3A_458, %cond3A_459 : i32
      scf.if %cond3A_460 {
        %run_scoped3A_725 = arith.constant 0 : i32
        "tpu.region"() ({
          %run_scoped3A_748 = tpu.sem_alloc : memref<!tpu.dma_semaphore, #tpu.memory_space<semaphore_mem>>
          %dma_start3A_749 = arith.constant 0 : i32
          %dma_start3A_750 = arith.constant 0 : i32
          %dma_start3A_751 = tpu.memref_slice %arg3[%run_scoped3A_725, %arg0, %arg1, %add3A_456, %dma_start3A_749, %dma_start3A_750] : memref<2x2x16x8x25x50xi32, #tpu.memory_space<hbm>> -> memref<1x1x1x1x25x50xi32, #tpu.memory_space<hbm>>
          %dma_start3A_752 = tpu.memref_squeeze %dma_start3A_751 : memref<1x1x1x1x25x50xi32, #tpu.memory_space<hbm>> -> memref<25x50xi32, #tpu.memory_space<hbm>>
          %dma_start3A_753 = arith.constant 0 : i32
          %dma_start3A_754 = arith.constant 0 : i32
          %dma_start3A_755 = tpu.memref_slice %arg3[%run_scoped3A_725, %arg0, %arg1, %add3A_456, %dma_start3A_753, %dma_start3A_754] : memref<2x2x16x8x25x50xi32, #tpu.memory_space<hbm>> -> memref<1x1x1x1x25x50xi32, #tpu.memory_space<hbm>>
          %dma_start3A_756 = tpu.memref_squeeze %dma_start3A_755 : memref<1x1x1x1x25x50xi32, #tpu.memory_space<hbm>> -> memref<25x50xi32, #tpu.memory_space<hbm>>
          tpu.enqueue_dma source(%dma_start3A_756 : memref<25x50xi32, #tpu.memory_space<hbm>>) target(%arg10 : memref<25x50xi32, #tpu.memory_space<vmem>>) target_semaphore(%run_scoped3A_748 : memref<!tpu.dma_semaphore, #tpu.memory_space<semaphore_mem>>)
          %dma_wait3A_757 = arith.constant 0 : i32
          %dma_wait3A_758 = arith.constant 0 : i32
          %dma_wait3A_759 = tpu.memref_slice %arg3[%run_scoped3A_725, %arg0, %arg1, %add3A_456, %dma_wait3A_757, %dma_wait3A_758] : memref<2x2x16x8x25x50xi32, #tpu.memory_space<hbm>> -> memref<1x1x1x1x25x50xi32, #tpu.memory_space<hbm>>
          %dma_wait3A_760 = tpu.memref_squeeze %dma_wait3A_759 : memref<1x1x1x1x25x50xi32, #tpu.memory_space<hbm>> -> memref<25x50xi32, #tpu.memory_space<hbm>>
          %dma_wait3A_761 = arith.constant 0 : i32
          %dma_wait3A_762 = arith.constant 0 : i32
          %dma_wait3A_763 = tpu.memref_slice %arg3[%run_scoped3A_725, %arg0, %arg1, %add3A_456, %dma_wait3A_761, %dma_wait3A_762] : memref<2x2x16x8x25x50xi32, #tpu.memory_space<hbm>> -> memref<1x1x1x1x25x50xi32, #tpu.memory_space<hbm>>
          %dma_wait3A_764 = tpu.memref_squeeze %dma_wait3A_763 : memref<1x1x1x1x25x50xi32, #tpu.memory_space<hbm>> -> memref<25x50xi32, #tpu.memory_space<hbm>>
          tpu.wait_dma2 semaphore(%run_scoped3A_748 : memref<!tpu.dma_semaphore, #tpu.memory_space<semaphore_mem>>) src(%dma_wait3A_764 : memref<25x50xi32, #tpu.memory_space<hbm>>) dst(%arg10 : memref<25x50xi32, #tpu.memory_space<vmem>>)
          tpu.yield
        }) : () -> ()
        %run_scoped3A_726 = arith.constant 1 : i32
        "tpu.region"() ({
          %run_scoped3A_748 = tpu.sem_alloc : memref<!tpu.dma_semaphore, #tpu.memory_space<semaphore_mem>>
          %dma_start3A_749 = arith.constant 0 : i32
          %dma_start3A_750 = arith.constant 0 : i32
          %dma_start3A_751 = tpu.memref_slice %arg3[%run_scoped3A_726, %arg0, %arg1, %add3A_456, %dma_start3A_749, %dma_start3A_750] : memref<2x2x16x8x25x50xi32, #tpu.memory_space<hbm>> -> memref<1x1x1x1x25x50xi32, #tpu.memory_space<hbm>>
          %dma_start3A_752 = tpu.memref_squeeze %dma_start3A_751 : memref<1x1x1x1x25x50xi32, #tpu.memory_space<hbm>> -> memref<25x50xi32, #tpu.memory_space<hbm>>
          %dma_start3A_753 = arith.constant 0 : i32
          %dma_start3A_754 = arith.constant 0 : i32
          %dma_start3A_755 = tpu.memref_slice %arg3[%run_scoped3A_726, %arg0, %arg1, %add3A_456, %dma_start3A_753, %dma_start3A_754] : memref<2x2x16x8x25x50xi32, #tpu.memory_space<hbm>> -> memref<1x1x1x1x25x50xi32, #tpu.memory_space<hbm>>
          %dma_start3A_756 = tpu.memref_squeeze %dma_start3A_755 : memref<1x1x1x1x25x50xi32, #tpu.memory_space<hbm>> -> memref<25x50xi32, #tpu.memory_space<hbm>>
          tpu.enqueue_dma source(%dma_start3A_756 : memref<25x50xi32, #tpu.memory_space<hbm>>) target(%arg11 : memref<25x50xi32, #tpu.memory_space<vmem>>) target_semaphore(%run_scoped3A_748 : memref<!tpu.dma_semaphore, #tpu.memory_space<semaphore_mem>>)
          %dma_wait3A_757 = arith.constant 0 : i32
          %dma_wait3A_758 = arith.constant 0 : i32
          %dma_wait3A_759 = tpu.memref_slice %arg3[%run_scoped3A_726, %arg0, %arg1, %add3A_456, %dma_wait3A_757, %dma_wait3A_758] : memref<2x2x16x8x25x50xi32, #tpu.memory_space<hbm>> -> memref<1x1x1x1x25x50xi32, #tpu.memory_space<hbm>>
          %dma_wait3A_760 = tpu.memref_squeeze %dma_wait3A_759 : memref<1x1x1x1x25x50xi32, #tpu.memory_space<hbm>> -> memref<25x50xi32, #tpu.memory_space<hbm>>
          %dma_wait3A_761 = arith.constant 0 : i32
          %dma_wait3A_762 = arith.constant 0 : i32
          %dma_wait3A_763 = tpu.memref_slice %arg3[%run_scoped3A_726, %arg0, %arg1, %add3A_456, %dma_wait3A_761, %dma_wait3A_762] : memref<2x2x16x8x25x50xi32, #tpu.memory_space<hbm>> -> memref<1x1x1x1x25x50xi32, #tpu.memory_space<hbm>>
          %dma_wait3A_764 = tpu.memref_squeeze %dma_wait3A_763 : memref<1x1x1x1x25x50xi32, #tpu.memory_space<hbm>> -> memref<25x50xi32, #tpu.memory_space<hbm>>
          tpu.wait_dma2 semaphore(%run_scoped3A_748 : memref<!tpu.dma_semaphore, #tpu.memory_space<semaphore_mem>>) src(%dma_wait3A_764 : memref<25x50xi32, #tpu.memory_space<hbm>>) dst(%arg11 : memref<25x50xi32, #tpu.memory_space<vmem>>)
          tpu.yield
        }) : () -> ()
        %dma_start3A_727 = arith.constant 0 : i32
        %dma_start3A_728 = arith.constant 0 : i32
        %dma_start3A_729 = tpu.memref_slice %arg10[%dma_start3A_727, %dma_start3A_728] : memref<25x50xi32, #tpu.memory_space<vmem>> -> memref<1x50xi32, #tpu.memory_space<vmem>>
        %dma_start3A_730 = tpu.memref_squeeze %dma_start3A_729 : memref<1x50xi32, #tpu.memory_space<vmem>> -> memref<50xi32, #tpu.memory_space<vmem>>
        %dma_start3A_731 = arith.constant 0 : i32
        %dma_start3A_732 = arith.constant 0 : i32
        %dma_start3A_733 = tpu.memref_slice %arg2[%dma_start3A_731, %dma_start3A_732] : memref<10000x128xf32, #tpu.memory_space<hbm>> -> memref<10000x128xf32, #tpu.memory_space<hbm>>
        tpu.enqueue_indirect_dma source(%dma_start3A_733 : memref<10000x128xf32, #tpu.memory_space<hbm>>) target(%arg5 : memref<50x128xf32, #tpu.memory_space<vmem>>) offsets(%dma_start3A_730 : memref<50xi32, #tpu.memory_space<vmem>>) semaphore(%arg13 : memref<!tpu.dma_semaphore, #tpu.memory_space<semaphore_mem>>)
        %dma_start3A_734 = arith.constant 1 : i32
        %dma_start3A_735 = arith.constant 0 : i32
        %dma_start3A_736 = tpu.memref_slice %arg10[%dma_start3A_734, %dma_start3A_735] : memref<25x50xi32, #tpu.memory_space<vmem>> -> memref<1x50xi32, #tpu.memory_space<vmem>>
        %dma_start3A_737 = tpu.memref_squeeze %dma_start3A_736 : memref<1x50xi32, #tpu.memory_space<vmem>> -> memref<50xi32, #tpu.memory_space<vmem>>
        %dma_start3A_738 = arith.constant 0 : i32
        %dma_start3A_739 = arith.constant 0 : i32
        %dma_start3A_740 = tpu.memref_slice %arg2[%dma_start3A_738, %dma_start3A_739] : memref<10000x128xf32, #tpu.memory_space<hbm>> -> memref<10000x128xf32, #tpu.memory_space<hbm>>
        tpu.enqueue_indirect_dma source(%dma_start3A_740 : memref<10000x128xf32, #tpu.memory_space<hbm>>) target(%arg6 : memref<50x128xf32, #tpu.memory_space<vmem>>) offsets(%dma_start3A_737 : memref<50xi32, #tpu.memory_space<vmem>>) semaphore(%arg14 : memref<!tpu.dma_semaphore, #tpu.memory_space<semaphore_mem>>)
        %dma_start3A_741 = arith.constant 2 : i32
        %dma_start3A_742 = arith.constant 0 : i32
        %dma_start3A_743 = tpu.memref_slice %arg10[%dma_start3A_741, %dma_start3A_742] : memref<25x50xi32, #tpu.memory_space<vmem>> -> memref<1x50xi32, #tpu.memory_space<vmem>>
        %dma_start3A_744 = tpu.memref_squeeze %dma_start3A_743 : memref<1x50xi32, #tpu.memory_space<vmem>> -> memref<50xi32, #tpu.memory_space<vmem>>
        %dma_start3A_745 = arith.constant 0 : i32
        %dma_start3A_746 = arith.constant 0 : i32
        %dma_start3A_747 = tpu.memref_slice %arg2[%dma_start3A_745, %dma_start3A_746] : memref<10000x128xf32, #tpu.memory_space<hbm>> -> memref<10000x128xf32, #tpu.memory_space<hbm>>
        tpu.enqueue_indirect_dma source(%dma_start3A_747 : memref<10000x128xf32, #tpu.memory_space<hbm>>) target(%arg7 : memref<50x128xf32, #tpu.memory_space<vmem>>) offsets(%dma_start3A_744 : memref<50xi32, #tpu.memory_space<vmem>>) semaphore(%arg15 : memref<!tpu.dma_semaphore, #tpu.memory_space<semaphore_mem>>)
      } else {
      }
      %dma_wait3A_461 = arith.constant 0 : i32
      %dma_wait3A_462 = arith.constant 0 : i32
      %dma_wait3A_463 = tpu.memref_slice %arg10[%dma_wait3A_461, %dma_wait3A_462] : memref<25x50xi32, #tpu.memory_space<vmem>> -> memref<1x50xi32, #tpu.memory_space<vmem>>
      %dma_wait3A_464 = tpu.memref_squeeze %dma_wait3A_463 : memref<1x50xi32, #tpu.memory_space<vmem>> -> memref<50xi32, #tpu.memory_space<vmem>>
      %dma_wait3A_465 = arith.constant 0 : i32
      %dma_wait3A_466 = arith.constant 0 : i32
      %dma_wait3A_467 = tpu.memref_slice %arg2[%dma_wait3A_465, %dma_wait3A_466] : memref<10000x128xf32, #tpu.memory_space<hbm>> -> memref<10000x128xf32, #tpu.memory_space<hbm>>
      tpu.wait_indirect_dma semaphore(%arg13 : memref<!tpu.dma_semaphore, #tpu.memory_space<semaphore_mem>>) src(%dma_wait3A_467 : memref<10000x128xf32, #tpu.memory_space<hbm>>) dst(%arg5 : memref<50x128xf32, #tpu.memory_space<vmem>>)
      %dma_start3A_468 = arith.constant 0 : i32
      %dma_start3A_469 = arith.constant 0 : i32
      %dma_start3A_470 = tpu.memref_slice %arg11[%dma_start3A_468, %dma_start3A_469] : memref<25x50xi32, #tpu.memory_space<vmem>> -> memref<1x50xi32, #tpu.memory_space<vmem>>
      %dma_start3A_471 = tpu.memref_squeeze %dma_start3A_470 : memref<1x50xi32, #tpu.memory_space<vmem>> -> memref<50xi32, #tpu.memory_space<vmem>>
      %dma_start3A_472 = arith.constant 0 : i32
      %dma_start3A_473 = arith.constant 0 : i32
      %dma_start3A_474 = tpu.memref_slice %arg12[%dma_start3A_472, %dma_start3A_473] : memref<10240x128xf32, #tpu.memory_space<vmem_shared>> -> memref<10240x128xf32, #tpu.memory_space<vmem_shared>>
      tpu.enqueue_indirect_dma source(%arg5 : memref<50x128xf32, #tpu.memory_space<vmem>>) target(%dma_start3A_474 : memref<10240x128xf32, #tpu.memory_space<vmem_shared>>) offsets(%dma_start3A_471 : memref<50xi32, #tpu.memory_space<vmem>>) semaphore(%arg13 : memref<!tpu.dma_semaphore, #tpu.memory_space<semaphore_mem>>) {add = true}
      %dma_start3A_475 = arith.constant 3 : i32
      %dma_start3A_476 = arith.constant 0 : i32
      %dma_start3A_477 = tpu.memref_slice %arg10[%dma_start3A_475, %dma_start3A_476] : memref<25x50xi32, #tpu.memory_space<vmem>> -> memref<1x50xi32, #tpu.memory_space<vmem>>
      %dma_start3A_478 = tpu.memref_squeeze %dma_start3A_477 : memref<1x50xi32, #tpu.memory_space<vmem>> -> memref<50xi32, #tpu.memory_space<vmem>>
      %dma_start3A_479 = arith.constant 0 : i32
      %dma_start3A_480 = arith.constant 0 : i32
      %dma_start3A_481 = tpu.memref_slice %arg2[%dma_start3A_479, %dma_start3A_480] : memref<10000x128xf32, #tpu.memory_space<hbm>> -> memref<10000x128xf32, #tpu.memory_space<hbm>>
      tpu.enqueue_indirect_dma source(%dma_start3A_481 : memref<10000x128xf32, #tpu.memory_space<hbm>>) target(%arg8 : memref<50x128xf32, #tpu.memory_space<vmem>>) offsets(%dma_start3A_478 : memref<50xi32, #tpu.memory_space<vmem>>) semaphore(%arg16 : memref<!tpu.dma_semaphore, #tpu.memory_space<semaphore_mem>>)
      %dma_wait3A_482 = arith.constant 0 : i32
      %dma_wait3A_483 = arith.constant 0 : i32
      %dma_wait3A_484 = tpu.memref_slice %arg10[%dma_wait3A_482, %dma_wait3A_483] : memref<25x50xi32, #tpu.memory_space<vmem>> -> memref<1x50xi32, #tpu.memory_space<vmem>>
      %dma_wait3A_485 = tpu.memref_squeeze %dma_wait3A_484 : memref<1x50xi32, #tpu.memory_space<vmem>> -> memref<50xi32, #tpu.memory_space<vmem>>
      %dma_wait3A_486 = arith.constant 0 : i32
      %dma_wait3A_487 = arith.constant 0 : i32
      %dma_wait3A_488 = tpu.memref_slice %arg2[%dma_wait3A_486, %dma_wait3A_487] : memref<10000x128xf32, #tpu.memory_space<hbm>> -> memref<10000x128xf32, #tpu.memory_space<hbm>>
      tpu.wait_indirect_dma semaphore(%arg14 : memref<!tpu.dma_semaphore, #tpu.memory_space<semaphore_mem>>) src(%dma_wait3A_488 : memref<10000x128xf32, #tpu.memory_space<hbm>>) dst(%arg6 : memref<50x128xf32, #tpu.memory_space<vmem>>)
      %dma_start3A_489 = arith.constant 1 : i32
      %dma_start3A_490 = arith.constant 0 : i32
      %dma_start3A_491 = tpu.memref_slice %arg11[%dma_start3A_489, %dma_start3A_490] : memref<25x50xi32, #tpu.memory_space<vmem>> -> memref<1x50xi32, #tpu.memory_space<vmem>>
      %dma_start3A_492 = tpu.memref_squeeze %dma_start3A_491 : memref<1x50xi32, #tpu.memory_space<vmem>> -> memref<50xi32, #tpu.memory_space<vmem>>
      %dma_start3A_493 = arith.constant 0 : i32
      %dma_start3A_494 = arith.constant 0 : i32
      %dma_start3A_495 = tpu.memref_slice %arg12[%dma_start3A_493, %dma_start3A_494] : memref<10240x128xf32, #tpu.memory_space<vmem_shared>> -> memref<10240x128xf32, #tpu.memory_space<vmem_shared>>
      tpu.enqueue_indirect_dma source(%arg6 : memref<50x128xf32, #tpu.memory_space<vmem>>) target(%dma_start3A_495 : memref<10240x128xf32, #tpu.memory_space<vmem_shared>>) offsets(%dma_start3A_492 : memref<50xi32, #tpu.memory_space<vmem>>) semaphore(%arg14 : memref<!tpu.dma_semaphore, #tpu.memory_space<semaphore_mem>>) {add = true}
      %dma_wait3A_496 = arith.constant 0 : i32
      %dma_wait3A_497 = arith.constant 0 : i32
      %dma_wait3A_498 = tpu.memref_slice %arg11[%dma_wait3A_496, %dma_wait3A_497] : memref<25x50xi32, #tpu.memory_space<vmem>> -> memref<1x50xi32, #tpu.memory_space<vmem>>
      %dma_wait3A_499 = tpu.memref_squeeze %dma_wait3A_498 : memref<1x50xi32, #tpu.memory_space<vmem>> -> memref<50xi32, #tpu.memory_space<vmem>>
      %dma_wait3A_500 = arith.constant 0 : i32
      %dma_wait3A_501 = arith.constant 0 : i32
      %dma_wait3A_502 = tpu.memref_slice %arg12[%dma_wait3A_500, %dma_wait3A_501] : memref<10240x128xf32, #tpu.memory_space<vmem_shared>> -> memref<10240x128xf32, #tpu.memory_space<vmem_shared>>
      tpu.wait_indirect_dma semaphore(%arg13 : memref<!tpu.dma_semaphore, #tpu.memory_space<semaphore_mem>>) src(%arg5 : memref<50x128xf32, #tpu.memory_space<vmem>>) dst(%dma_wait3A_502 : memref<10240x128xf32, #tpu.memory_space<vmem_shared>>)
      %dma_start3A_503 = arith.constant 4 : i32
      %dma_start3A_504 = arith.constant 0 : i32
      %dma_start3A_505 = tpu.memref_slice %arg10[%dma_start3A_503, %dma_start3A_504] : memref<25x50xi32, #tpu.memory_space<vmem>> -> memref<1x50xi32, #tpu.memory_space<vmem>>
      %dma_start3A_506 = tpu.memref_squeeze %dma_start3A_505 : memref<1x50xi32, #tpu.memory_space<vmem>> -> memref<50xi32, #tpu.memory_space<vmem>>
      %dma_start3A_507 = arith.constant 0 : i32
      %dma_start3A_508 = arith.constant 0 : i32
      %dma_start3A_509 = tpu.memref_slice %arg2[%dma_start3A_507, %dma_start3A_508] : memref<10000x128xf32, #tpu.memory_space<hbm>> -> memref<10000x128xf32, #tpu.memory_space<hbm>>
      tpu.enqueue_indirect_dma source(%dma_start3A_509 : memref<10000x128xf32, #tpu.memory_space<hbm>>) target(%arg9 : memref<50x128xf32, #tpu.memory_space<vmem>>) offsets(%dma_start3A_506 : memref<50xi32, #tpu.memory_space<vmem>>) semaphore(%arg17 : memref<!tpu.dma_semaphore, #tpu.memory_space<semaphore_mem>>)
      %dma_wait3A_510 = arith.constant 0 : i32
      %dma_wait3A_511 = arith.constant 0 : i32
      %dma_wait3A_512 = tpu.memref_slice %arg10[%dma_wait3A_510, %dma_wait3A_511] : memref<25x50xi32, #tpu.memory_space<vmem>> -> memref<1x50xi32, #tpu.memory_space<vmem>>
      %dma_wait3A_513 = tpu.memref_squeeze %dma_wait3A_512 : memref<1x50xi32, #tpu.memory_space<vmem>> -> memref<50xi32, #tpu.memory_space<vmem>>
      %dma_wait3A_514 = arith.constant 0 : i32
      %dma_wait3A_515 = arith.constant 0 : i32
      %dma_wait3A_516 = tpu.memref_slice %arg2[%dma_wait3A_514, %dma_wait3A_515] : memref<10000x128xf32, #tpu.memory_space<hbm>> -> memref<10000x128xf32, #tpu.memory_space<hbm>>
      tpu.wait_indirect_dma semaphore(%arg15 : memref<!tpu.dma_semaphore, #tpu.memory_space<semaphore_mem>>) src(%dma_wait3A_516 : memref<10000x128xf32, #tpu.memory_space<hbm>>) dst(%arg7 : memref<50x128xf32, #tpu.memory_space<vmem>>)
      %dma_start3A_517 = arith.constant 2 : i32
      %dma_start3A_518 = arith.constant 0 : i32
      %dma_start3A_519 = tpu.memref_slice %arg11[%dma_start3A_517, %dma_start3A_518] : memref<25x50xi32, #tpu.memory_space<vmem>> -> memref<1x50xi32, #tpu.memory_space<vmem>>
      %dma_start3A_520 = tpu.memref_squeeze %dma_start3A_519 : memref<1x50xi32, #tpu.memory_space<vmem>> -> memref<50xi32, #tpu.memory_space<vmem>>
      %dma_start3A_521 = arith.constant 0 : i32
      %dma_start3A_522 = arith.constant 0 : i32
      %dma_start3A_523 = tpu.memref_slice %arg12[%dma_start3A_521, %dma_start3A_522] : memref<10240x128xf32, #tpu.memory_space<vmem_shared>> -> memref<10240x128xf32, #tpu.memory_space<vmem_shared>>
      tpu.enqueue_indirect_dma source(%arg7 : memref<50x128xf32, #tpu.memory_space<vmem>>) target(%dma_start3A_523 : memref<10240x128xf32, #tpu.memory_space<vmem_shared>>) offsets(%dma_start3A_520 : memref<50xi32, #tpu.memory_space<vmem>>) semaphore(%arg15 : memref<!tpu.dma_semaphore, #tpu.memory_space<semaphore_mem>>) {add = true}
      %dma_wait3A_524 = arith.constant 0 : i32
      %dma_wait3A_525 = arith.constant 0 : i32
      %dma_wait3A_526 = tpu.memref_slice %arg11[%dma_wait3A_524, %dma_wait3A_525] : memref<25x50xi32, #tpu.memory_space<vmem>> -> memref<1x50xi32, #tpu.memory_space<vmem>>
      %dma_wait3A_527 = tpu.memref_squeeze %dma_wait3A_526 : memref<1x50xi32, #tpu.memory_space<vmem>> -> memref<50xi32, #tpu.memory_space<vmem>>
      %dma_wait3A_528 = arith.constant 0 : i32
      %dma_wait3A_529 = arith.constant 0 : i32
      %dma_wait3A_530 = tpu.memref_slice %arg12[%dma_wait3A_528, %dma_wait3A_529] : memref<10240x128xf32, #tpu.memory_space<vmem_shared>> -> memref<10240x128xf32, #tpu.memory_space<vmem_shared>>
      tpu.wait_indirect_dma semaphore(%arg14 : memref<!tpu.dma_semaphore, #tpu.memory_space<semaphore_mem>>) src(%arg6 : memref<50x128xf32, #tpu.memory_space<vmem>>) dst(%dma_wait3A_530 : memref<10240x128xf32, #tpu.memory_space<vmem_shared>>)
      %dma_start3A_531 = arith.constant 5 : i32
      %dma_start3A_532 = arith.constant 0 : i32
      %dma_start3A_533 = tpu.memref_slice %arg10[%dma_start3A_531, %dma_start3A_532] : memref<25x50xi32, #tpu.memory_space<vmem>> -> memref<1x50xi32, #tpu.memory_space<vmem>>
      %dma_start3A_534 = tpu.memref_squeeze %dma_start3A_533 : memref<1x50xi32, #tpu.memory_space<vmem>> -> memref<50xi32, #tpu.memory_space<vmem>>
      %dma_start3A_535 = arith.constant 0 : i32
      %dma_start3A_536 = arith.constant 0 : i32
      %dma_start3A_537 = tpu.memref_slice %arg2[%dma_start3A_535, %dma_start3A_536] : memref<10000x128xf32, #tpu.memory_space<hbm>> -> memref<10000x128xf32, #tpu.memory_space<hbm>>
      tpu.enqueue_indirect_dma source(%dma_start3A_537 : memref<10000x128xf32, #tpu.memory_space<hbm>>) target(%arg5 : memref<50x128xf32, #tpu.memory_space<vmem>>) offsets(%dma_start3A_534 : memref<50xi32, #tpu.memory_space<vmem>>) semaphore(%arg13 : memref<!tpu.dma_semaphore, #tpu.memory_space<semaphore_mem>>)
      %dma_wait3A_538 = arith.constant 0 : i32
      %dma_wait3A_539 = arith.constant 0 : i32
      %dma_wait3A_540 = tpu.memref_slice %arg10[%dma_wait3A_538, %dma_wait3A_539] : memref<25x50xi32, #tpu.memory_space<vmem>> -> memref<1x50xi32, #tpu.memory_space<vmem>>
      %dma_wait3A_541 = tpu.memref_squeeze %dma_wait3A_540 : memref<1x50xi32, #tpu.memory_space<vmem>> -> memref<50xi32, #tpu.memory_space<vmem>>
      %dma_wait3A_542 = arith.constant 0 : i32
      %dma_wait3A_543 = arith.constant 0 : i32
      %dma_wait3A_544 = tpu.memref_slice %arg2[%dma_wait3A_542, %dma_wait3A_543] : memref<10000x128xf32, #tpu.memory_space<hbm>> -> memref<10000x128xf32, #tpu.memory_space<hbm>>
      tpu.wait_indirect_dma semaphore(%arg16 : memref<!tpu.dma_semaphore, #tpu.memory_space<semaphore_mem>>) src(%dma_wait3A_544 : memref<10000x128xf32, #tpu.memory_space<hbm>>) dst(%arg8 : memref<50x128xf32, #tpu.memory_space<vmem>>)
      %dma_start3A_545 = arith.constant 3 : i32
      %dma_start3A_546 = arith.constant 0 : i32
      %dma_start3A_547 = tpu.memref_slice %arg11[%dma_start3A_545, %dma_start3A_546] : memref<25x50xi32, #tpu.memory_space<vmem>> -> memref<1x50xi32, #tpu.memory_space<vmem>>
      %dma_start3A_548 = tpu.memref_squeeze %dma_start3A_547 : memref<1x50xi32, #tpu.memory_space<vmem>> -> memref<50xi32, #tpu.memory_space<vmem>>
      %dma_start3A_549 = arith.constant 0 : i32
      %dma_start3A_550 = arith.constant 0 : i32
      %dma_start3A_551 = tpu.memref_slice %arg12[%dma_start3A_549, %dma_start3A_550] : memref<10240x128xf32, #tpu.memory_space<vmem_shared>> -> memref<10240x128xf32, #tpu.memory_space<vmem_shared>>
      tpu.enqueue_indirect_dma source(%arg8 : memref<50x128xf32, #tpu.memory_space<vmem>>) target(%dma_start3A_551 : memref<10240x128xf32, #tpu.memory_space<vmem_shared>>) offsets(%dma_start3A_548 : memref<50xi32, #tpu.memory_space<vmem>>) semaphore(%arg16 : memref<!tpu.dma_semaphore, #tpu.memory_space<semaphore_mem>>) {add = true}
      %dma_wait3A_552 = arith.constant 0 : i32
      %dma_wait3A_553 = arith.constant 0 : i32
      %dma_wait3A_554 = tpu.memref_slice %arg11[%dma_wait3A_552, %dma_wait3A_553] : memref<25x50xi32, #tpu.memory_space<vmem>> -> memref<1x50xi32, #tpu.memory_space<vmem>>
      %dma_wait3A_555 = tpu.memref_squeeze %dma_wait3A_554 : memref<1x50xi32, #tpu.memory_space<vmem>> -> memref<50xi32, #tpu.memory_space<vmem>>
      %dma_wait3A_556 = arith.constant 0 : i32
      %dma_wait3A_557 = arith.constant 0 : i32
      %dma_wait3A_558 = tpu.memref_slice %arg12[%dma_wait3A_556, %dma_wait3A_557] : memref<10240x128xf32, #tpu.memory_space<vmem_shared>> -> memref<10240x128xf32, #tpu.memory_space<vmem_shared>>
      tpu.wait_indirect_dma semaphore(%arg15 : memref<!tpu.dma_semaphore, #tpu.memory_space<semaphore_mem>>) src(%arg7 : memref<50x128xf32, #tpu.memory_space<vmem>>) dst(%dma_wait3A_558 : memref<10240x128xf32, #tpu.memory_space<vmem_shared>>)
      %dma_start3A_559 = arith.constant 6 : i32
      %dma_start3A_560 = arith.constant 0 : i32
      %dma_start3A_561 = tpu.memref_slice %arg10[%dma_start3A_559, %dma_start3A_560] : memref<25x50xi32, #tpu.memory_space<vmem>> -> memref<1x50xi32, #tpu.memory_space<vmem>>
      %dma_start3A_562 = tpu.memref_squeeze %dma_start3A_561 : memref<1x50xi32, #tpu.memory_space<vmem>> -> memref<50xi32, #tpu.memory_space<vmem>>
      %dma_start3A_563 = arith.constant 0 : i32
      %dma_start3A_564 = arith.constant 0 : i32
      %dma_start3A_565 = tpu.memref_slice %arg2[%dma_start3A_563, %dma_start3A_564] : memref<10000x128xf32, #tpu.memory_space<hbm>> -> memref<10000x128xf32, #tpu.memory_space<hbm>>
      tpu.enqueue_indirect_dma source(%dma_start3A_565 : memref<10000x128xf32, #tpu.memory_space<hbm>>) target(%arg6 : memref<50x128xf32, #tpu.memory_space<vmem>>) offsets(%dma_start3A_562 : memref<50xi32, #tpu.memory_space<vmem>>) semaphore(%arg14 : memref<!tpu.dma_semaphore, #tpu.memory_space<semaphore_mem>>)
      %dma_wait3A_566 = arith.constant 0 : i32
      %dma_wait3A_567 = arith.constant 0 : i32
      %dma_wait3A_568 = tpu.memref_slice %arg10[%dma_wait3A_566, %dma_wait3A_567] : memref<25x50xi32, #tpu.memory_space<vmem>> -> memref<1x50xi32, #tpu.memory_space<vmem>>
      %dma_wait3A_569 = tpu.memref_squeeze %dma_wait3A_568 : memref<1x50xi32, #tpu.memory_space<vmem>> -> memref<50xi32, #tpu.memory_space<vmem>>
      %dma_wait3A_570 = arith.constant 0 : i32
      %dma_wait3A_571 = arith.constant 0 : i32
      %dma_wait3A_572 = tpu.memref_slice %arg2[%dma_wait3A_570, %dma_wait3A_571] : memref<10000x128xf32, #tpu.memory_space<hbm>> -> memref<10000x128xf32, #tpu.memory_space<hbm>>
      tpu.wait_indirect_dma semaphore(%arg17 : memref<!tpu.dma_semaphore, #tpu.memory_space<semaphore_mem>>) src(%dma_wait3A_572 : memref<10000x128xf32, #tpu.memory_space<hbm>>) dst(%arg9 : memref<50x128xf32, #tpu.memory_space<vmem>>)
      %dma_start3A_573 = arith.constant 4 : i32
      %dma_start3A_574 = arith.constant 0 : i32
      %dma_start3A_575 = tpu.memref_slice %arg11[%dma_start3A_573, %dma_start3A_574] : memref<25x50xi32, #tpu.memory_space<vmem>> -> memref<1x50xi32, #tpu.memory_space<vmem>>
      %dma_start3A_576 = tpu.memref_squeeze %dma_start3A_575 : memref<1x50xi32, #tpu.memory_space<vmem>> -> memref<50xi32, #tpu.memory_space<vmem>>
      %dma_start3A_577 = arith.constant 0 : i32
      %dma_start3A_578 = arith.constant 0 : i32
      %dma_start3A_579 = tpu.memref_slice %arg12[%dma_start3A_577, %dma_start3A_578] : memref<10240x128xf32, #tpu.memory_space<vmem_shared>> -> memref<10240x128xf32, #tpu.memory_space<vmem_shared>>
      tpu.enqueue_indirect_dma source(%arg9 : memref<50x128xf32, #tpu.memory_space<vmem>>) target(%dma_start3A_579 : memref<10240x128xf32, #tpu.memory_space<vmem_shared>>) offsets(%dma_start3A_576 : memref<50xi32, #tpu.memory_space<vmem>>) semaphore(%arg17 : memref<!tpu.dma_semaphore, #tpu.memory_space<semaphore_mem>>) {add = true}
      %dma_wait3A_580 = arith.constant 0 : i32
      %dma_wait3A_581 = arith.constant 0 : i32
      %dma_wait3A_582 = tpu.memref_slice %arg11[%dma_wait3A_580, %dma_wait3A_581] : memref<25x50xi32, #tpu.memory_space<vmem>> -> memref<1x50xi32, #tpu.memory_space<vmem>>
      %dma_wait3A_583 = tpu.memref_squeeze %dma_wait3A_582 : memref<1x50xi32, #tpu.memory_space<vmem>> -> memref<50xi32, #tpu.memory_space<vmem>>
      %dma_wait3A_584 = arith.constant 0 : i32
      %dma_wait3A_585 = arith.constant 0 : i32
      %dma_wait3A_586 = tpu.memref_slice %arg12[%dma_wait3A_584, %dma_wait3A_585] : memref<10240x128xf32, #tpu.memory_space<vmem_shared>> -> memref<10240x128xf32, #tpu.memory_space<vmem_shared>>
      tpu.wait_indirect_dma semaphore(%arg16 : memref<!tpu.dma_semaphore, #tpu.memory_space<semaphore_mem>>) src(%arg8 : memref<50x128xf32, #tpu.memory_space<vmem>>) dst(%dma_wait3A_586 : memref<10240x128xf32, #tpu.memory_space<vmem_shared>>)
      %dma_start3A_587 = arith.constant 7 : i32
      %dma_start3A_588 = arith.constant 0 : i32
      %dma_start3A_589 = tpu.memref_slice %arg10[%dma_start3A_587, %dma_start3A_588] : memref<25x50xi32, #tpu.memory_space<vmem>> -> memref<1x50xi32, #tpu.memory_space<vmem>>
      %dma_start3A_590 = tpu.memref_squeeze %dma_start3A_589 : memref<1x50xi32, #tpu.memory_space<vmem>> -> memref<50xi32, #tpu.memory_space<vmem>>
      %dma_start3A_591 = arith.constant 0 : i32
      %dma_start3A_592 = arith.constant 0 : i32
      %dma_start3A_593 = tpu.memref_slice %arg2[%dma_start3A_591, %dma_start3A_592] : memref<10000x128xf32, #tpu.memory_space<hbm>> -> memref<10000x128xf32, #tpu.memory_space<hbm>>
      tpu.enqueue_indirect_dma source(%dma_start3A_593 : memref<10000x128xf32, #tpu.memory_space<hbm>>) target(%arg7 : memref<50x128xf32, #tpu.memory_space<vmem>>) offsets(%dma_start3A_590 : memref<50xi32, #tpu.memory_space<vmem>>) semaphore(%arg15 : memref<!tpu.dma_semaphore, #tpu.memory_space<semaphore_mem>>)
      %scan3A_594 = arith.constant 0 : i32
      %scan3A_595 = arith.constant 3 : i32
      %scan3A_596 = arith.addi %scan3A_594, %scan3A_595 : i32
      %scan3A_597 = arith.constant 1 : i32
      scf.for %scan3A_725 = %scan3A_594 to %scan3A_596 step %scan3A_597  : i32 {
        %mul3A_726 = arith.constant 1 : i32
        %mul3A_727 = arith.muli %scan3A_725, %mul3A_726 : i32
        %add3A_728 = arith.constant 1 : i32
        %add3A_729 = arith.addi %add3A_728, %mul3A_727 : i32
        %mul3A_730 = arith.constant 5 : i32
        %mul3A_731 = arith.muli %add3A_729, %mul3A_730 : i32
        %dma_wait3A_732 = arith.constant 0 : i32
        %dma_wait3A_733 = arith.constant 0 : i32
        %dma_wait3A_734 = tpu.memref_slice %arg10[%dma_wait3A_732, %dma_wait3A_733] : memref<25x50xi32, #tpu.memory_space<vmem>> -> memref<1x50xi32, #tpu.memory_space<vmem>>
        %dma_wait3A_735 = tpu.memref_squeeze %dma_wait3A_734 : memref<1x50xi32, #tpu.memory_space<vmem>> -> memref<50xi32, #tpu.memory_space<vmem>>
        %dma_wait3A_736 = arith.constant 0 : i32
        %dma_wait3A_737 = arith.constant 0 : i32
        %dma_wait3A_738 = tpu.memref_slice %arg2[%dma_wait3A_736, %dma_wait3A_737] : memref<10000x128xf32, #tpu.memory_space<hbm>> -> memref<10000x128xf32, #tpu.memory_space<hbm>>
        tpu.wait_indirect_dma semaphore(%arg13 : memref<!tpu.dma_semaphore, #tpu.memory_space<semaphore_mem>>) src(%dma_wait3A_738 : memref<10000x128xf32, #tpu.memory_space<hbm>>) dst(%arg5 : memref<50x128xf32, #tpu.memory_space<vmem>>)
        %add3A_739 = arith.constant 0 : i32
        %add3A_740 = arith.addi %mul3A_731, %add3A_739 : i32
        %dma_start3A_741 = arith.constant 0 : i32
        %dma_start3A_742 = tpu.memref_slice %arg11[%add3A_740, %dma_start3A_741] : memref<25x50xi32, #tpu.memory_space<vmem>> -> memref<1x50xi32, #tpu.memory_space<vmem>>
        %dma_start3A_743 = tpu.memref_squeeze %dma_start3A_742 : memref<1x50xi32, #tpu.memory_space<vmem>> -> memref<50xi32, #tpu.memory_space<vmem>>
        %dma_start3A_744 = arith.constant 0 : i32
        %dma_start3A_745 = arith.constant 0 : i32
        %dma_start3A_746 = tpu.memref_slice %arg12[%dma_start3A_744, %dma_start3A_745] : memref<10240x128xf32, #tpu.memory_space<vmem_shared>> -> memref<10240x128xf32, #tpu.memory_space<vmem_shared>>
        tpu.enqueue_indirect_dma source(%arg5 : memref<50x128xf32, #tpu.memory_space<vmem>>) target(%dma_start3A_746 : memref<10240x128xf32, #tpu.memory_space<vmem_shared>>) offsets(%dma_start3A_743 : memref<50xi32, #tpu.memory_space<vmem>>) semaphore(%arg13 : memref<!tpu.dma_semaphore, #tpu.memory_space<semaphore_mem>>) {add = true}
        %add3A_747 = arith.constant 0 : i32
        %add3A_748 = arith.addi %mul3A_731, %add3A_747 : i32
        %add3A_749 = arith.constant 3 : i32
        %add3A_750 = arith.addi %add3A_748, %add3A_749 : i32
        %dma_start3A_751 = arith.constant 0 : i32
        %dma_start3A_752 = tpu.memref_slice %arg10[%add3A_750, %dma_start3A_751] : memref<25x50xi32, #tpu.memory_space<vmem>> -> memref<1x50xi32, #tpu.memory_space<vmem>>
        %dma_start3A_753 = tpu.memref_squeeze %dma_start3A_752 : memref<1x50xi32, #tpu.memory_space<vmem>> -> memref<50xi32, #tpu.memory_space<vmem>>
        %dma_start3A_754 = arith.constant 0 : i32
        %dma_start3A_755 = arith.constant 0 : i32
        %dma_start3A_756 = tpu.memref_slice %arg2[%dma_start3A_754, %dma_start3A_755] : memref<10000x128xf32, #tpu.memory_space<hbm>> -> memref<10000x128xf32, #tpu.memory_space<hbm>>
        tpu.enqueue_indirect_dma source(%dma_start3A_756 : memref<10000x128xf32, #tpu.memory_space<hbm>>) target(%arg8 : memref<50x128xf32, #tpu.memory_space<vmem>>) offsets(%dma_start3A_753 : memref<50xi32, #tpu.memory_space<vmem>>) semaphore(%arg16 : memref<!tpu.dma_semaphore, #tpu.memory_space<semaphore_mem>>)
        %dma_wait3A_757 = arith.constant 0 : i32
        %dma_wait3A_758 = arith.constant 0 : i32
        %dma_wait3A_759 = tpu.memref_slice %arg11[%dma_wait3A_757, %dma_wait3A_758] : memref<25x50xi32, #tpu.memory_space<vmem>> -> memref<1x50xi32, #tpu.memory_space<vmem>>
        %dma_wait3A_760 = tpu.memref_squeeze %dma_wait3A_759 : memref<1x50xi32, #tpu.memory_space<vmem>> -> memref<50xi32, #tpu.memory_space<vmem>>
        %dma_wait3A_761 = arith.constant 0 : i32
        %dma_wait3A_762 = arith.constant 0 : i32
        %dma_wait3A_763 = tpu.memref_slice %arg12[%dma_wait3A_761, %dma_wait3A_762] : memref<10240x128xf32, #tpu.memory_space<vmem_shared>> -> memref<10240x128xf32, #tpu.memory_space<vmem_shared>>
        tpu.wait_indirect_dma semaphore(%arg17 : memref<!tpu.dma_semaphore, #tpu.memory_space<semaphore_mem>>) src(%arg9 : memref<50x128xf32, #tpu.memory_space<vmem>>) dst(%dma_wait3A_763 : memref<10240x128xf32, #tpu.memory_space<vmem_shared>>)
        %dma_wait3A_764 = arith.constant 0 : i32
        %dma_wait3A_765 = arith.constant 0 : i32
        %dma_wait3A_766 = tpu.memref_slice %arg10[%dma_wait3A_764, %dma_wait3A_765] : memref<25x50xi32, #tpu.memory_space<vmem>> -> memref<1x50xi32, #tpu.memory_space<vmem>>
        %dma_wait3A_767 = tpu.memref_squeeze %dma_wait3A_766 : memref<1x50xi32, #tpu.memory_space<vmem>> -> memref<50xi32, #tpu.memory_space<vmem>>
        %dma_wait3A_768 = arith.constant 0 : i32
        %dma_wait3A_769 = arith.constant 0 : i32
        %dma_wait3A_770 = tpu.memref_slice %arg2[%dma_wait3A_768, %dma_wait3A_769] : memref<10000x128xf32, #tpu.memory_space<hbm>> -> memref<10000x128xf32, #tpu.memory_space<hbm>>
        tpu.wait_indirect_dma semaphore(%arg14 : memref<!tpu.dma_semaphore, #tpu.memory_space<semaphore_mem>>) src(%dma_wait3A_770 : memref<10000x128xf32, #tpu.memory_space<hbm>>) dst(%arg6 : memref<50x128xf32, #tpu.memory_space<vmem>>)
        %add3A_771 = arith.constant 1 : i32
        %add3A_772 = arith.addi %mul3A_731, %add3A_771 : i32
        %dma_start3A_773 = arith.constant 0 : i32
        %dma_start3A_774 = tpu.memref_slice %arg11[%add3A_772, %dma_start3A_773] : memref<25x50xi32, #tpu.memory_space<vmem>> -> memref<1x50xi32, #tpu.memory_space<vmem>>
        %dma_start3A_775 = tpu.memref_squeeze %dma_start3A_774 : memref<1x50xi32, #tpu.memory_space<vmem>> -> memref<50xi32, #tpu.memory_space<vmem>>
        %dma_start3A_776 = arith.constant 0 : i32
        %dma_start3A_777 = arith.constant 0 : i32
        %dma_start3A_778 = tpu.memref_slice %arg12[%dma_start3A_776, %dma_start3A_777] : memref<10240x128xf32, #tpu.memory_space<vmem_shared>> -> memref<10240x128xf32, #tpu.memory_space<vmem_shared>>
        tpu.enqueue_indirect_dma source(%arg6 : memref<50x128xf32, #tpu.memory_space<vmem>>) target(%dma_start3A_778 : memref<10240x128xf32, #tpu.memory_space<vmem_shared>>) offsets(%dma_start3A_775 : memref<50xi32, #tpu.memory_space<vmem>>) semaphore(%arg14 : memref<!tpu.dma_semaphore, #tpu.memory_space<semaphore_mem>>) {add = true}
        %add3A_779 = arith.constant 1 : i32
        %add3A_780 = arith.addi %mul3A_731, %add3A_779 : i32
        %add3A_781 = arith.constant 3 : i32
        %add3A_782 = arith.addi %add3A_780, %add3A_781 : i32
        %dma_start3A_783 = arith.constant 0 : i32
        %dma_start3A_784 = tpu.memref_slice %arg10[%add3A_782, %dma_start3A_783] : memref<25x50xi32, #tpu.memory_space<vmem>> -> memref<1x50xi32, #tpu.memory_space<vmem>>
        %dma_start3A_785 = tpu.memref_squeeze %dma_start3A_784 : memref<1x50xi32, #tpu.memory_space<vmem>> -> memref<50xi32, #tpu.memory_space<vmem>>
        %dma_start3A_786 = arith.constant 0 : i32
        %dma_start3A_787 = arith.constant 0 : i32
        %dma_start3A_788 = tpu.memref_slice %arg2[%dma_start3A_786, %dma_start3A_787] : memref<10000x128xf32, #tpu.memory_space<hbm>> -> memref<10000x128xf32, #tpu.memory_space<hbm>>
        tpu.enqueue_indirect_dma source(%dma_start3A_788 : memref<10000x128xf32, #tpu.memory_space<hbm>>) target(%arg9 : memref<50x128xf32, #tpu.memory_space<vmem>>) offsets(%dma_start3A_785 : memref<50xi32, #tpu.memory_space<vmem>>) semaphore(%arg17 : memref<!tpu.dma_semaphore, #tpu.memory_space<semaphore_mem>>)
        %dma_wait3A_789 = arith.constant 0 : i32
        %dma_wait3A_790 = arith.constant 0 : i32
        %dma_wait3A_791 = tpu.memref_slice %arg11[%dma_wait3A_789, %dma_wait3A_790] : memref<25x50xi32, #tpu.memory_space<vmem>> -> memref<1x50xi32, #tpu.memory_space<vmem>>
        %dma_wait3A_792 = tpu.memref_squeeze %dma_wait3A_791 : memref<1x50xi32, #tpu.memory_space<vmem>> -> memref<50xi32, #tpu.memory_space<vmem>>
        %dma_wait3A_793 = arith.constant 0 : i32
        %dma_wait3A_794 = arith.constant 0 : i32
        %dma_wait3A_795 = tpu.memref_slice %arg12[%dma_wait3A_793, %dma_wait3A_794] : memref<10240x128xf32, #tpu.memory_space<vmem_shared>> -> memref<10240x128xf32, #tpu.memory_space<vmem_shared>>
        tpu.wait_indirect_dma semaphore(%arg13 : memref<!tpu.dma_semaphore, #tpu.memory_space<semaphore_mem>>) src(%arg5 : memref<50x128xf32, #tpu.memory_space<vmem>>) dst(%dma_wait3A_795 : memref<10240x128xf32, #tpu.memory_space<vmem_shared>>)
        %dma_wait3A_796 = arith.constant 0 : i32
        %dma_wait3A_797 = arith.constant 0 : i32
        %dma_wait3A_798 = tpu.memref_slice %arg10[%dma_wait3A_796, %dma_wait3A_797] : memref<25x50xi32, #tpu.memory_space<vmem>> -> memref<1x50xi32, #tpu.memory_space<vmem>>
        %dma_wait3A_799 = tpu.memref_squeeze %dma_wait3A_798 : memref<1x50xi32, #tpu.memory_space<vmem>> -> memref<50xi32, #tpu.memory_space<vmem>>
        %dma_wait3A_800 = arith.constant 0 : i32
        %dma_wait3A_801 = arith.constant 0 : i32
        %dma_wait3A_802 = tpu.memref_slice %arg2[%dma_wait3A_800, %dma_wait3A_801] : memref<10000x128xf32, #tpu.memory_space<hbm>> -> memref<10000x128xf32, #tpu.memory_space<hbm>>
        tpu.wait_indirect_dma semaphore(%arg15 : memref<!tpu.dma_semaphore, #tpu.memory_space<semaphore_mem>>) src(%dma_wait3A_802 : memref<10000x128xf32, #tpu.memory_space<hbm>>) dst(%arg7 : memref<50x128xf32, #tpu.memory_space<vmem>>)
        %add3A_803 = arith.constant 2 : i32
        %add3A_804 = arith.addi %mul3A_731, %add3A_803 : i32
        %dma_start3A_805 = arith.constant 0 : i32
        %dma_start3A_806 = tpu.memref_slice %arg11[%add3A_804, %dma_start3A_805] : memref<25x50xi32, #tpu.memory_space<vmem>> -> memref<1x50xi32, #tpu.memory_space<vmem>>
        %dma_start3A_807 = tpu.memref_squeeze %dma_start3A_806 : memref<1x50xi32, #tpu.memory_space<vmem>> -> memref<50xi32, #tpu.memory_space<vmem>>
        %dma_start3A_808 = arith.constant 0 : i32
        %dma_start3A_809 = arith.constant 0 : i32
        %dma_start3A_810 = tpu.memref_slice %arg12[%dma_start3A_808, %dma_start3A_809] : memref<10240x128xf32, #tpu.memory_space<vmem_shared>> -> memref<10240x128xf32, #tpu.memory_space<vmem_shared>>
        tpu.enqueue_indirect_dma source(%arg7 : memref<50x128xf32, #tpu.memory_space<vmem>>) target(%dma_start3A_810 : memref<10240x128xf32, #tpu.memory_space<vmem_shared>>) offsets(%dma_start3A_807 : memref<50xi32, #tpu.memory_space<vmem>>) semaphore(%arg15 : memref<!tpu.dma_semaphore, #tpu.memory_space<semaphore_mem>>) {add = true}
        %add3A_811 = arith.constant 2 : i32
        %add3A_812 = arith.addi %mul3A_731, %add3A_811 : i32
        %add3A_813 = arith.constant 3 : i32
        %add3A_814 = arith.addi %add3A_812, %add3A_813 : i32
        %dma_start3A_815 = arith.constant 0 : i32
        %dma_start3A_816 = tpu.memref_slice %arg10[%add3A_814, %dma_start3A_815] : memref<25x50xi32, #tpu.memory_space<vmem>> -> memref<1x50xi32, #tpu.memory_space<vmem>>
        %dma_start3A_817 = tpu.memref_squeeze %dma_start3A_816 : memref<1x50xi32, #tpu.memory_space<vmem>> -> memref<50xi32, #tpu.memory_space<vmem>>
        %dma_start3A_818 = arith.constant 0 : i32
        %dma_start3A_819 = arith.constant 0 : i32
        %dma_start3A_820 = tpu.memref_slice %arg2[%dma_start3A_818, %dma_start3A_819] : memref<10000x128xf32, #tpu.memory_space<hbm>> -> memref<10000x128xf32, #tpu.memory_space<hbm>>
        tpu.enqueue_indirect_dma source(%dma_start3A_820 : memref<10000x128xf32, #tpu.memory_space<hbm>>) target(%arg5 : memref<50x128xf32, #tpu.memory_space<vmem>>) offsets(%dma_start3A_817 : memref<50xi32, #tpu.memory_space<vmem>>) semaphore(%arg13 : memref<!tpu.dma_semaphore, #tpu.memory_space<semaphore_mem>>)
        %dma_wait3A_821 = arith.constant 0 : i32
        %dma_wait3A_822 = arith.constant 0 : i32
        %dma_wait3A_823 = tpu.memref_slice %arg11[%dma_wait3A_821, %dma_wait3A_822] : memref<25x50xi32, #tpu.memory_space<vmem>> -> memref<1x50xi32, #tpu.memory_space<vmem>>
        %dma_wait3A_824 = tpu.memref_squeeze %dma_wait3A_823 : memref<1x50xi32, #tpu.memory_space<vmem>> -> memref<50xi32, #tpu.memory_space<vmem>>
        %dma_wait3A_825 = arith.constant 0 : i32
        %dma_wait3A_826 = arith.constant 0 : i32
        %dma_wait3A_827 = tpu.memref_slice %arg12[%dma_wait3A_825, %dma_wait3A_826] : memref<10240x128xf32, #tpu.memory_space<vmem_shared>> -> memref<10240x128xf32, #tpu.memory_space<vmem_shared>>
        tpu.wait_indirect_dma semaphore(%arg14 : memref<!tpu.dma_semaphore, #tpu.memory_space<semaphore_mem>>) src(%arg6 : memref<50x128xf32, #tpu.memory_space<vmem>>) dst(%dma_wait3A_827 : memref<10240x128xf32, #tpu.memory_space<vmem_shared>>)
        %dma_wait3A_828 = arith.constant 0 : i32
        %dma_wait3A_829 = arith.constant 0 : i32
        %dma_wait3A_830 = tpu.memref_slice %arg10[%dma_wait3A_828, %dma_wait3A_829] : memref<25x50xi32, #tpu.memory_space<vmem>> -> memref<1x50xi32, #tpu.memory_space<vmem>>
        %dma_wait3A_831 = tpu.memref_squeeze %dma_wait3A_830 : memref<1x50xi32, #tpu.memory_space<vmem>> -> memref<50xi32, #tpu.memory_space<vmem>>
        %dma_wait3A_832 = arith.constant 0 : i32
        %dma_wait3A_833 = arith.constant 0 : i32
        %dma_wait3A_834 = tpu.memref_slice %arg2[%dma_wait3A_832, %dma_wait3A_833] : memref<10000x128xf32, #tpu.memory_space<hbm>> -> memref<10000x128xf32, #tpu.memory_space<hbm>>
        tpu.wait_indirect_dma semaphore(%arg16 : memref<!tpu.dma_semaphore, #tpu.memory_space<semaphore_mem>>) src(%dma_wait3A_834 : memref<10000x128xf32, #tpu.memory_space<hbm>>) dst(%arg8 : memref<50x128xf32, #tpu.memory_space<vmem>>)
        %add3A_835 = arith.constant 3 : i32
        %add3A_836 = arith.addi %mul3A_731, %add3A_835 : i32
        %dma_start3A_837 = arith.constant 0 : i32
        %dma_start3A_838 = tpu.memref_slice %arg11[%add3A_836, %dma_start3A_837] : memref<25x50xi32, #tpu.memory_space<vmem>> -> memref<1x50xi32, #tpu.memory_space<vmem>>
        %dma_start3A_839 = tpu.memref_squeeze %dma_start3A_838 : memref<1x50xi32, #tpu.memory_space<vmem>> -> memref<50xi32, #tpu.memory_space<vmem>>
        %dma_start3A_840 = arith.constant 0 : i32
        %dma_start3A_841 = arith.constant 0 : i32
        %dma_start3A_842 = tpu.memref_slice %arg12[%dma_start3A_840, %dma_start3A_841] : memref<10240x128xf32, #tpu.memory_space<vmem_shared>> -> memref<10240x128xf32, #tpu.memory_space<vmem_shared>>
        tpu.enqueue_indirect_dma source(%arg8 : memref<50x128xf32, #tpu.memory_space<vmem>>) target(%dma_start3A_842 : memref<10240x128xf32, #tpu.memory_space<vmem_shared>>) offsets(%dma_start3A_839 : memref<50xi32, #tpu.memory_space<vmem>>) semaphore(%arg16 : memref<!tpu.dma_semaphore, #tpu.memory_space<semaphore_mem>>) {add = true}
        %add3A_843 = arith.constant 3 : i32
        %add3A_844 = arith.addi %mul3A_731, %add3A_843 : i32
        %add3A_845 = arith.constant 3 : i32
        %add3A_846 = arith.addi %add3A_844, %add3A_845 : i32
        %dma_start3A_847 = arith.constant 0 : i32
        %dma_start3A_848 = tpu.memref_slice %arg10[%add3A_846, %dma_start3A_847] : memref<25x50xi32, #tpu.memory_space<vmem>> -> memref<1x50xi32, #tpu.memory_space<vmem>>
        %dma_start3A_849 = tpu.memref_squeeze %dma_start3A_848 : memref<1x50xi32, #tpu.memory_space<vmem>> -> memref<50xi32, #tpu.memory_space<vmem>>
        %dma_start3A_850 = arith.constant 0 : i32
        %dma_start3A_851 = arith.constant 0 : i32
        %dma_start3A_852 = tpu.memref_slice %arg2[%dma_start3A_850, %dma_start3A_851] : memref<10000x128xf32, #tpu.memory_space<hbm>> -> memref<10000x128xf32, #tpu.memory_space<hbm>>
        tpu.enqueue_indirect_dma source(%dma_start3A_852 : memref<10000x128xf32, #tpu.memory_space<hbm>>) target(%arg6 : memref<50x128xf32, #tpu.memory_space<vmem>>) offsets(%dma_start3A_849 : memref<50xi32, #tpu.memory_space<vmem>>) semaphore(%arg14 : memref<!tpu.dma_semaphore, #tpu.memory_space<semaphore_mem>>)
        %dma_wait3A_853 = arith.constant 0 : i32
        %dma_wait3A_854 = arith.constant 0 : i32
        %dma_wait3A_855 = tpu.memref_slice %arg11[%dma_wait3A_853, %dma_wait3A_854] : memref<25x50xi32, #tpu.memory_space<vmem>> -> memref<1x50xi32, #tpu.memory_space<vmem>>
        %dma_wait3A_856 = tpu.memref_squeeze %dma_wait3A_855 : memref<1x50xi32, #tpu.memory_space<vmem>> -> memref<50xi32, #tpu.memory_space<vmem>>
        %dma_wait3A_857 = arith.constant 0 : i32
        %dma_wait3A_858 = arith.constant 0 : i32
        %dma_wait3A_859 = tpu.memref_slice %arg12[%dma_wait3A_857, %dma_wait3A_858] : memref<10240x128xf32, #tpu.memory_space<vmem_shared>> -> memref<10240x128xf32, #tpu.memory_space<vmem_shared>>
        tpu.wait_indirect_dma semaphore(%arg15 : memref<!tpu.dma_semaphore, #tpu.memory_space<semaphore_mem>>) src(%arg7 : memref<50x128xf32, #tpu.memory_space<vmem>>) dst(%dma_wait3A_859 : memref<10240x128xf32, #tpu.memory_space<vmem_shared>>)
        %dma_wait3A_860 = arith.constant 0 : i32
        %dma_wait3A_861 = arith.constant 0 : i32
        %dma_wait3A_862 = tpu.memref_slice %arg10[%dma_wait3A_860, %dma_wait3A_861] : memref<25x50xi32, #tpu.memory_space<vmem>> -> memref<1x50xi32, #tpu.memory_space<vmem>>
        %dma_wait3A_863 = tpu.memref_squeeze %dma_wait3A_862 : memref<1x50xi32, #tpu.memory_space<vmem>> -> memref<50xi32, #tpu.memory_space<vmem>>
        %dma_wait3A_864 = arith.constant 0 : i32
        %dma_wait3A_865 = arith.constant 0 : i32
        %dma_wait3A_866 = tpu.memref_slice %arg2[%dma_wait3A_864, %dma_wait3A_865] : memref<10000x128xf32, #tpu.memory_space<hbm>> -> memref<10000x128xf32, #tpu.memory_space<hbm>>
        tpu.wait_indirect_dma semaphore(%arg17 : memref<!tpu.dma_semaphore, #tpu.memory_space<semaphore_mem>>) src(%dma_wait3A_866 : memref<10000x128xf32, #tpu.memory_space<hbm>>) dst(%arg9 : memref<50x128xf32, #tpu.memory_space<vmem>>)
        %add3A_867 = arith.constant 4 : i32
        %add3A_868 = arith.addi %mul3A_731, %add3A_867 : i32
        %dma_start3A_869 = arith.constant 0 : i32
        %dma_start3A_870 = tpu.memref_slice %arg11[%add3A_868, %dma_start3A_869] : memref<25x50xi32, #tpu.memory_space<vmem>> -> memref<1x50xi32, #tpu.memory_space<vmem>>
        %dma_start3A_871 = tpu.memref_squeeze %dma_start3A_870 : memref<1x50xi32, #tpu.memory_space<vmem>> -> memref<50xi32, #tpu.memory_space<vmem>>
        %dma_start3A_872 = arith.constant 0 : i32
        %dma_start3A_873 = arith.constant 0 : i32
        %dma_start3A_874 = tpu.memref_slice %arg12[%dma_start3A_872, %dma_start3A_873] : memref<10240x128xf32, #tpu.memory_space<vmem_shared>> -> memref<10240x128xf32, #tpu.memory_space<vmem_shared>>
        tpu.enqueue_indirect_dma source(%arg9 : memref<50x128xf32, #tpu.memory_space<vmem>>) target(%dma_start3A_874 : memref<10240x128xf32, #tpu.memory_space<vmem_shared>>) offsets(%dma_start3A_871 : memref<50xi32, #tpu.memory_space<vmem>>) semaphore(%arg17 : memref<!tpu.dma_semaphore, #tpu.memory_space<semaphore_mem>>) {add = true}
        %add3A_875 = arith.constant 4 : i32
        %add3A_876 = arith.addi %mul3A_731, %add3A_875 : i32
        %add3A_877 = arith.constant 3 : i32
        %add3A_878 = arith.addi %add3A_876, %add3A_877 : i32
        %dma_start3A_879 = arith.constant 0 : i32
        %dma_start3A_880 = tpu.memref_slice %arg10[%add3A_878, %dma_start3A_879] : memref<25x50xi32, #tpu.memory_space<vmem>> -> memref<1x50xi32, #tpu.memory_space<vmem>>
        %dma_start3A_881 = tpu.memref_squeeze %dma_start3A_880 : memref<1x50xi32, #tpu.memory_space<vmem>> -> memref<50xi32, #tpu.memory_space<vmem>>
        %dma_start3A_882 = arith.constant 0 : i32
        %dma_start3A_883 = arith.constant 0 : i32
        %dma_start3A_884 = tpu.memref_slice %arg2[%dma_start3A_882, %dma_start3A_883] : memref<10000x128xf32, #tpu.memory_space<hbm>> -> memref<10000x128xf32, #tpu.memory_space<hbm>>
        tpu.enqueue_indirect_dma source(%dma_start3A_884 : memref<10000x128xf32, #tpu.memory_space<hbm>>) target(%arg7 : memref<50x128xf32, #tpu.memory_space<vmem>>) offsets(%dma_start3A_881 : memref<50xi32, #tpu.memory_space<vmem>>) semaphore(%arg15 : memref<!tpu.dma_semaphore, #tpu.memory_space<semaphore_mem>>)
        %dma_wait3A_885 = arith.constant 0 : i32
        %dma_wait3A_886 = arith.constant 0 : i32
        %dma_wait3A_887 = tpu.memref_slice %arg11[%dma_wait3A_885, %dma_wait3A_886] : memref<25x50xi32, #tpu.memory_space<vmem>> -> memref<1x50xi32, #tpu.memory_space<vmem>>
        %dma_wait3A_888 = tpu.memref_squeeze %dma_wait3A_887 : memref<1x50xi32, #tpu.memory_space<vmem>> -> memref<50xi32, #tpu.memory_space<vmem>>
        %dma_wait3A_889 = arith.constant 0 : i32
        %dma_wait3A_890 = arith.constant 0 : i32
        %dma_wait3A_891 = tpu.memref_slice %arg12[%dma_wait3A_889, %dma_wait3A_890] : memref<10240x128xf32, #tpu.memory_space<vmem_shared>> -> memref<10240x128xf32, #tpu.memory_space<vmem_shared>>
        tpu.wait_indirect_dma semaphore(%arg16 : memref<!tpu.dma_semaphore, #tpu.memory_space<semaphore_mem>>) src(%arg8 : memref<50x128xf32, #tpu.memory_space<vmem>>) dst(%dma_wait3A_891 : memref<10240x128xf32, #tpu.memory_space<vmem_shared>>)
      }
      %scan3A_598 = arith.constant 3 : i32
      %dma_wait3A_599 = arith.constant 0 : i32
      %dma_wait3A_600 = arith.constant 0 : i32
      %dma_wait3A_601 = tpu.memref_slice %arg10[%dma_wait3A_599, %dma_wait3A_600] : memref<25x50xi32, #tpu.memory_space<vmem>> -> memref<1x50xi32, #tpu.memory_space<vmem>>
      %dma_wait3A_602 = tpu.memref_squeeze %dma_wait3A_601 : memref<1x50xi32, #tpu.memory_space<vmem>> -> memref<50xi32, #tpu.memory_space<vmem>>
      %dma_wait3A_603 = arith.constant 0 : i32
      %dma_wait3A_604 = arith.constant 0 : i32
      %dma_wait3A_605 = tpu.memref_slice %arg2[%dma_wait3A_603, %dma_wait3A_604] : memref<10000x128xf32, #tpu.memory_space<hbm>> -> memref<10000x128xf32, #tpu.memory_space<hbm>>
      tpu.wait_indirect_dma semaphore(%arg13 : memref<!tpu.dma_semaphore, #tpu.memory_space<semaphore_mem>>) src(%dma_wait3A_605 : memref<10000x128xf32, #tpu.memory_space<hbm>>) dst(%arg5 : memref<50x128xf32, #tpu.memory_space<vmem>>)
      %dma_start3A_606 = arith.constant 20 : i32
      %dma_start3A_607 = arith.constant 0 : i32
      %dma_start3A_608 = tpu.memref_slice %arg11[%dma_start3A_606, %dma_start3A_607] : memref<25x50xi32, #tpu.memory_space<vmem>> -> memref<1x50xi32, #tpu.memory_space<vmem>>
      %dma_start3A_609 = tpu.memref_squeeze %dma_start3A_608 : memref<1x50xi32, #tpu.memory_space<vmem>> -> memref<50xi32, #tpu.memory_space<vmem>>
      %dma_start3A_610 = arith.constant 0 : i32
      %dma_start3A_611 = arith.constant 0 : i32
      %dma_start3A_612 = tpu.memref_slice %arg12[%dma_start3A_610, %dma_start3A_611] : memref<10240x128xf32, #tpu.memory_space<vmem_shared>> -> memref<10240x128xf32, #tpu.memory_space<vmem_shared>>
      tpu.enqueue_indirect_dma source(%arg5 : memref<50x128xf32, #tpu.memory_space<vmem>>) target(%dma_start3A_612 : memref<10240x128xf32, #tpu.memory_space<vmem_shared>>) offsets(%dma_start3A_609 : memref<50xi32, #tpu.memory_space<vmem>>) semaphore(%arg13 : memref<!tpu.dma_semaphore, #tpu.memory_space<semaphore_mem>>) {add = true}
      %dma_wait3A_613 = arith.constant 0 : i32
      %dma_wait3A_614 = arith.constant 0 : i32
      %dma_wait3A_615 = tpu.memref_slice %arg11[%dma_wait3A_613, %dma_wait3A_614] : memref<25x50xi32, #tpu.memory_space<vmem>> -> memref<1x50xi32, #tpu.memory_space<vmem>>
      %dma_wait3A_616 = tpu.memref_squeeze %dma_wait3A_615 : memref<1x50xi32, #tpu.memory_space<vmem>> -> memref<50xi32, #tpu.memory_space<vmem>>
      %dma_wait3A_617 = arith.constant 0 : i32
      %dma_wait3A_618 = arith.constant 0 : i32
      %dma_wait3A_619 = tpu.memref_slice %arg12[%dma_wait3A_617, %dma_wait3A_618] : memref<10240x128xf32, #tpu.memory_space<vmem_shared>> -> memref<10240x128xf32, #tpu.memory_space<vmem_shared>>
      tpu.wait_indirect_dma semaphore(%arg17 : memref<!tpu.dma_semaphore, #tpu.memory_space<semaphore_mem>>) src(%arg9 : memref<50x128xf32, #tpu.memory_space<vmem>>) dst(%dma_wait3A_619 : memref<10240x128xf32, #tpu.memory_space<vmem_shared>>)
      %dma_start3A_620 = arith.constant 23 : i32
      %dma_start3A_621 = arith.constant 0 : i32
      %dma_start3A_622 = tpu.memref_slice %arg10[%dma_start3A_620, %dma_start3A_621] : memref<25x50xi32, #tpu.memory_space<vmem>> -> memref<1x50xi32, #tpu.memory_space<vmem>>
      %dma_start3A_623 = tpu.memref_squeeze %dma_start3A_622 : memref<1x50xi32, #tpu.memory_space<vmem>> -> memref<50xi32, #tpu.memory_space<vmem>>
      %dma_start3A_624 = arith.constant 0 : i32
      %dma_start3A_625 = arith.constant 0 : i32
      %dma_start3A_626 = tpu.memref_slice %arg2[%dma_start3A_624, %dma_start3A_625] : memref<10000x128xf32, #tpu.memory_space<hbm>> -> memref<10000x128xf32, #tpu.memory_space<hbm>>
      tpu.enqueue_indirect_dma source(%dma_start3A_626 : memref<10000x128xf32, #tpu.memory_space<hbm>>) target(%arg8 : memref<50x128xf32, #tpu.memory_space<vmem>>) offsets(%dma_start3A_623 : memref<50xi32, #tpu.memory_space<vmem>>) semaphore(%arg16 : memref<!tpu.dma_semaphore, #tpu.memory_space<semaphore_mem>>)
      %dma_wait3A_627 = arith.constant 0 : i32
      %dma_wait3A_628 = arith.constant 0 : i32
      %dma_wait3A_629 = tpu.memref_slice %arg10[%dma_wait3A_627, %dma_wait3A_628] : memref<25x50xi32, #tpu.memory_space<vmem>> -> memref<1x50xi32, #tpu.memory_space<vmem>>
      %dma_wait3A_630 = tpu.memref_squeeze %dma_wait3A_629 : memref<1x50xi32, #tpu.memory_space<vmem>> -> memref<50xi32, #tpu.memory_space<vmem>>
      %dma_wait3A_631 = arith.constant 0 : i32
      %dma_wait3A_632 = arith.constant 0 : i32
      %dma_wait3A_633 = tpu.memref_slice %arg2[%dma_wait3A_631, %dma_wait3A_632] : memref<10000x128xf32, #tpu.memory_space<hbm>> -> memref<10000x128xf32, #tpu.memory_space<hbm>>
      tpu.wait_indirect_dma semaphore(%arg14 : memref<!tpu.dma_semaphore, #tpu.memory_space<semaphore_mem>>) src(%dma_wait3A_633 : memref<10000x128xf32, #tpu.memory_space<hbm>>) dst(%arg6 : memref<50x128xf32, #tpu.memory_space<vmem>>)
      %dma_start3A_634 = arith.constant 21 : i32
      %dma_start3A_635 = arith.constant 0 : i32
      %dma_start3A_636 = tpu.memref_slice %arg11[%dma_start3A_634, %dma_start3A_635] : memref<25x50xi32, #tpu.memory_space<vmem>> -> memref<1x50xi32, #tpu.memory_space<vmem>>
      %dma_start3A_637 = tpu.memref_squeeze %dma_start3A_636 : memref<1x50xi32, #tpu.memory_space<vmem>> -> memref<50xi32, #tpu.memory_space<vmem>>
      %dma_start3A_638 = arith.constant 0 : i32
      %dma_start3A_639 = arith.constant 0 : i32
      %dma_start3A_640 = tpu.memref_slice %arg12[%dma_start3A_638, %dma_start3A_639] : memref<10240x128xf32, #tpu.memory_space<vmem_shared>> -> memref<10240x128xf32, #tpu.memory_space<vmem_shared>>
      tpu.enqueue_indirect_dma source(%arg6 : memref<50x128xf32, #tpu.memory_space<vmem>>) target(%dma_start3A_640 : memref<10240x128xf32, #tpu.memory_space<vmem_shared>>) offsets(%dma_start3A_637 : memref<50xi32, #tpu.memory_space<vmem>>) semaphore(%arg14 : memref<!tpu.dma_semaphore, #tpu.memory_space<semaphore_mem>>) {add = true}
      %dma_wait3A_641 = arith.constant 0 : i32
      %dma_wait3A_642 = arith.constant 0 : i32
      %dma_wait3A_643 = tpu.memref_slice %arg11[%dma_wait3A_641, %dma_wait3A_642] : memref<25x50xi32, #tpu.memory_space<vmem>> -> memref<1x50xi32, #tpu.memory_space<vmem>>
      %dma_wait3A_644 = tpu.memref_squeeze %dma_wait3A_643 : memref<1x50xi32, #tpu.memory_space<vmem>> -> memref<50xi32, #tpu.memory_space<vmem>>
      %dma_wait3A_645 = arith.constant 0 : i32
      %dma_wait3A_646 = arith.constant 0 : i32
      %dma_wait3A_647 = tpu.memref_slice %arg12[%dma_wait3A_645, %dma_wait3A_646] : memref<10240x128xf32, #tpu.memory_space<vmem_shared>> -> memref<10240x128xf32, #tpu.memory_space<vmem_shared>>
      tpu.wait_indirect_dma semaphore(%arg13 : memref<!tpu.dma_semaphore, #tpu.memory_space<semaphore_mem>>) src(%arg5 : memref<50x128xf32, #tpu.memory_space<vmem>>) dst(%dma_wait3A_647 : memref<10240x128xf32, #tpu.memory_space<vmem_shared>>)
      %dma_start3A_648 = arith.constant 24 : i32
      %dma_start3A_649 = arith.constant 0 : i32
      %dma_start3A_650 = tpu.memref_slice %arg10[%dma_start3A_648, %dma_start3A_649] : memref<25x50xi32, #tpu.memory_space<vmem>> -> memref<1x50xi32, #tpu.memory_space<vmem>>
      %dma_start3A_651 = tpu.memref_squeeze %dma_start3A_650 : memref<1x50xi32, #tpu.memory_space<vmem>> -> memref<50xi32, #tpu.memory_space<vmem>>
      %dma_start3A_652 = arith.constant 0 : i32
      %dma_start3A_653 = arith.constant 0 : i32
      %dma_start3A_654 = tpu.memref_slice %arg2[%dma_start3A_652, %dma_start3A_653] : memref<10000x128xf32, #tpu.memory_space<hbm>> -> memref<10000x128xf32, #tpu.memory_space<hbm>>
      tpu.enqueue_indirect_dma source(%dma_start3A_654 : memref<10000x128xf32, #tpu.memory_space<hbm>>) target(%arg9 : memref<50x128xf32, #tpu.memory_space<vmem>>) offsets(%dma_start3A_651 : memref<50xi32, #tpu.memory_space<vmem>>) semaphore(%arg17 : memref<!tpu.dma_semaphore, #tpu.memory_space<semaphore_mem>>)
      %dma_wait3A_655 = arith.constant 0 : i32
      %dma_wait3A_656 = arith.constant 0 : i32
      %dma_wait3A_657 = tpu.memref_slice %arg10[%dma_wait3A_655, %dma_wait3A_656] : memref<25x50xi32, #tpu.memory_space<vmem>> -> memref<1x50xi32, #tpu.memory_space<vmem>>
      %dma_wait3A_658 = tpu.memref_squeeze %dma_wait3A_657 : memref<1x50xi32, #tpu.memory_space<vmem>> -> memref<50xi32, #tpu.memory_space<vmem>>
      %dma_wait3A_659 = arith.constant 0 : i32
      %dma_wait3A_660 = arith.constant 0 : i32
      %dma_wait3A_661 = tpu.memref_slice %arg2[%dma_wait3A_659, %dma_wait3A_660] : memref<10000x128xf32, #tpu.memory_space<hbm>> -> memref<10000x128xf32, #tpu.memory_space<hbm>>
      tpu.wait_indirect_dma semaphore(%arg15 : memref<!tpu.dma_semaphore, #tpu.memory_space<semaphore_mem>>) src(%dma_wait3A_661 : memref<10000x128xf32, #tpu.memory_space<hbm>>) dst(%arg7 : memref<50x128xf32, #tpu.memory_space<vmem>>)
      %dma_start3A_662 = arith.constant 22 : i32
      %dma_start3A_663 = arith.constant 0 : i32
      %dma_start3A_664 = tpu.memref_slice %arg11[%dma_start3A_662, %dma_start3A_663] : memref<25x50xi32, #tpu.memory_space<vmem>> -> memref<1x50xi32, #tpu.memory_space<vmem>>
      %dma_start3A_665 = tpu.memref_squeeze %dma_start3A_664 : memref<1x50xi32, #tpu.memory_space<vmem>> -> memref<50xi32, #tpu.memory_space<vmem>>
      %dma_start3A_666 = arith.constant 0 : i32
      %dma_start3A_667 = arith.constant 0 : i32
      %dma_start3A_668 = tpu.memref_slice %arg12[%dma_start3A_666, %dma_start3A_667] : memref<10240x128xf32, #tpu.memory_space<vmem_shared>> -> memref<10240x128xf32, #tpu.memory_space<vmem_shared>>
      tpu.enqueue_indirect_dma source(%arg7 : memref<50x128xf32, #tpu.memory_space<vmem>>) target(%dma_start3A_668 : memref<10240x128xf32, #tpu.memory_space<vmem_shared>>) offsets(%dma_start3A_665 : memref<50xi32, #tpu.memory_space<vmem>>) semaphore(%arg15 : memref<!tpu.dma_semaphore, #tpu.memory_space<semaphore_mem>>) {add = true}
      %dma_wait3A_669 = arith.constant 0 : i32
      %dma_wait3A_670 = arith.constant 0 : i32
      %dma_wait3A_671 = tpu.memref_slice %arg11[%dma_wait3A_669, %dma_wait3A_670] : memref<25x50xi32, #tpu.memory_space<vmem>> -> memref<1x50xi32, #tpu.memory_space<vmem>>
      %dma_wait3A_672 = tpu.memref_squeeze %dma_wait3A_671 : memref<1x50xi32, #tpu.memory_space<vmem>> -> memref<50xi32, #tpu.memory_space<vmem>>
      %dma_wait3A_673 = arith.constant 0 : i32
      %dma_wait3A_674 = arith.constant 0 : i32
      %dma_wait3A_675 = tpu.memref_slice %arg12[%dma_wait3A_673, %dma_wait3A_674] : memref<10240x128xf32, #tpu.memory_space<vmem_shared>> -> memref<10240x128xf32, #tpu.memory_space<vmem_shared>>
      tpu.wait_indirect_dma semaphore(%arg14 : memref<!tpu.dma_semaphore, #tpu.memory_space<semaphore_mem>>) src(%arg6 : memref<50x128xf32, #tpu.memory_space<vmem>>) dst(%dma_wait3A_675 : memref<10240x128xf32, #tpu.memory_space<vmem_shared>>)
      %dma_wait3A_676 = arith.constant 0 : i32
      %dma_wait3A_677 = arith.constant 0 : i32
      %dma_wait3A_678 = tpu.memref_slice %arg10[%dma_wait3A_676, %dma_wait3A_677] : memref<25x50xi32, #tpu.memory_space<vmem>> -> memref<1x50xi32, #tpu.memory_space<vmem>>
      %dma_wait3A_679 = tpu.memref_squeeze %dma_wait3A_678 : memref<1x50xi32, #tpu.memory_space<vmem>> -> memref<50xi32, #tpu.memory_space<vmem>>
      %dma_wait3A_680 = arith.constant 0 : i32
      %dma_wait3A_681 = arith.constant 0 : i32
      %dma_wait3A_682 = tpu.memref_slice %arg2[%dma_wait3A_680, %dma_wait3A_681] : memref<10000x128xf32, #tpu.memory_space<hbm>> -> memref<10000x128xf32, #tpu.memory_space<hbm>>
      tpu.wait_indirect_dma semaphore(%arg16 : memref<!tpu.dma_semaphore, #tpu.memory_space<semaphore_mem>>) src(%dma_wait3A_682 : memref<10000x128xf32, #tpu.memory_space<hbm>>) dst(%arg8 : memref<50x128xf32, #tpu.memory_space<vmem>>)
      %dma_start3A_683 = arith.constant 23 : i32
      %dma_start3A_684 = arith.constant 0 : i32
      %dma_start3A_685 = tpu.memref_slice %arg11[%dma_start3A_683, %dma_start3A_684] : memref<25x50xi32, #tpu.memory_space<vmem>> -> memref<1x50xi32, #tpu.memory_space<vmem>>
      %dma_start3A_686 = tpu.memref_squeeze %dma_start3A_685 : memref<1x50xi32, #tpu.memory_space<vmem>> -> memref<50xi32, #tpu.memory_space<vmem>>
      %dma_start3A_687 = arith.constant 0 : i32
      %dma_start3A_688 = arith.constant 0 : i32
      %dma_start3A_689 = tpu.memref_slice %arg12[%dma_start3A_687, %dma_start3A_688] : memref<10240x128xf32, #tpu.memory_space<vmem_shared>> -> memref<10240x128xf32, #tpu.memory_space<vmem_shared>>
      tpu.enqueue_indirect_dma source(%arg8 : memref<50x128xf32, #tpu.memory_space<vmem>>) target(%dma_start3A_689 : memref<10240x128xf32, #tpu.memory_space<vmem_shared>>) offsets(%dma_start3A_686 : memref<50xi32, #tpu.memory_space<vmem>>) semaphore(%arg16 : memref<!tpu.dma_semaphore, #tpu.memory_space<semaphore_mem>>) {add = true}
      %dma_wait3A_690 = arith.constant 0 : i32
      %dma_wait3A_691 = arith.constant 0 : i32
      %dma_wait3A_692 = tpu.memref_slice %arg11[%dma_wait3A_690, %dma_wait3A_691] : memref<25x50xi32, #tpu.memory_space<vmem>> -> memref<1x50xi32, #tpu.memory_space<vmem>>
      %dma_wait3A_693 = tpu.memref_squeeze %dma_wait3A_692 : memref<1x50xi32, #tpu.memory_space<vmem>> -> memref<50xi32, #tpu.memory_space<vmem>>
      %dma_wait3A_694 = arith.constant 0 : i32
      %dma_wait3A_695 = arith.constant 0 : i32
      %dma_wait3A_696 = tpu.memref_slice %arg12[%dma_wait3A_694, %dma_wait3A_695] : memref<10240x128xf32, #tpu.memory_space<vmem_shared>> -> memref<10240x128xf32, #tpu.memory_space<vmem_shared>>
      tpu.wait_indirect_dma semaphore(%arg15 : memref<!tpu.dma_semaphore, #tpu.memory_space<semaphore_mem>>) src(%arg7 : memref<50x128xf32, #tpu.memory_space<vmem>>) dst(%dma_wait3A_696 : memref<10240x128xf32, #tpu.memory_space<vmem_shared>>)
      %dma_wait3A_697 = arith.constant 0 : i32
      %dma_wait3A_698 = arith.constant 0 : i32
      %dma_wait3A_699 = tpu.memref_slice %arg10[%dma_wait3A_697, %dma_wait3A_698] : memref<25x50xi32, #tpu.memory_space<vmem>> -> memref<1x50xi32, #tpu.memory_space<vmem>>
      %dma_wait3A_700 = tpu.memref_squeeze %dma_wait3A_699 : memref<1x50xi32, #tpu.memory_space<vmem>> -> memref<50xi32, #tpu.memory_space<vmem>>
      %dma_wait3A_701 = arith.constant 0 : i32
      %dma_wait3A_702 = arith.constant 0 : i32
      %dma_wait3A_703 = tpu.memref_slice %arg2[%dma_wait3A_701, %dma_wait3A_702] : memref<10000x128xf32, #tpu.memory_space<hbm>> -> memref<10000x128xf32, #tpu.memory_space<hbm>>
      tpu.wait_indirect_dma semaphore(%arg17 : memref<!tpu.dma_semaphore, #tpu.memory_space<semaphore_mem>>) src(%dma_wait3A_703 : memref<10000x128xf32, #tpu.memory_space<hbm>>) dst(%arg9 : memref<50x128xf32, #tpu.memory_space<vmem>>)
      %dma_start3A_704 = arith.constant 24 : i32
      %dma_start3A_705 = arith.constant 0 : i32
      %dma_start3A_706 = tpu.memref_slice %arg11[%dma_start3A_704, %dma_start3A_705] : memref<25x50xi32, #tpu.memory_space<vmem>> -> memref<1x50xi32, #tpu.memory_space<vmem>>
      %dma_start3A_707 = tpu.memref_squeeze %dma_start3A_706 : memref<1x50xi32, #tpu.memory_space<vmem>> -> memref<50xi32, #tpu.memory_space<vmem>>
      %dma_start3A_708 = arith.constant 0 : i32
      %dma_start3A_709 = arith.constant 0 : i32
      %dma_start3A_710 = tpu.memref_slice %arg12[%dma_start3A_708, %dma_start3A_709] : memref<10240x128xf32, #tpu.memory_space<vmem_shared>> -> memref<10240x128xf32, #tpu.memory_space<vmem_shared>>
      tpu.enqueue_indirect_dma source(%arg9 : memref<50x128xf32, #tpu.memory_space<vmem>>) target(%dma_start3A_710 : memref<10240x128xf32, #tpu.memory_space<vmem_shared>>) offsets(%dma_start3A_707 : memref<50xi32, #tpu.memory_space<vmem>>) semaphore(%arg17 : memref<!tpu.dma_semaphore, #tpu.memory_space<semaphore_mem>>) {add = true}
      %dma_wait3A_711 = arith.constant 0 : i32
      %dma_wait3A_712 = arith.constant 0 : i32
      %dma_wait3A_713 = tpu.memref_slice %arg11[%dma_wait3A_711, %dma_wait3A_712] : memref<25x50xi32, #tpu.memory_space<vmem>> -> memref<1x50xi32, #tpu.memory_space<vmem>>
      %dma_wait3A_714 = tpu.memref_squeeze %dma_wait3A_713 : memref<1x50xi32, #tpu.memory_space<vmem>> -> memref<50xi32, #tpu.memory_space<vmem>>
      %dma_wait3A_715 = arith.constant 0 : i32
      %dma_wait3A_716 = arith.constant 0 : i32
      %dma_wait3A_717 = tpu.memref_slice %arg12[%dma_wait3A_715, %dma_wait3A_716] : memref<10240x128xf32, #tpu.memory_space<vmem_shared>> -> memref<10240x128xf32, #tpu.memory_space<vmem_shared>>
      tpu.wait_indirect_dma semaphore(%arg16 : memref<!tpu.dma_semaphore, #tpu.memory_space<semaphore_mem>>) src(%arg8 : memref<50x128xf32, #tpu.memory_space<vmem>>) dst(%dma_wait3A_717 : memref<10240x128xf32, #tpu.memory_space<vmem_shared>>)
      %dma_wait3A_718 = arith.constant 0 : i32
      %dma_wait3A_719 = arith.constant 0 : i32
      %dma_wait3A_720 = tpu.memref_slice %arg11[%dma_wait3A_718, %dma_wait3A_719] : memref<25x50xi32, #tpu.memory_space<vmem>> -> memref<1x50xi32, #tpu.memory_space<vmem>>
      %dma_wait3A_721 = tpu.memref_squeeze %dma_wait3A_720 : memref<1x50xi32, #tpu.memory_space<vmem>> -> memref<50xi32, #tpu.memory_space<vmem>>
      %dma_wait3A_722 = arith.constant 0 : i32
      %dma_wait3A_723 = arith.constant 0 : i32
      %dma_wait3A_724 = tpu.memref_slice %arg12[%dma_wait3A_722, %dma_wait3A_723] : memref<10240x128xf32, #tpu.memory_space<vmem_shared>> -> memref<10240x128xf32, #tpu.memory_space<vmem_shared>>
      tpu.wait_indirect_dma semaphore(%arg17 : memref<!tpu.dma_semaphore, #tpu.memory_space<semaphore_mem>>) src(%arg9 : memref<50x128xf32, #tpu.memory_space<vmem>>) dst(%dma_wait3A_724 : memref<10240x128xf32, #tpu.memory_space<vmem_shared>>)
    }
    %scan3A_444 = arith.constant 8 : i32
    %barrier3A_445 = arith.constant 0 : index
    tpu.barrier barrier_id(%barrier3A_445)
    %lt3A = arith.constant 15 : i32
    %lt3A_446 = arith.cmpi slt, %arg1, %lt3A : i32
    %convert_element_type3A = arith.extui %lt3A_446 : i1 to i32
    %cond3A = arith.constant 0 : i32
    %cond3A_447 = arith.cmpi ne, %convert_element_type3A, %cond3A : i32
    scf.if %cond3A_447 {
      %mul3A_452 = arith.constant 640 : i32
      %mul3A_453 = arith.muli %arg1, %mul3A_452 : i32
      %mul3A_454 = arith.constant 640 : i32
      %mul3A_455 = arith.muli %arg1, %mul3A_454 : i32
      "tpu.region"() ({
        %run_scoped3A_456 = tpu.sem_alloc : memref<!tpu.dma_semaphore, #tpu.memory_space<semaphore_mem>>
        %dma_start3A_457 = arith.constant 0 : i32
        %dma_start3A_458 = tpu.memref_slice %arg4[%arg0, %mul3A_455, %dma_start3A_457] : memref<2x10240x128xf32, #tpu.memory_space<hbm>> -> memref<1x640x128xf32, #tpu.memory_space<hbm>>
        %dma_start3A_459 = tpu.memref_squeeze %dma_start3A_458 : memref<1x640x128xf32, #tpu.memory_space<hbm>> -> memref<640x128xf32, #tpu.memory_space<hbm>>
        %dma_start3A_460 = arith.constant 0 : i32
        %dma_start3A_461 = tpu.memref_slice %arg12[%mul3A_453, %dma_start3A_460] : memref<10240x128xf32, #tpu.memory_space<vmem_shared>> -> memref<640x128xf32, #tpu.memory_space<vmem_shared>>
        tpu.enqueue_dma source(%dma_start3A_461 : memref<640x128xf32, #tpu.memory_space<vmem_shared>>) target(%dma_start3A_459 : memref<640x128xf32, #tpu.memory_space<hbm>>) target_semaphore(%run_scoped3A_456 : memref<!tpu.dma_semaphore, #tpu.memory_space<semaphore_mem>>)
        %dma_wait3A_462 = arith.constant 0 : i32
        %dma_wait3A_463 = tpu.memref_slice %arg4[%arg0, %mul3A_455, %dma_wait3A_462] : memref<2x10240x128xf32, #tpu.memory_space<hbm>> -> memref<1x640x128xf32, #tpu.memory_space<hbm>>
        %dma_wait3A_464 = tpu.memref_squeeze %dma_wait3A_463 : memref<1x640x128xf32, #tpu.memory_space<hbm>> -> memref<640x128xf32, #tpu.memory_space<hbm>>
        %dma_wait3A_465 = arith.constant 0 : i32
        %dma_wait3A_466 = tpu.memref_slice %arg12[%mul3A_453, %dma_wait3A_465] : memref<10240x128xf32, #tpu.memory_space<vmem_shared>> -> memref<640x128xf32, #tpu.memory_space<vmem_shared>>
        tpu.wait_dma2 semaphore(%run_scoped3A_456 : memref<!tpu.dma_semaphore, #tpu.memory_space<semaphore_mem>>) src(%dma_wait3A_466 : memref<640x128xf32, #tpu.memory_space<vmem_shared>>) dst(%dma_wait3A_464 : memref<640x128xf32, #tpu.memory_space<hbm>>)
        tpu.yield
      }) : () -> ()
    } else {
    }
    %eq3A = arith.constant 15 : i32
    %eq3A_448 = arith.cmpi eq, %arg1, %eq3A : i32
    %convert_element_type3A_449 = arith.extui %eq3A_448 : i1 to i32
    %cond3A_450 = arith.constant 0 : i32
    %cond3A_451 = arith.cmpi ne, %convert_element_type3A_449, %cond3A_450 : i32
    scf.if %cond3A_451 {
      "tpu.region"() ({
        %run_scoped3A_452 = tpu.sem_alloc : memref<!tpu.dma_semaphore, #tpu.memory_space<semaphore_mem>>
        %dma_start3A_453 = arith.constant 9600 : i32
        %dma_start3A_454 = arith.constant 0 : i32
        %dma_start3A_455 = tpu.memref_slice %arg4[%arg0, %dma_start3A_453, %dma_start3A_454] : memref<2x10240x128xf32, #tpu.memory_space<hbm>> -> memref<1x400x128xf32, #tpu.memory_space<hbm>>
        %dma_start3A_456 = tpu.memref_squeeze %dma_start3A_455 : memref<1x400x128xf32, #tpu.memory_space<hbm>> -> memref<400x128xf32, #tpu.memory_space<hbm>>
        %dma_start3A_457 = arith.constant 9600 : i32
        %dma_start3A_458 = arith.constant 0 : i32
        %dma_start3A_459 = tpu.memref_slice %arg12[%dma_start3A_457, %dma_start3A_458] : memref<10240x128xf32, #tpu.memory_space<vmem_shared>> -> memref<400x128xf32, #tpu.memory_space<vmem_shared>>
        tpu.enqueue_dma source(%dma_start3A_459 : memref<400x128xf32, #tpu.memory_space<vmem_shared>>) target(%dma_start3A_456 : memref<400x128xf32, #tpu.memory_space<hbm>>) target_semaphore(%run_scoped3A_452 : memref<!tpu.dma_semaphore, #tpu.memory_space<semaphore_mem>>)
        %dma_wait3A_460 = arith.constant 9600 : i32
        %dma_wait3A_461 = arith.constant 0 : i32
        %dma_wait3A_462 = tpu.memref_slice %arg4[%arg0, %dma_wait3A_460, %dma_wait3A_461] : memref<2x10240x128xf32, #tpu.memory_space<hbm>> -> memref<1x400x128xf32, #tpu.memory_space<hbm>>
        %dma_wait3A_463 = tpu.memref_squeeze %dma_wait3A_462 : memref<1x400x128xf32, #tpu.memory_space<hbm>> -> memref<400x128xf32, #tpu.memory_space<hbm>>
        %dma_wait3A_464 = arith.constant 9600 : i32
        %dma_wait3A_465 = arith.constant 0 : i32
        %dma_wait3A_466 = tpu.memref_slice %arg12[%dma_wait3A_464, %dma_wait3A_465] : memref<10240x128xf32, #tpu.memory_space<vmem_shared>> -> memref<400x128xf32, #tpu.memory_space<vmem_shared>>
        tpu.wait_dma2 semaphore(%run_scoped3A_452 : memref<!tpu.dma_semaphore, #tpu.memory_space<semaphore_mem>>) src(%dma_wait3A_466 : memref<400x128xf32, #tpu.memory_space<vmem_shared>>) dst(%dma_wait3A_463 : memref<400x128xf32, #tpu.memory_space<hbm>>)
        tpu.yield
      }) : () -> ()
    } else {
    }
    return
  }
}

module attributes {stable_mosaic.version = 14 : i64} {
  func.func @_mm_kernel(%arg0: i32, %arg1: memref<2x2000x128xf32, #tpu.memory_space<vmem>>, %arg2: memref<128x128xf32, #tpu.memory_space<vmem>>, %arg3: memref<2000x128xf32, #tpu.memory_space<vmem>>) attributes {dimension_semantics = [#tpu.dimension_semantics<arbitrary>], iteration_bounds = array<i64: 5>, scalar_prefetch = 0 : i64, scratch_operands = 0 : i64, tpu.core_type = #tpu.core_type<tc>, window_params = [{transform_indices = @transform_0, window_bounds = array<i64: 2, 2000, 128>}, {pipeline_mode = #tpu.pipeline_mode<synchronous>, transform_indices = @transform_1, window_bounds = array<i64: 128, 128>}, {transform_indices = @transform_2, window_bounds = array<i64: 2000, 128>}]} {
    %get3A = arith.constant 0 : index
    %get3A_0 = arith.constant 0 : index
    %get3A_1 = arith.constant 0 : index
    %get3A_2 = vector.load %arg1[%get3A, %get3A_0, %get3A_1] : memref<2x2000x128xf32, #tpu.memory_space<vmem>>, vector<1x2000x128xf32>
    %get3A_3 = vector.shape_cast %get3A_2 : vector<1x2000x128xf32> to vector<2000x128xf32>
    %get3A_4 = arith.constant 1 : index
    %get3A_5 = arith.constant 0 : index
    %get3A_6 = arith.constant 0 : index
    %get3A_7 = vector.load %arg1[%get3A_4, %get3A_5, %get3A_6] : memref<2x2000x128xf32, #tpu.memory_space<vmem>>, vector<1x2000x128xf32>
    %get3A_8 = vector.shape_cast %get3A_7 : vector<1x2000x128xf32> to vector<2000x128xf32>
    %add3A = arith.addf %get3A_3, %get3A_8 : vector<2000x128xf32>
    %get3A_9 = arith.constant 0 : index
    %get3A_10 = arith.constant 0 : index
    %get3A_11 = vector.load %arg2[%get3A_9, %get3A_10] : memref<128x128xf32, #tpu.memory_space<vmem>>, vector<128x128xf32>
    %dot_general3A = arith.constant dense<0.000000e+00> : vector<2000x128xf32>
    %dot_general3A_12 = tpu.matmul %add3A, %get3A_11, %dot_general3A {dimension_numbers = #tpu.dot_dimension_numbers<[1], [0], [0], [1], [0, 0, 1, 1], [], []>, transpose_lhs_hint = false} : vector<2000x128xf32>, vector<128x128xf32>, vector<2000x128xf32> -> vector<2000x128xf32>
    %swap3A = arith.constant 0 : index
    %swap3A_13 = arith.constant 0 : index
    %swap3A_14 = vector.load %arg3[%swap3A, %swap3A_13] : memref<2000x128xf32, #tpu.memory_space<vmem>>, vector<2000x128xf32>
    tpu.vector_store %arg3[%swap3A, %swap3A_13], %dot_general3A_12 {strides = array<i32>} : memref<2000x128xf32, #tpu.memory_space<vmem>>, vector<2000x128xf32>,
    return
  }
  func.func @transform_0(%arg0: i32) -> (i32, i32, i32) {
    %c0_i32 = arith.constant 0 : i32
    %c0_i32_0 = arith.constant 0 : i32
    %c0_i32_1 = arith.constant 0 : i32
    return %c0_i32, %arg0, %c0_i32_0 : i32, i32, i32
  }
  func.func @transform_1(%arg0: i32) -> (i32, i32) {
    %c0_i32 = arith.constant 0 : i32
    %c0_i32_0 = arith.constant 0 : i32
    %c0_i32_1 = arith.constant 0 : i32
    return %c0_i32, %c0_i32_0 : i32, i32
  }
  func.func @transform_2(%arg0: i32) -> (i32, i32) {
    %c0_i32 = arith.constant 0 : i32
    %c0_i32_0 = arith.constant 0 : i32
    return %arg0, %c0_i32 : i32, i32
  }
}

</mosaic_0001>

<sc_bundles>
// kernel: kernel.4.cloned.1.call-start
scs
__scs_entry_jumppad:
0x0: {  	(pc) =	sbr.rel $0x88, $3  }
0x1: {  	(tag) =	ssettag $0x0;
	lr =	simm.s32 $0x1  }
0x2: {  	[smem:$0x3F9E] =	sst lr;
	_ =	strace $0xD0000000  }
0x3: {  	_ = 	snop  }
0x4: {  	_ = 	snop  }
0x5: {  	_ = 	snop  }
0x6: {  	_ = 	snop  }
0x7: {  	_ = 	snop  }
__scs_overlays_trampoline_lowered:
0x8: {  	[smem:$0x3FAD] =	sst s0  }
0x9: {  	[smem:$0x3FAE] =	sst s1  }
0xa: {  	[smem:$0x3FAF] =	sst s2  }
0xb: {  	[smem:$0x3FB0] =	sst s3  }
0xc: {  	[smem:$0x3FB1] =	sst s4  }
0xd: {  	[smem:$0x3FB2] =	sst s5  }
0xe: {  	[smem:$0x3FB3] =	sst s6  }
0xf: {  	[smem:$0x3FB4] =	sst s7  }
0x10: {  	[smem:$0x3FB5] =	sst s8  }
0x11: {  	[smem:$0x3FB6] =	sst s9;
	s0 =	simm.s32 @!p0 $0x0  }
0x12: {  	s1 =	sld [smem:$0x3F9C];
	s0 =	simm.s32 @p0 $0x1  }
0x13: {  	[smem:$0x3FB7] =	sst s0;
	s0 =	simm.s32 @!p1 $0x0  }
0x14: {  	s2 =	sld [smem:$0x3F9B];
	s0 =	simm.s32 @p1 $0x1  }
0x15: {  	[smem:$0x3FB8] =	sst s0;
	s0 =	simm.s32 @!p2 $0x0  }
0x16: {  	s3 =	sld [smem:$0x3FDB];
	s0 =	simm.s32 @p2 $0x1  }
0x17: {  	s4 =	simm.s32 $0x1BF5;
	[smem:$0x3FBA] =	sst s0  }
0x18: {  	s0 =	sld [smem:$0x3F9D];
	_ =	swait.ge [sflag:s4], $0x0  }
0x19: {  	s7 =	sld [smem:$0x3F9E]  }
0x1a: {  	s8 =	sadd.s32 $0xFFFFE003, lr  }
0x1b: {  	s9 =	sadd.s32 $0xFFFFFEF7, lr;
	s5 =	simm.s32 $0xFFFFFFFF;
	p2 =	slt.u32 s8, $0xFFFFF086  }
0x1c: {  	p1 =	slt.u32 s9, $0xF7A;
	s5 =	simm.s32 @!p2 $0x0  }
0x1d: {  	s5 =	simm.s32 @p1 $0x1;
	p0 =	seq.s32 s7, s2  }
0x1e: {  	s7 =	smul.u32 @!p0 $0xF7A, s2;
	p2 =	seq.s32 @!p0 s5, $0x0  }
0x1f: {  	s9 =	smul.u32 $0xF7A, s1;
	s8 =	simm.s32 @!p0 $0x1BF5;
	p2 =	por !p2, p0  }
0x20: {  	[sflag:s8] =	ssyncset.s32 @!p0 $0xFFFFF086;
	s6 =	sadd.s32 @!p0 s3, s7;
	s7 =	simm.s32 @!p0 $0x108  }
0x21: {  	s3 =	sadd.s32 s3, s9;
	s6 =	sadd.s32 @!p0 $0x88, s6;
	s7 =	simm.s32 @p2 $0x1082  }
0x22: {  	[simem:s7], [sflag:s8] =	dma.local @!p0 [hbm:s6], $0xF7A  }
0x23: {  	s9 =	sor.u32 $0xD0000000, s2;
	s6 =	simm.s32 $0x108;
	_ =	swait.ge @!p0 [sflag:s8], $0x0  }
0x24: {  	s3 =	sadd.s32 $0x88, s3;
	s6 =	simm.s32 @!p1 $0x1082;
	[sflag:s4] =	ssyncset.s32 $0xFFFFF086  }
0x25: {  	[simem:s6], [sflag:s4] =	dma.local [hbm:s3], $0xF7A  }
0x26: {  	[smem:$0x3F9E] =	sst s1;
	(tag) =	ssettag s2;
	_ =	strace s9  }
0x27: {  	s1 =	sld [smem:$0x3FAE]  }
0x28: {  	s2 =	sld [smem:$0x3FAF]  }
0x29: {  	s4 =	sld [smem:$0x3FB1]  }
0x2a: {  	p0 =	seq.s32 s5, $0x0;
	s5 =	sld [smem:$0x3FB2]  }
0x2b: {  	s6 =	sld [smem:$0x3FB3]  }
0x2c: {  	s7 =	sld [smem:$0x3FB4]  }
0x2d: {  	s3 =	simm.s32 $0x108;
	s8 =	sld [smem:$0x3FB5]  }
0x2e: {  	s3 =	simm.s32 @!p0 $0x1082;
	s9 =	sld [smem:$0x3FB6]  }
0x2f: {  	lr =	sadd.s32 s0, s3;
	s0 =	sld [smem:$0x3FAD]  }
0x30: {  	s3 =	sld [smem:$0x3FB0]  }
0x31: {  	[smem:$0x3FB9] =	sst s10  }
0x32: {  	s10 =	sld [smem:$0x3FB7];
	_ =	sdelay $0x3  }
0x33: {  	p0 =	seq.s32 s10, $0x1;
	s10 =	sld [smem:$0x3FB9];
	_ =	sdelay $0x3  }
0x34: {  	[smem:$0x3FB9] =	sst s10  }
0x35: {  	s10 =	sld [smem:$0x3FB8];
	_ =	sdelay $0x3  }
0x36: {  	p1 =	seq.s32 s10, $0x1;
	s10 =	sld [smem:$0x3FB9];
	_ =	sdelay $0x3  }
0x37: {  	[smem:$0x3FB9] =	sst s10  }
0x38: {  	s10 =	sld [smem:$0x3FBA]  }
0x39: {  	_ = 	snop;
	(pc) =	sbr.ind lr, $3  }
0x3a: {  	_ = 	snop  }
0x3b: {  	_ = 	snop  }
0x3c: {  	p2 =	seq.s32 s10, $0x1;
	s10 =	sld [smem:$0x3FB9]  }
0x3d: {  	_ =	shalt  }
0x3e: {  	_ =	shalt  }
0x3f: {  	_ =	shalt  }
0x40: {  	_ =	shalt  }
0x41: {  	_ =	shalt  }
0x42: {  	_ =	shalt  }
0x43: {  	_ =	shalt  }
0x44: {  	_ =	shalt  }
0x45: {  	_ =	shalt  }
0x46: {  	_ =	shalt  }
0x47: {  	_ =	shalt  }
0x48: {  	_ =	shalt  }
0x49: {  	_ =	shalt  }
0x4a: {  	_ =	shalt  }
0x4b: {  	_ =	shalt  }
0x4c: {  	_ =	shalt  }
0x4d: {  	_ =	shalt  }
0x4e: {  	_ =	shalt  }
0x4f: {  	_ =	shalt  }
0x50: {  	_ =	shalt  }
0x51: {  	_ =	shalt  }
0x52: {  	_ =	shalt  }
0x53: {  	_ =	shalt  }
0x54: {  	_ =	shalt  }
0x55: {  	_ =	shalt  }
0x56: {  	_ =	shalt  }
0x57: {  	_ =	shalt  }
0x58: {  	_ =	shalt  }
0x59: {  	_ =	shalt  }
0x5a: {  	_ =	shalt  }
0x5b: {  	_ =	shalt  }
0x5c: {  	_ =	shalt  }
0x5d: {  	_ =	shalt  }
0x5e: {  	_ =	shalt  }
0x5f: {  	_ =	shalt  }
0x60: {  	_ =	shalt  }
0x61: {  	_ =	shalt  }
0x62: {  	_ =	shalt  }
0x63: {  	_ =	shalt  }
0x64: {  	_ =	shalt  }
0x65: {  	_ =	shalt  }
0x66: {  	_ =	shalt  }
0x67: {  	_ =	shalt  }
0x68: {  	_ =	shalt  }
0x69: {  	_ =	shalt  }
0x6a: {  	_ =	shalt  }
0x6b: {  	_ =	shalt  }
0x6c: {  	_ =	shalt  }
0x6d: {  	_ =	shalt  }
0x6e: {  	_ =	shalt  }
0x6f: {  	_ =	shalt  }
0x70: {  	_ =	shalt  }
0x71: {  	_ =	shalt  }
0x72: {  	_ =	shalt  }
0x73: {  	_ =	shalt  }
0x74: {  	_ =	shalt  }
0x75: {  	_ =	shalt  }
0x76: {  	_ =	shalt  }
0x77: {  	_ =	shalt  }
0x78: {  	_ =	shalt  }
0x79: {  	_ =	shalt  }
0x7a: {  	_ =	shalt  }
0x7b: {  	_ =	shalt  }
0x7c: {  	_ =	shalt  }
0x7d: {  	_ =	shalt  }
0x7e: {  	_ =	shalt  }
0x7f: {  	_ =	shalt  }
0x80: {  	_ =	shalt  }
0x81: {  	_ =	shalt  }
0x82: {  	_ =	shalt  }
0x83: {  	_ =	shalt  }
0x84: {  	_ =	shalt  }
0x85: {  	_ =	shalt  }
0x86: {  	_ =	shalt  }
0x87: {  	_ =	shalt  }
.Lfunc_end0:
.L_simem_size_0:
called_computation_lowered:
.L_overlay_start_0:
0x88: {  	s2 =	sld [smem:$0x3FD9]  }
0x89: {  	s3 =	sld [smem:$0x3FFE];
	_ =	sdelay $0x1  }
0x8a: {  	s1 =	srdreg.scid  }
0x8b: {  	s0 =	sand.u32 $0x1, s1  }
0x8c: {  	s17 =	sshll.u32 s0, $0xA;
	s2 =	sadd.s32 s3, s2  }
0x8d: {  	s2 =	sadd.s32 s2, s17  }
0x8e: {  	[smem:$0x3FC5] =	sst s2  }
0x8f: {  	_ = 	snop  }
0x90: {  	s2 =	sld [smem:$0x3FC9];
	(tm) =	ssettm $0x1  }
0x91: {  	s18 =	sld [smem:$0x3FFB];
	_ =	sdelay $0x3  }
0x92: {  	_ =	strace s18  }
0x93: {  	s3 =	sld [smem:$0x3FFC];
	_ =	sdelay $0x3  }
0x94: {  	_ =	strace s3  }
0x95: {  	s3 =	sld [smem:$0x3FFD];
	_ =	sdelay $0x3  }
0x96: {  	_ =	strace s3  }
0x97: {  	_ =	strace $0x8FFFFFFF  }
0x98: {  	s19 =	sld [smem:$0x3FDB];
	_ =	sdelay $0x1  }
0x99: {  	s4 =	simm.s32 $_scs_section_size  }
0x9a: {  	s5 =	simm.s32 $_size__tile_overlayer_lowered;
	s6 =	simm.s32 $_tile_overlayer_lowered  }
0x9b: {  	s22 =	simm.s32 $0x1BFF;
	s21 =	sshll.u32 s6, $0x1;
	s3 =	sadd.s32 s4, s19  }
0x9c: {  	s7 =	simm.s32 $0x0;
	s20 =	sshll.u32 s5, $0x1;
	s5 =	sadd.s32 s21, s3  }
0x9d: {  	[timem:s7], [sflag:s22] =	dma.local [hbm:s5], s20  }
0x9e: {  	_ =	swait.ge [sflag:s22], s20  }
0x9f: {  	s4 =	ssub.s32 $0x0, s20;
	[sflag:s22] =	ssyncset.done $0x0  }
0xa0: {  	[sflag:s22] =	ssyncadd.s32 s4;
	_ =	sdelay $0x1  }
0xa1: {  	s23 =	simm.s32 $0x1B8B  }
0xa2: {  	_ =	swait.ge [sflag:s23], $0x1  }
0xa3: {  	[sflag:s23] =	ssyncset.done $0x0  }
0xa4: {  	s25 =	simm.s32 $0x1B8E;
	s24 =	sld [smem:$0x3FFE];
	[sflag:s23] =	ssyncadd.s32 $0xFFFFFFFF  }
0xa5: {  	s26 =	simm.s32 $execute0_lowered;
	[smem:$0x3FD2] =	sst s25  }
0xa6: {  	s5 =	sshll.u32 s26, $0x1;
	_ =	strace $0x80000046;
	[dreg:$0x1] =	wrdreg $0xFFFFFFFF  }
0xa7: {  	s28 =	simm.s32 $_size_execute0_lowered;
	s3 =	sadd.s32 s3, s5;
	[dreg:$0x0] =	wrdreg $0x0  }
0xa8: {  	s5 =	sshll.u32 s28, $0x1;
	[dreg:$0x2] =	wrdreg s3  }
0xa9: {  	[dreg:$0x3] =	wrdreg s5  }
0xaa: {  	[dreg:$0x4] =	wrdreg $0xC0  }
0xab: {  	_ =	task [dreg:s7], $0x5FFFF  }
0xac: {  	[dreg:$0x1] =	wrdreg $0xFFFFFFFF  }
0xad: {  	[dreg:$0x0] =	wrdreg $0x60  }
0xae: {  	[dreg:$0x2] =	wrdreg s2  }
0xaf: {  	[dreg:$0x3] =	wrdreg s24  }
0xb0: {  	[dreg:$0x4] =	wrdreg $0xAC000  }
0xb1: {  	[dreg:$0x5] =	wrdreg $0x9  }
0xb2: {  	_ =	task.clear_ibuf [dreg:s7], $0x6FFFF;
	_ =	strace $0x90000046  }
0xb3: {  	s29 =	simm.s32 $0x9;
	_ =	strace $0x80000048  }
0xb4: {  	_ =	swait.ge [sflag:s29], $0x1  }
0xb5: {  	[sflag:s29] =	ssyncadd.s32 $0xFFFFFFFF  }
0xb6: {  	_ =	strace $0x90000048  }
0xb7: {  	_ =	sfence  }
0xb8: {  	s30 =	sld [smem:$0x0];
	_ =	sdelay $0x2  }
0xb9: {  	s31 =	sshll.u32 s1, $0xD;
	s1 =	sshrl.u32 s1, $0x2  }
0xba: {  	s3 =	sand.u32 $0x4000, s31;
	s1 =	sadd.s32 s1, s30  }
0xbb: {  	s0 =	sor.u32 s3, s0;
	s1 =	sshll.u32 s1, $0x11  }
0xbc: {  	s0 =	sor.u32 s1, s0  }
0xbd: {  	s0 =	sadd.s32 $0x8F2B, s0  }
0xbe: {  	[sflag:s0] =	ssyncadd.remote.s32 $0x1  }
0xbf: {  	_ =	sfence.sel $0xFFFF  }
0xc0: {  	[dreg:$0x0] =	wrdreg $0xFFFFFFFF;
	(pc) =	sbr.abs _section_cstart, $3  }
0xc1: {  	[dreg:$0x1] =	wrdreg $0xFFFFFFFF  }
0xc2: {  	_ =	task.clear_ibuf [dreg:s7], $0x2FFFF;
	_ =	strace $0x9FFFFFFF  }
0xc3: {  	(tm) =	ssettm $0x7FFFFFFF  }
tec
execute0_lowered:
.L_overlay_start_1:
0x0: {  	(tag) =	ssettag $0x1  }
0x1: {  	s1 =	rddreg [dreg:$0x0]  }
0x2: {  	s0 =	rddreg [dreg:$0x1]  }
0x3: {  	s2 =	rddreg [dreg:$0x2];
	s3 =	simm.s32 $0x0  }
0x4: {  	s4 =	simm.s32 $0x8D80;
	[smem:$0x7FF] =	sst s3  }
0x5: {  	s25 =	simm.s32 $0x9C80;
	_ =	strace $0x80000047;
	[dreg:$0x4] =	wrdreg s4  }
0x6: {  	s26 =	simm.s32 $0x8E00;
	[dreg:$0x5] =	wrdreg s25  }
0x7: {  	s28 =	simm.s32 $0x9D00;
	[dreg:$0x6] =	wrdreg s26  }
0x8: {  	s7 =	simm.s32 $0x8E80;
	[dreg:$0x7] =	wrdreg s28  }
0x9: {  	s8 =	simm.s32 $0x9D80;
	[dreg:$0x8] =	wrdreg s7  }
0xa: {  	s9 =	simm.s32 $0x8F00;
	[dreg:$0x9] =	wrdreg s8  }
0xb: {  	s11 =	simm.s32 $0x9E00;
	[dreg:$0xa] =	wrdreg s9  }
0xc: {  	s12 =	simm.s32 $0x8F80;
	[dreg:$0xb] =	wrdreg s11  }
0xd: {  	s14 =	simm.s32 $0x9E80;
	[dreg:$0xc] =	wrdreg s12  }
0xe: {  	s15 =	simm.s32 $0x9000;
	[dreg:$0xd] =	wrdreg s14  }
0xf: {  	s17 =	simm.s32 $0x9F00;
	[dreg:$0xe] =	wrdreg s15  }
0x10: {  	s18 =	simm.s32 $0x9F80;
	[dreg:$0xf] =	wrdreg s17  }
0x11: {  	s19 =	simm.s32 $0x9100;
	[dreg:$0x11] =	wrdreg s18  }
0x12: {  	s21 =	simm.s32 $0xA000;
	[dreg:$0x12] =	wrdreg s19  }
0x13: {  	s22 =	simm.s32 $0x9180;
	[dreg:$0x13] =	wrdreg s21  }
0x14: {  	s24 =	simm.s32 $0xA080;
	[dreg:$0x14] =	wrdreg s22  }
0x15: {  	s5 =	srdreg.scid;
	s9 =	simm.s32 $0x9080;
	[dreg:$0x15] =	wrdreg s24  }
0x16: {  	s10 =	stileid.u32;
	s25 =	simm.s32 $0x9200;
	[dreg:$0x10] =	wrdreg s9  }
0x17: {  	s6 =	sand.u32 $0x1, s5;
	s28 =	simm.s32 $0xA100;
	[dreg:$0x16] =	wrdreg s25  }
0x18: {  	s20 =	smul.u32 $0x50000, s10;
	s12 =	simm.s32 $0x9280;
	[dreg:$0x17] =	wrdreg s28  }
0x19: {  	s5 =	sshll.u32 s6, $0x13;
	s14 =	simm.s32 $0xA180;
	[dreg:$0x18] =	wrdreg s12  }
0x1a: {  	s7 =	sshll.u32 s10, $0xF;
	s18 =	simm.s32 $0xA200;
	[dreg:$0x19] =	wrdreg s14  }
0x1b: {  	s4 =	sadd.s32 $0x40800, s0;
	s22 =	simm.s32 $0xA280;
	[dreg:$0x1b] =	wrdreg s18  }
0x1c: {  	s16 =	ssub.s32 $0x2, s6;
	s24 =	simm.s32 $0x9400;
	[dreg:$0x1d] =	wrdreg s22  }
0x1d: {  	s23 =	sshrl.u32 s20, $0x2;
	s20 =	simm.s32 $0x9380;
	[dreg:$0x1e] =	wrdreg s24  }
0x1e: {  	s5 =	sor.u32 s7, s5;
	s18 =	simm.s32 $0x9580;
	[dreg:$0x1c] =	wrdreg s20  }
0x1f: {  	s8 =	sshrl.u32 s16, $0x1;
	s22 =	simm.s32 $0x9680;
	[smem:$0x7F0] =	sst s18  }
0x20: {  	s24 =	simm.s32 $0x9700;
	s5 =	sshrl.u32 s5, $0x3;
	[smem:$0x7F5] =	sst s22  }
0x21: {  	s20 =	simm.s32 $0x9600;
	[smem:$0x7F8] =	sst s24;
	s13 =	sadd.s32 s5, s0  }
0x22: {  	s0 =	ssub.s32 s16, s8;
	s16 =	simm.s32 $0x9300;
	[smem:$0x7F2] =	sst s20  }
0x23: {  	s7 =	sadd.s32 $0x20800, s13;
	[dreg:$0x1a] =	wrdreg s16  }
0x24: {  	s16 =	simm.s32 $0xA400;
	[smem:$0x7DE] =	sst s7  }
0x25: {  	s0 =	smax.u32 s0, $0x1;
	s7 =	sadd.s32 s23, s2;
	[smem:$0x7EE] =	sst s16  }
0x26: {  	[smem:$0x7FC] =	sst s0;
	s26 =	sadd.s32 $0x1400, s7  }
0x27: {  	s11 =	sadd.s32 $0x2800, s7;
	[smem:$0x7DF] =	sst s26  }
0x28: {  	s5 =	sadd.s32 $0x800, s13;
	s13 =	sadd.s32 $0x3C00, s7;
	[smem:$0x7E0] =	sst s11  }
0x29: {  	s15 =	sadd.s32 $0x5000, s7;
	[smem:$0x7E1] =	sst s13  }
0x2a: {  	s17 =	sadd.s32 $0x6400, s7;
	[smem:$0x7E2] =	sst s15  }
0x2b: {  	s19 =	sadd.s32 $0x7800, s7;
	[smem:$0x7E3] =	sst s17  }
0x2c: {  	s21 =	sadd.s32 $0x8C00, s7;
	[smem:$0x7E4] =	sst s19  }
0x2d: {  	s29 =	simm.s32 $0x6;
	s23 =	sadd.s32 $0xA000, s7;
	[smem:$0x7E5] =	sst s21  }
0x2e: {  	s30 =	simm.s32 $0x9C00;
	s25 =	sadd.s32 $0xB400, s7;
	[smem:$0x7E6] =	sst s23  }
0x2f: {  	s31 =	simm.s32 $0x32;
	s28 =	sadd.s32 $0xC800, s7;
	[smem:$0x7E7] =	sst s25  }
0x30: {  	p0 =	seq.s32 s10, $0xF;
	s12 =	sadd.s32 $0xDC00, s7;
	[smem:$0x7E8] =	sst s28  }
0x31: {  	s6 =	smul.u32 $0x140000, s6;
	s14 =	sadd.s32 $0xF000, s7;
	[smem:$0x7E9] =	sst s12  }
0x32: {  	s18 =	simm.s32 $0xA800;
	s26 =	simm.s32 $0xA300;
	[smem:$0x7EB] =	sst s14  }
0x33: {  	s8 =	simm.s32 $0x5;
	s11 =	simm.s32 $0x9480;
	[dreg:$0x1f] =	wrdreg s26  }
0x34: {  	s16 =	simm.s32 $0xA700;
	s13 =	simm.s32 $0xA380;
	[smem:$0x7EA] =	sst s11  }
0x35: {  	s15 =	simm.s32 $0x9500;
	s17 =	smul.u32 $0x14000, s10;
	[smem:$0x7EC] =	sst s13  }
0x36: {  	s19 =	simm.s32 $0xA480;
	s21 =	simm.s32 $0xA500;
	[smem:$0x7ED] =	sst s15  }
0x37: {  	s23 =	simm.s32 $0xA580;
	s25 =	sadd.s32 $0x11800, s7;
	[smem:$0x7F1] =	sst s19  }
0x38: {  	s28 =	simm.s32 $0x9780;
	s10 =	simm.s32 $0x5400;
	[smem:$0x7F4] =	sst s21  }
0x39: {  	s12 =	simm.s32 $0x3;
	s14 =	simm.s32 $0xA680;
	[smem:$0x7F6] =	sst s23  }
0x3a: {  	s11 =	sadd.s32 $0x10400, s7;
	[smem:$0x7F7] =	sst s25;
	s26 =	simm.s32 $0xA600  }
0x3b: {  	[smem:$0x7FB] =	sst s28;
	s13 =	simm.s32 $0x4;
	s15 =	simm.s32 $0x9800  }
0x3c: {  	s19 =	simm.s32 $0x0;
	[smem:$0x7EF] =	sst s11;
	s9 =	sadd.s32 s17, s6  }
0x3d: {  	s6 =	sshrl.u32 s6, $0x3;
	[smem:$0x7FA] =	sst s26;
	s9 =	sshrl.u32 s9, $0x3  }
0x3e: {  	s26 =	sadd.s32 $0x12C00, s7;
	s9 =	sadd.s32 s4, s9;
	s4 =	sadd.s32 s4, s6  }
0x3f: {  	s11 =	simm.s32 $0x2;
	s17 =	simm.s32 $0xA780;
	s4 =	sadd.s32 $0x25800, s4  }
0x40: {  	s6 =	simm.s32 $0x7000;
	[smem:$0x7F9] =	sst s4;
	s4 =	sadd.s32 $0x12C000, s2  }
0x41: {  	[smem:$0x7F3] =	sst s9;
	s9 =	simm.s32 $0x1;
	s0 =	sshrl.u32 @p0 s4, $0x3  }
0x42: {  	v0 =	vimm.f32 $0.0e+00;
	s4 =	simm.s32 $0x3800;
	[smem:$0x7FD] =	sst s0;
	s0 =	simm.s32 $0x1C00  }
.LBB2_1:
0x43: {  	s21 =	simm.s32 $0x8C00  }
0x44: {  	[tilespmem:s21], [sflag:$0x6] =	stream.linear.gather [hbm4b:s5+s3], $0xC80, $0x38;
	[tilespmem:$0x1EC00] =	vst v63  }
0x45: {  	_ =	swait.ge [sflag:s29], $0xC80  }
0x46: {  	s20 =	sld [smem:$0x7DE]  }
0x47: {  	[sflag:s29] =	ssyncset.done $0x0  }
0x48: {  	[sflag:s29] =	ssyncadd.s32 $0xFFFFF380  }
0x49: {  	[tilespmem:s30], [sflag:$0x6] =	stream.linear.gather [hbm4b:s20+s3], $0xC80, $0x38;
	[tilespmem:$0x1EC00] =	vst v63  }
0x4a: {  	_ =	swait.ge [sflag:s29], $0xC80  }
0x4b: {  	[sflag:s29] =	ssyncset.done $0x0  }
0x4c: {  	[sflag:s29] =	ssyncadd.s32 $0xFFFFF380  }
0x4d: {  	[tilespmem:s3], [sflag:$0x1] =	stream.indirect.gather [hbm4b:s1+s31], $0x80, s21, s31, $0xb8;
	[tilespmem:$0x1EC00] =	vst v63  }
0x4e: {  	s25 =	simm.s32 $0x8C80  }
0x4f: {  	[tilespmem:s0], [sflag:$0x2] =	stream.indirect.gather [hbm4b:s1+s31], $0x80, s25, s31, $0xb8;
	[tilespmem:$0x1EC00] =	vst v63  }
0x50: {  	s28 =	simm.s32 $0x8D00;
	s20 =	simm.s32 $0x70;
	s21 =	simm.s32 $0x3C0  }
0x51: {  	[tilespmem:s4], [sflag:$0x3] =	stream.indirect.gather [hbm4b:s1+s31], $0x80, s28, s31, $0xb8;
	[tilespmem:$0x1EC00] =	vst v63  }
.LBB2_2:
0x52: {  	p1 =	sne.s32 s21, $0x4FC0;
	[tilespmem:s20+$0x7000] =	vst v0  }
0x53: {  	[tilespmem:s20+$0x6F90] =	vst v0  }
0x54: {  	[tilespmem:s20+$0x6FA0] =	vst v0  }
.Ltmp0:
0x55: {  	[tilespmem:s20+$0x6FB0] =	vst v0;
	(pc) =	sbr.rel @p1 .LBB2_2-.Ltmp0, $4  }
0x56: {  	[tilespmem:s20+$0x6FC0] =	vst v0  }
0x57: {  	[tilespmem:s20+$0x6FD0] =	vst v0  }
0x58: {  	[tilespmem:s20+$0x6FE0] =	vst v0  }
0x59: {  	[tilespmem:s20+$0x6FF0] =	vst v0;
	s20 =	sshra.s32 s21, $0x2;
	s21 =	sadd.s32 $0x200, s21  }
0x5a: {  	[tilespmem:s20+$0x7000] =	vst v0  }
0x5b: {  	[tilespmem:s20+$0x6F90] =	vst v0  }
0x5c: {  	[tilespmem:s20+$0x6FA0] =	vst v0  }
0x5d: {  	[tilespmem:s20+$0x6FB0] =	vst v0  }
0x5e: {  	[tilespmem:s20+$0x6FC0] =	vst v0  }
0x5f: {  	[tilespmem:s20+$0x6FD0] =	vst v0  }
0x60: {  	[tilespmem:s20+$0x6FE0] =	vst v0  }
0x61: {  	[tilespmem:s20+$0x6FF0] =	vst v0;
	s28 =	sld [smem:$0x7DF]  }
0x62: {  	[spmem:s7] =	stream.linear.scatter [tilespmem:s6], [sflag:$0x5], $0x1400, $0x38;
	[tilespmem:$0x1EC00] =	vst v63  }
0x63: {  	s21 =	sld [smem:$0x7E0]  }
0x64: {  	[spmem:s28] =	stream.linear.scatter [tilespmem:s6], [sflag:$0x5], $0x1400, $0x38;
	[tilespmem:$0x1EC00] =	vst v63  }
0x65: {  	s22 =	sld [smem:$0x7E1]  }
0x66: {  	[spmem:s21] =	stream.linear.scatter [tilespmem:s6], [sflag:$0x5], $0x1400, $0x38;
	[tilespmem:$0x1EC00] =	vst v63  }
0x67: {  	s23 =	sld [smem:$0x7E2]  }
0x68: {  	[spmem:s22] =	stream.linear.scatter [tilespmem:s6], [sflag:$0x5], $0x1400, $0x38;
	[tilespmem:$0x1EC00] =	vst v63  }
0x69: {  	s24 =	sld [smem:$0x7E3]  }
0x6a: {  	[spmem:s23] =	stream.linear.scatter [tilespmem:s6], [sflag:$0x5], $0x1400, $0x38;
	[tilespmem:$0x1EC00] =	vst v63  }
0x6b: {  	s25 =	sld [smem:$0x7E4]  }
0x6c: {  	[spmem:s24] =	stream.linear.scatter [tilespmem:s6], [sflag:$0x5], $0x1400, $0x38;
	[tilespmem:$0x1EC00] =	vst v63  }
0x6d: {  	s28 =	sld [smem:$0x7E5]  }
0x6e: {  	[spmem:s25] =	stream.linear.scatter [tilespmem:s6], [sflag:$0x5], $0x1400, $0x38;
	[tilespmem:$0x1EC00] =	vst v63  }
0x6f: {  	s21 =	sld [smem:$0x7E6]  }
0x70: {  	[spmem:s28] =	stream.linear.scatter [tilespmem:s6], [sflag:$0x5], $0x1400, $0x38;
	[tilespmem:$0x1EC00] =	vst v63  }
0x71: {  	s22 =	sld [smem:$0x7E7]  }
0x72: {  	[spmem:s21] =	stream.linear.scatter [tilespmem:s6], [sflag:$0x5], $0x1400, $0x38;
	[tilespmem:$0x1EC00] =	vst v63  }
0x73: {  	s23 =	sld [smem:$0x7E8]  }
0x74: {  	[spmem:s22] =	stream.linear.scatter [tilespmem:s6], [sflag:$0x5], $0x1400, $0x38;
	[tilespmem:$0x1EC00] =	vst v63  }
0x75: {  	s24 =	sld [smem:$0x7E9]  }
0x76: {  	[spmem:s23] =	stream.linear.scatter [tilespmem:s6], [sflag:$0x5], $0x1400, $0x38;
	[tilespmem:$0x1EC00] =	vst v63  }
0x77: {  	s25 =	sld [smem:$0x7EB]  }
0x78: {  	[spmem:s24] =	stream.linear.scatter [tilespmem:s6], [sflag:$0x5], $0x1400, $0x38;
	[tilespmem:$0x1EC00] =	vst v63  }
0x79: {  	s28 =	sld [smem:$0x7EF]  }
0x7a: {  	[spmem:s25] =	stream.linear.scatter [tilespmem:s6], [sflag:$0x5], $0x1400, $0x38;
	[tilespmem:$0x1EC00] =	vst v63  }
0x7b: {  	s21 =	sld [smem:$0x7F7]  }
0x7c: {  	[spmem:s28] =	stream.linear.scatter [tilespmem:s6], [sflag:$0x5], $0x1400, $0x38;
	[tilespmem:$0x1EC00] =	vst v63  }
0x7d: {  	_ = 	snop  }
0x7e: {  	[spmem:s21] =	stream.linear.scatter [tilespmem:s6], [sflag:$0x5], $0x1400, $0x38;
	[tilespmem:$0x1EC00] =	vst v63  }
0x7f: {  	_ = 	snop  }
0x80: {  	[spmem:s26] =	stream.linear.scatter [tilespmem:s6], [sflag:$0x5], $0x1400, $0x38;
	[tilespmem:$0x1EC00] =	vst v63  }
0x81: {  	_ =	swait.ge [sflag:s8], $0x1400  }
0x82: {  	[sflag:s8] =	ssyncset.done $0x0  }
0x83: {  	[sflag:s8] =	ssyncadd.s32 $0xFFFFEC00  }
0x84: {  	_ =	swait.ge [sflag:s8], $0x1400  }
0x85: {  	[sflag:s8] =	ssyncset.done $0x0  }
0x86: {  	[sflag:s8] =	ssyncadd.s32 $0xFFFFEC00  }
0x87: {  	_ =	swait.ge [sflag:s8], $0x1400  }
0x88: {  	[sflag:s8] =	ssyncset.done $0x0  }
0x89: {  	[sflag:s8] =	ssyncadd.s32 $0xFFFFEC00  }
0x8a: {  	_ =	swait.ge [sflag:s8], $0x1400  }
0x8b: {  	[sflag:s8] =	ssyncset.done $0x0  }
0x8c: {  	[sflag:s8] =	ssyncadd.s32 $0xFFFFEC00  }
0x8d: {  	_ =	swait.ge [sflag:s8], $0x1400  }
0x8e: {  	[sflag:s8] =	ssyncset.done $0x0  }
0x8f: {  	[sflag:s8] =	ssyncadd.s32 $0xFFFFEC00  }
0x90: {  	_ =	swait.ge [sflag:s8], $0x1400  }
0x91: {  	[sflag:s8] =	ssyncset.done $0x0  }
0x92: {  	[sflag:s8] =	ssyncadd.s32 $0xFFFFEC00  }
0x93: {  	_ =	swait.ge [sflag:s8], $0x1400  }
0x94: {  	[sflag:s8] =	ssyncset.done $0x0  }
0x95: {  	[sflag:s8] =	ssyncadd.s32 $0xFFFFEC00  }
0x96: {  	_ =	swait.ge [sflag:s8], $0x1400  }
0x97: {  	[sflag:s8] =	ssyncset.done $0x0  }
0x98: {  	[sflag:s8] =	ssyncadd.s32 $0xFFFFEC00  }
0x99: {  	_ =	swait.ge [sflag:s8], $0x1400  }
0x9a: {  	[sflag:s8] =	ssyncset.done $0x0  }
0x9b: {  	[sflag:s8] =	ssyncadd.s32 $0xFFFFEC00  }
0x9c: {  	_ =	swait.ge [sflag:s8], $0x1400  }
0x9d: {  	[sflag:s8] =	ssyncset.done $0x0  }
0x9e: {  	[sflag:s8] =	ssyncadd.s32 $0xFFFFEC00  }
0x9f: {  	_ =	swait.ge [sflag:s8], $0x1400  }
0xa0: {  	[sflag:s8] =	ssyncset.done $0x0  }
0xa1: {  	[sflag:s8] =	ssyncadd.s32 $0xFFFFEC00  }
0xa2: {  	_ =	swait.ge [sflag:s8], $0x1400  }
0xa3: {  	[sflag:s8] =	ssyncset.done $0x0  }
0xa4: {  	[sflag:s8] =	ssyncadd.s32 $0xFFFFEC00  }
0xa5: {  	_ =	swait.ge [sflag:s8], $0x1400  }
0xa6: {  	[sflag:s8] =	ssyncset.done $0x0  }
0xa7: {  	[sflag:s8] =	ssyncadd.s32 $0xFFFFEC00  }
0xa8: {  	_ =	swait.ge [sflag:s8], $0x1400  }
0xa9: {  	[sflag:s8] =	ssyncset.done $0x0  }
0xaa: {  	[sflag:s8] =	ssyncadd.s32 $0xFFFFEC00  }
0xab: {  	_ =	swait.ge [sflag:s8], $0x1400  }
0xac: {  	[sflag:s8] =	ssyncset.done $0x0  }
0xad: {  	[sflag:s8] =	ssyncadd.s32 $0xFFFFEC00  }
0xae: {  	_ =	swait.ge [sflag:s8], $0x1400  }
0xaf: {  	p1 =	por $0x1, $0x1;
	[sflag:s8] =	ssyncset.done $0x0  }
0xb0: {  	s20 =	sadd.s32 @!p1 $0x0, s5;
	s22 =	simm.s32 @!p1 $0x6;
	[sflag:s8] =	ssyncadd.s32 $0xFFFFEC00  }
0xb1: {  	s28 =	simm.s32 @!p1 $0x8C00;
	s21 =	simm.s32 @!p1 $0x0;
	[bflag:$0x0] =	sbarrier.arrive $0xFFFF  }
0xb2: {  	[tilespmem:s28], [sflag:$0x6] =	stream.linear.gather @!p1 [hbm4b:s20+s21], $0xC80, $0x38;
	[tilespmem:$0x1EC00] =	vst v63  }
0xb3: {  	_ =	swait.ge @!p1 [sflag:s22], $0xC80  }
0xb4: {  	[sflag:s22] =	ssyncset.done @!p1 $0x0  }
0xb5: {  	s23 =	simm.s32 @!p1 $0x9C00;
	s20 =	sadd.s32 @!p1 $0x20000, s20;
	[sflag:s22] =	ssyncadd.s32 @!p1 $0xFFFFF380  }
0xb6: {  	[tilespmem:s23], [sflag:$0x6] =	stream.linear.gather @!p1 [hbm4b:s20+s21], $0xC80, $0x38;
	[tilespmem:$0x1EC00] =	vst v63  }
0xb7: {  	_ =	swait.ge @!p1 [sflag:s22], $0xC80  }
0xb8: {  	[sflag:s22] =	ssyncset.done @!p1 $0x0  }
0xb9: {  	s20 =	simm.s32 @!p1 $0x32;
	[sflag:s22] =	ssyncadd.s32 @!p1 $0xFFFFF380  }
0xba: {  	[tilespmem:s21], [sflag:$0x1] =	stream.indirect.gather @!p1 [hbm4b:s1+s20], $0x80, s28, s20, $0xb8;
	[tilespmem:$0x1EC00] =	vst v63  }
0xbb: {  	s22 =	simm.s32 @!p1 $0x1C00;
	s21 =	simm.s32 @!p1 $0x8C80  }
0xbc: {  	[tilespmem:s22], [sflag:$0x2] =	stream.indirect.gather @!p1 [hbm4b:s1+s20], $0x80, s21, s20, $0xb8;
	[tilespmem:$0x1EC00] =	vst v63  }
0xbd: {  	s21 =	simm.s32 @!p1 $0x8D00;
	s22 =	simm.s32 @!p1 $0x3800  }
0xbe: {  	[tilespmem:s22], [sflag:$0x3] =	stream.indirect.gather @!p1 [hbm4b:s1+s20], $0x80, s21, s20, $0xb8;
	[tilespmem:$0x1EC00] =	vst v63  }
0xbf: {  	_ =	swait.ge [sflag:s9], $0x1900  }
0xc0: {  	[sflag:s9] =	ssyncset.done $0x0  }
0xc1: {  	[sflag:s9] =	ssyncadd.s32 $0xFFFFE700  }
0xc2: {  	[spmem:s2] =	stream.indirect.scatter.add.f32 [tilespmem:s3], [sflag:$0x1], $0x80, s30, s31, $0xb8;
	[tilespmem:$0x1EC00] =	vst v63  }
0xc3: {  	s22 =	rddreg [dreg:$0x4]  }
0xc4: {  	[tilespmem:s10], [sflag:$0x4] =	stream.indirect.gather [hbm4b:s1+s31], $0x80, s22, s31, $0xb8;
	[tilespmem:$0x1EC00] =	vst v63  }
0xc5: {  	_ =	swait.ge [sflag:s11], $0x1900  }
0xc6: {  	[sflag:s11] =	ssyncset.done $0x0  }
0xc7: {  	s23 =	rddreg [dreg:$0x5];
	[sflag:s11] =	ssyncadd.s32 $0xFFFFE700  }
0xc8: {  	[spmem:s2] =	stream.indirect.scatter.add.f32 [tilespmem:s0], [sflag:$0x2], $0x80, s23, s31, $0xb8;
	[tilespmem:$0x1EC00] =	vst v63  }
0xc9: {  	_ =	swait.ge [sflag:s9], $0x1900  }
0xca: {  	[sflag:s9] =	ssyncset.done $0x0  }
0xcb: {  	s24 =	rddreg [dreg:$0x6];
	[sflag:s9] =	ssyncadd.s32 $0xFFFFE700  }
0xcc: {  	[tilespmem:s6], [sflag:$0x5] =	stream.indirect.gather [hbm4b:s1+s31], $0x80, s24, s31, $0xb8;
	[tilespmem:$0x1EC00] =	vst v63  }
0xcd: {  	_ =	swait.ge [sflag:s12], $0x1900  }
0xce: {  	[sflag:s12] =	ssyncset.done $0x0  }
0xcf: {  	s25 =	rddreg [dreg:$0x7];
	[sflag:s12] =	ssyncadd.s32 $0xFFFFE700  }
0xd0: {  	[spmem:s2] =	stream.indirect.scatter.add.f32 [tilespmem:s4], [sflag:$0x3], $0x80, s25, s31, $0xb8;
	[tilespmem:$0x1EC00] =	vst v63  }
0xd1: {  	_ =	swait.ge [sflag:s11], $0x1900  }
0xd2: {  	[sflag:s11] =	ssyncset.done $0x0  }
0xd3: {  	s28 =	rddreg [dreg:$0x8];
	[sflag:s11] =	ssyncadd.s32 $0xFFFFE700  }
0xd4: {  	[tilespmem:s3], [sflag:$0x1] =	stream.indirect.gather [hbm4b:s1+s31], $0x80, s28, s31, $0xb8;
	[tilespmem:$0x1EC00] =	vst v63  }
0xd5: {  	_ =	swait.ge [sflag:s13], $0x1900  }
0xd6: {  	[sflag:s13] =	ssyncset.done $0x0  }
0xd7: {  	s21 =	rddreg [dreg:$0x9];
	[sflag:s13] =	ssyncadd.s32 $0xFFFFE700  }
0xd8: {  	[spmem:s2] =	stream.indirect.scatter.add.f32 [tilespmem:s10], [sflag:$0x4], $0x80, s21, s31, $0xb8;
	[tilespmem:$0x1EC00] =	vst v63  }
0xd9: {  	_ =	swait.ge [sflag:s12], $0x1900  }
0xda: {  	[sflag:s12] =	ssyncset.done $0x0  }
0xdb: {  	s22 =	rddreg [dreg:$0xa];
	[sflag:s12] =	ssyncadd.s32 $0xFFFFE700  }
0xdc: {  	[tilespmem:s0], [sflag:$0x2] =	stream.indirect.gather [hbm4b:s1+s31], $0x80, s22, s31, $0xb8;
	[tilespmem:$0x1EC00] =	vst v63  }
0xdd: {  	_ =	swait.ge [sflag:s8], $0x1900  }
0xde: {  	[sflag:s8] =	ssyncset.done $0x0  }
0xdf: {  	s23 =	rddreg [dreg:$0xb];
	[sflag:s8] =	ssyncadd.s32 $0xFFFFE700  }
0xe0: {  	[spmem:s2] =	stream.indirect.scatter.add.f32 [tilespmem:s6], [sflag:$0x5], $0x80, s23, s31, $0xb8;
	[tilespmem:$0x1EC00] =	vst v63  }
0xe1: {  	_ =	swait.ge [sflag:s13], $0x1900  }
0xe2: {  	[sflag:s13] =	ssyncset.done $0x0  }
0xe3: {  	s24 =	rddreg [dreg:$0xc];
	[sflag:s13] =	ssyncadd.s32 $0xFFFFE700  }
0xe4: {  	[tilespmem:s4], [sflag:$0x3] =	stream.indirect.gather [hbm4b:s1+s31], $0x80, s24, s31, $0xb8;
	[tilespmem:$0x1EC00] =	vst v63  }
0xe5: {  	_ =	swait.ge [sflag:s9], $0x1900  }
0xe6: {  	[sflag:s9] =	ssyncset.done $0x0  }
0xe7: {  	s25 =	rddreg [dreg:$0xd];
	[sflag:s9] =	ssyncadd.s32 $0xFFFFE700  }
0xe8: {  	[spmem:s2] =	stream.indirect.scatter.add.f32 [tilespmem:s3], [sflag:$0x1], $0x80, s25, s31, $0xb8;
	[tilespmem:$0x1EC00] =	vst v63  }
0xe9: {  	s28 =	rddreg [dreg:$0xe]  }
0xea: {  	[tilespmem:s10], [sflag:$0x4] =	stream.indirect.gather [hbm4b:s1+s31], $0x80, s28, s31, $0xb8;
	[tilespmem:$0x1EC00] =	vst v63  }
0xeb: {  	_ =	swait.ge [sflag:s8], $0x1900  }
0xec: {  	[sflag:s8] =	ssyncset.done $0x0  }
0xed: {  	[sflag:s8] =	ssyncadd.s32 $0xFFFFE700  }
0xee: {  	_ =	swait.ge [sflag:s11], $0x1900  }
0xef: {  	[sflag:s11] =	ssyncset.done $0x0  }
0xf0: {  	s21 =	rddreg [dreg:$0xf];
	[sflag:s11] =	ssyncadd.s32 $0xFFFFE700  }
0xf1: {  	[spmem:s2] =	stream.indirect.scatter.add.f32 [tilespmem:s0], [sflag:$0x2], $0x80, s21, s31, $0xb8;
	[tilespmem:$0x1EC00] =	vst v63  }
0xf2: {  	s22 =	rddreg [dreg:$0x10]  }
0xf3: {  	[tilespmem:s6], [sflag:$0x5] =	stream.indirect.gather [hbm4b:s1+s31], $0x80, s22, s31, $0xb8;
	[tilespmem:$0x1EC00] =	vst v63  }
0xf4: {  	_ =	swait.ge [sflag:s9], $0x1900  }
0xf5: {  	[sflag:s9] =	ssyncset.done $0x0  }
0xf6: {  	[sflag:s9] =	ssyncadd.s32 $0xFFFFE700  }
0xf7: {  	_ =	swait.ge [sflag:s12], $0x1900  }
0xf8: {  	[sflag:s12] =	ssyncset.done $0x0  }
0xf9: {  	s23 =	rddreg [dreg:$0x11];
	[sflag:s12] =	ssyncadd.s32 $0xFFFFE700  }
0xfa: {  	[spmem:s2] =	stream.indirect.scatter.add.f32 [tilespmem:s4], [sflag:$0x3], $0x80, s23, s31, $0xb8;
	[tilespmem:$0x1EC00] =	vst v63  }
0xfb: {  	s24 =	rddreg [dreg:$0x12]  }
0xfc: {  	[tilespmem:s3], [sflag:$0x1] =	stream.indirect.gather [hbm4b:s1+s31], $0x80, s24, s31, $0xb8;
	[tilespmem:$0x1EC00] =	vst v63  }
0xfd: {  	_ =	swait.ge [sflag:s11], $0x1900  }
0xfe: {  	[sflag:s11] =	ssyncset.done $0x0  }
0xff: {  	[sflag:s11] =	ssyncadd.s32 $0xFFFFE700  }
0x100: {  	_ =	swait.ge [sflag:s13], $0x1900  }
0x101: {  	[sflag:s13] =	ssyncset.done $0x0  }
0x102: {  	s25 =	rddreg [dreg:$0x13];
	[sflag:s13] =	ssyncadd.s32 $0xFFFFE700  }
0x103: {  	[spmem:s2] =	stream.indirect.scatter.add.f32 [tilespmem:s10], [sflag:$0x4], $0x80, s25, s31, $0xb8;
	[tilespmem:$0x1EC00] =	vst v63  }
0x104: {  	s28 =	rddreg [dreg:$0x14]  }
0x105: {  	[tilespmem:s0], [sflag:$0x2] =	stream.indirect.gather [hbm4b:s1+s31], $0x80, s28, s31, $0xb8;
	[tilespmem:$0x1EC00] =	vst v63  }
0x106: {  	_ =	swait.ge [sflag:s12], $0x1900  }
0x107: {  	[sflag:s12] =	ssyncset.done $0x0  }
0x108: {  	[sflag:s12] =	ssyncadd.s32 $0xFFFFE700  }
0x109: {  	_ =	swait.ge [sflag:s8], $0x1900  }
0x10a: {  	[sflag:s8] =	ssyncset.done $0x0  }
0x10b: {  	s21 =	rddreg [dreg:$0x15];
	[sflag:s8] =	ssyncadd.s32 $0xFFFFE700  }
0x10c: {  	[spmem:s2] =	stream.indirect.scatter.add.f32 [tilespmem:s6], [sflag:$0x5], $0x80, s21, s31, $0xb8;
	[tilespmem:$0x1EC00] =	vst v63  }
0x10d: {  	s22 =	rddreg [dreg:$0x16]  }
0x10e: {  	[tilespmem:s4], [sflag:$0x3] =	stream.indirect.gather [hbm4b:s1+s31], $0x80, s22, s31, $0xb8;
	[tilespmem:$0x1EC00] =	vst v63  }
0x10f: {  	_ =	swait.ge [sflag:s13], $0x1900  }
0x110: {  	[sflag:s13] =	ssyncset.done $0x0  }
0x111: {  	[sflag:s13] =	ssyncadd.s32 $0xFFFFE700  }
0x112: {  	_ =	swait.ge [sflag:s9], $0x1900  }
0x113: {  	[sflag:s9] =	ssyncset.done $0x0  }
0x114: {  	s23 =	rddreg [dreg:$0x17];
	[sflag:s9] =	ssyncadd.s32 $0xFFFFE700  }
0x115: {  	[spmem:s2] =	stream.indirect.scatter.add.f32 [tilespmem:s3], [sflag:$0x1], $0x80, s23, s31, $0xb8;
	[tilespmem:$0x1EC00] =	vst v63  }
0x116: {  	s24 =	rddreg [dreg:$0x18]  }
0x117: {  	[tilespmem:s10], [sflag:$0x4] =	stream.indirect.gather [hbm4b:s1+s31], $0x80, s24, s31, $0xb8;
	[tilespmem:$0x1EC00] =	vst v63  }
0x118: {  	_ =	swait.ge [sflag:s8], $0x1900  }
0x119: {  	[sflag:s8] =	ssyncset.done $0x0  }
0x11a: {  	[sflag:s8] =	ssyncadd.s32 $0xFFFFE700  }
0x11b: {  	_ =	swait.ge [sflag:s11], $0x1900  }
0x11c: {  	[sflag:s11] =	ssyncset.done $0x0  }
0x11d: {  	s25 =	rddreg [dreg:$0x19];
	[sflag:s11] =	ssyncadd.s32 $0xFFFFE700  }
0x11e: {  	[spmem:s2] =	stream.indirect.scatter.add.f32 [tilespmem:s0], [sflag:$0x2], $0x80, s25, s31, $0xb8;
	[tilespmem:$0x1EC00] =	vst v63  }
0x11f: {  	s28 =	rddreg [dreg:$0x1a]  }
0x120: {  	[tilespmem:s6], [sflag:$0x5] =	stream.indirect.gather [hbm4b:s1+s31], $0x80, s28, s31, $0xb8;
	[tilespmem:$0x1EC00] =	vst v63  }
0x121: {  	_ =	swait.ge [sflag:s9], $0x1900  }
0x122: {  	[sflag:s9] =	ssyncset.done $0x0  }
0x123: {  	[sflag:s9] =	ssyncadd.s32 $0xFFFFE700  }
0x124: {  	_ =	swait.ge [sflag:s12], $0x1900  }
0x125: {  	[sflag:s12] =	ssyncset.done $0x0  }
0x126: {  	s21 =	rddreg [dreg:$0x1b];
	[sflag:s12] =	ssyncadd.s32 $0xFFFFE700  }
0x127: {  	[spmem:s2] =	stream.indirect.scatter.add.f32 [tilespmem:s4], [sflag:$0x3], $0x80, s21, s31, $0xb8;
	[tilespmem:$0x1EC00] =	vst v63  }
0x128: {  	s22 =	rddreg [dreg:$0x1c]  }
0x129: {  	[tilespmem:s3], [sflag:$0x1] =	stream.indirect.gather [hbm4b:s1+s31], $0x80, s22, s31, $0xb8;
	[tilespmem:$0x1EC00] =	vst v63  }
0x12a: {  	_ =	swait.ge [sflag:s11], $0x1900  }
0x12b: {  	[sflag:s11] =	ssyncset.done $0x0  }
0x12c: {  	[sflag:s11] =	ssyncadd.s32 $0xFFFFE700  }
0x12d: {  	_ =	swait.ge [sflag:s13], $0x1900  }
0x12e: {  	[sflag:s13] =	ssyncset.done $0x0  }
0x12f: {  	s23 =	rddreg [dreg:$0x1d];
	[sflag:s13] =	ssyncadd.s32 $0xFFFFE700  }
0x130: {  	[spmem:s2] =	stream.indirect.scatter.add.f32 [tilespmem:s10], [sflag:$0x4], $0x80, s23, s31, $0xb8;
	[tilespmem:$0x1EC00] =	vst v63  }
0x131: {  	s24 =	rddreg [dreg:$0x1e]  }
0x132: {  	[tilespmem:s0], [sflag:$0x2] =	stream.indirect.gather [hbm4b:s1+s31], $0x80, s24, s31, $0xb8;
	[tilespmem:$0x1EC00] =	vst v63  }
0x133: {  	_ =	swait.ge [sflag:s12], $0x1900  }
0x134: {  	[sflag:s12] =	ssyncset.done $0x0  }
0x135: {  	[sflag:s12] =	ssyncadd.s32 $0xFFFFE700  }
0x136: {  	_ =	swait.ge [sflag:s8], $0x1900  }
0x137: {  	s25 =	rddreg [dreg:$0x1f];
	[sflag:s8] =	ssyncset.done $0x0  }
0x138: {  	s28 =	sld [smem:$0x7EA];
	[sflag:s8] =	ssyncadd.s32 $0xFFFFE700  }
0x139: {  	[spmem:s2] =	stream.indirect.scatter.add.f32 [tilespmem:s6], [sflag:$0x5], $0x80, s25, s31, $0xb8;
	[tilespmem:$0x1EC00] =	vst v63  }
0x13a: {  	_ = 	snop  }
0x13b: {  	[tilespmem:s4], [sflag:$0x3] =	stream.indirect.gather [hbm4b:s1+s31], $0x80, s28, s31, $0xb8;
	[tilespmem:$0x1EC00] =	vst v63  }
0x13c: {  	_ =	swait.ge [sflag:s13], $0x1900  }
0x13d: {  	[sflag:s13] =	ssyncset.done $0x0  }
0x13e: {  	[sflag:s13] =	ssyncadd.s32 $0xFFFFE700  }
0x13f: {  	_ =	swait.ge [sflag:s9], $0x1900  }
0x140: {  	s21 =	sld [smem:$0x7EC]  }
0x141: {  	[sflag:s9] =	ssyncset.done $0x0  }
0x142: {  	s22 =	sld [smem:$0x7ED];
	[sflag:s9] =	ssyncadd.s32 $0xFFFFE700  }
0x143: {  	[spmem:s2] =	stream.indirect.scatter.add.f32 [tilespmem:s3], [sflag:$0x1], $0x80, s21, s31, $0xb8;
	[tilespmem:$0x1EC00] =	vst v63  }
0x144: {  	_ = 	snop  }
0x145: {  	[tilespmem:s10], [sflag:$0x4] =	stream.indirect.gather [hbm4b:s1+s31], $0x80, s22, s31, $0xb8;
	[tilespmem:$0x1EC00] =	vst v63  }
0x146: {  	_ =	swait.ge [sflag:s8], $0x1900  }
0x147: {  	[sflag:s8] =	ssyncset.done $0x0  }
0x148: {  	[sflag:s8] =	ssyncadd.s32 $0xFFFFE700  }
0x149: {  	_ =	swait.ge [sflag:s11], $0x1900  }
0x14a: {  	s23 =	sld [smem:$0x7EE]  }
0x14b: {  	[sflag:s11] =	ssyncset.done $0x0  }
0x14c: {  	s24 =	sld [smem:$0x7F0];
	[sflag:s11] =	ssyncadd.s32 $0xFFFFE700  }
0x14d: {  	[spmem:s2] =	stream.indirect.scatter.add.f32 [tilespmem:s0], [sflag:$0x2], $0x80, s23, s31, $0xb8;
	[tilespmem:$0x1EC00] =	vst v63  }
0x14e: {  	_ = 	snop  }
0x14f: {  	[tilespmem:s6], [sflag:$0x5] =	stream.indirect.gather [hbm4b:s1+s31], $0x80, s24, s31, $0xb8;
	[tilespmem:$0x1EC00] =	vst v63  }
0x150: {  	_ =	swait.ge [sflag:s9], $0x1900  }
0x151: {  	[sflag:s9] =	ssyncset.done $0x0  }
0x152: {  	[sflag:s9] =	ssyncadd.s32 $0xFFFFE700  }
0x153: {  	_ =	swait.ge [sflag:s12], $0x1900  }
0x154: {  	s25 =	sld [smem:$0x7F1]  }
0x155: {  	[sflag:s12] =	ssyncset.done $0x0  }
0x156: {  	s28 =	sld [smem:$0x7F2];
	[sflag:s12] =	ssyncadd.s32 $0xFFFFE700  }
0x157: {  	[spmem:s2] =	stream.indirect.scatter.add.f32 [tilespmem:s4], [sflag:$0x3], $0x80, s25, s31, $0xb8;
	[tilespmem:$0x1EC00] =	vst v63  }
0x158: {  	_ = 	snop  }
0x159: {  	[tilespmem:s3], [sflag:$0x1] =	stream.indirect.gather [hbm4b:s1+s31], $0x80, s28, s31, $0xb8;
	[tilespmem:$0x1EC00] =	vst v63  }
0x15a: {  	_ =	swait.ge [sflag:s11], $0x1900  }
0x15b: {  	[sflag:s11] =	ssyncset.done $0x0  }
0x15c: {  	[sflag:s11] =	ssyncadd.s32 $0xFFFFE700  }
0x15d: {  	_ =	swait.ge [sflag:s13], $0x1900  }
0x15e: {  	s21 =	sld [smem:$0x7F4]  }
0x15f: {  	[sflag:s13] =	ssyncset.done $0x0  }
0x160: {  	s22 =	sld [smem:$0x7F5];
	[sflag:s13] =	ssyncadd.s32 $0xFFFFE700  }
0x161: {  	[spmem:s2] =	stream.indirect.scatter.add.f32 [tilespmem:s10], [sflag:$0x4], $0x80, s21, s31, $0xb8;
	[tilespmem:$0x1EC00] =	vst v63  }
0x162: {  	_ = 	snop  }
0x163: {  	[tilespmem:s0], [sflag:$0x2] =	stream.indirect.gather [hbm4b:s1+s31], $0x80, s22, s31, $0xb8;
	[tilespmem:$0x1EC00] =	vst v63  }
0x164: {  	_ =	swait.ge [sflag:s12], $0x1900  }
0x165: {  	[sflag:s12] =	ssyncset.done $0x0  }
0x166: {  	[sflag:s12] =	ssyncadd.s32 $0xFFFFE700  }
0x167: {  	_ =	swait.ge [sflag:s8], $0x1900  }
0x168: {  	s23 =	sld [smem:$0x7F6]  }
0x169: {  	[sflag:s8] =	ssyncset.done $0x0  }
0x16a: {  	s24 =	sld [smem:$0x7F8];
	[sflag:s8] =	ssyncadd.s32 $0xFFFFE700  }
0x16b: {  	[spmem:s2] =	stream.indirect.scatter.add.f32 [tilespmem:s6], [sflag:$0x5], $0x80, s23, s31, $0xb8;
	[tilespmem:$0x1EC00] =	vst v63  }
0x16c: {  	_ = 	snop  }
0x16d: {  	[tilespmem:s4], [sflag:$0x3] =	stream.indirect.gather [hbm4b:s1+s31], $0x80, s24, s31, $0xb8;
	[tilespmem:$0x1EC00] =	vst v63  }
0x16e: {  	_ =	swait.ge [sflag:s13], $0x1900  }
0x16f: {  	[sflag:s13] =	ssyncset.done $0x0  }
0x170: {  	[sflag:s13] =	ssyncadd.s32 $0xFFFFE700  }
0x171: {  	_ =	swait.ge [sflag:s9], $0x1900  }
0x172: {  	s25 =	sld [smem:$0x7FA]  }
0x173: {  	[sflag:s9] =	ssyncset.done $0x0  }
0x174: {  	[sflag:s9] =	ssyncadd.s32 $0xFFFFE700  }
0x175: {  	[spmem:s2] =	stream.indirect.scatter.add.f32 [tilespmem:s3], [sflag:$0x1], $0x80, s25, s31, $0xb8;
	[tilespmem:$0x1EC00] =	vst v63  }
0x176: {  	_ =	swait.ge [sflag:s8], $0x1900  }
0x177: {  	s28 =	sld [smem:$0x7FB]  }
0x178: {  	[sflag:s8] =	ssyncset.done $0x0  }
0x179: {  	[sflag:s8] =	ssyncadd.s32 $0xFFFFE700  }
0x17a: {  	[tilespmem:s10], [sflag:$0x4] =	stream.indirect.gather [hbm4b:s1+s31], $0x80, s28, s31, $0xb8;
	[tilespmem:$0x1EC00] =	vst v63  }
0x17b: {  	_ =	swait.ge [sflag:s11], $0x1900  }
0x17c: {  	[sflag:s11] =	ssyncset.done $0x0  }
0x17d: {  	[sflag:s11] =	ssyncadd.s32 $0xFFFFE700  }
0x17e: {  	[spmem:s2] =	stream.indirect.scatter.add.f32 [tilespmem:s0], [sflag:$0x2], $0x80, s14, s31, $0xb8;
	[tilespmem:$0x1EC00] =	vst v63  }
0x17f: {  	_ =	swait.ge [sflag:s9], $0x1900  }
0x180: {  	[sflag:s9] =	ssyncset.done $0x0  }
0x181: {  	[sflag:s9] =	ssyncadd.s32 $0xFFFFE700  }
0x182: {  	[tilespmem:s6], [sflag:$0x5] =	stream.indirect.gather [hbm4b:s1+s31], $0x80, s15, s31, $0xb8;
	[tilespmem:$0x1EC00] =	vst v63  }
0x183: {  	_ =	swait.ge [sflag:s12], $0x1900  }
0x184: {  	[sflag:s12] =	ssyncset.done $0x0  }
0x185: {  	[sflag:s12] =	ssyncadd.s32 $0xFFFFE700  }
0x186: {  	[spmem:s2] =	stream.indirect.scatter.add.f32 [tilespmem:s4], [sflag:$0x3], $0x80, s16, s31, $0xb8;
	[tilespmem:$0x1EC00] =	vst v63  }
0x187: {  	_ =	swait.ge [sflag:s11], $0x1900  }
0x188: {  	[sflag:s11] =	ssyncset.done $0x0  }
0x189: {  	[sflag:s11] =	ssyncadd.s32 $0xFFFFE700  }
0x18a: {  	_ =	swait.ge [sflag:s13], $0x1900  }
0x18b: {  	[sflag:s13] =	ssyncset.done $0x0  }
0x18c: {  	[sflag:s13] =	ssyncadd.s32 $0xFFFFE700  }
0x18d: {  	[spmem:s2] =	stream.indirect.scatter.add.f32 [tilespmem:s10], [sflag:$0x4], $0x80, s17, s31, $0xb8;
	[tilespmem:$0x1EC00] =	vst v63  }
0x18e: {  	_ =	swait.ge [sflag:s12], $0x1900  }
0x18f: {  	[sflag:s12] =	ssyncset.done $0x0  }
0x190: {  	[sflag:s12] =	ssyncadd.s32 $0xFFFFE700  }
0x191: {  	_ =	swait.ge [sflag:s8], $0x1900  }
0x192: {  	[sflag:s8] =	ssyncset.done $0x0  }
0x193: {  	[sflag:s8] =	ssyncadd.s32 $0xFFFFE700  }
0x194: {  	[spmem:s2] =	stream.indirect.scatter.add.f32 [tilespmem:s6], [sflag:$0x5], $0x80, s18, s31, $0xb8;
	[tilespmem:$0x1EC00] =	vst v63  }
0x195: {  	_ =	swait.ge [sflag:s13], $0x1900  }
0x196: {  	[sflag:s13] =	ssyncset.done $0x0  }
0x197: {  	[sflag:s13] =	ssyncadd.s32 $0xFFFFE700  }
0x198: {  	s20 =	simm.s32 $0x400;
	s21 =	simm.s32 $0x200;
	_ =	swait.ge [sflag:s8], $0x1900  }
.LBB2_4:
0x199: {  	p2 =	seq.s32 s21, $0x0  }
0x19a: {  	[sflag:s8] =	ssyncset.done $0x0;
	s21 =	sadd.s32 @!p2 s21, s5;
	s23 =	simm.s32 @!p2 $0x0  }
0x19b: {  	[sflag:s8] =	ssyncadd.s32 $0xFFFFE700;
	s28 =	simm.s32 @!p2 $0x8C00;
	s24 =	simm.s32 @!p2 $0x6  }
0x19c: {  	[tilespmem:s28], [sflag:$0x6] =	stream.linear.gather @!p2 [hbm4b:s21+s23], $0xC80, $0x38;
	[tilespmem:$0x1EC00] =	vst v63  }
0x19d: {  	_ =	swait.ge @!p2 [sflag:s24], $0xC80  }
0x19e: {  	s22 =	smov.u32 s20;
	s25 =	sadd.s32 @!p2 $0x20000, s21;
	[sflag:s24] =	ssyncset.done @!p2 $0x0  }
0x19f: {  	s21 =	smov.u32 s22;
	s22 =	simm.s32 @!p2 $0x9C00;
	[sflag:s24] =	ssyncadd.s32 @!p2 $0xFFFFF380  }
0x1a0: {  	[tilespmem:s22], [sflag:$0x6] =	stream.linear.gather @!p2 [hbm4b:s25+s23], $0xC80, $0x38;
	[tilespmem:$0x1EC00] =	vst v63  }
0x1a1: {  	_ =	swait.ge @!p2 [sflag:s24], $0xC80  }
0x1a2: {  	[sflag:s24] =	ssyncset.done @!p2 $0x0  }
0x1a3: {  	s22 =	simm.s32 @!p2 $0x32;
	[sflag:s24] =	ssyncadd.s32 @!p2 $0xFFFFF380  }
0x1a4: {  	[tilespmem:s23], [sflag:$0x1] =	stream.indirect.gather @!p2 [hbm4b:s1+s22], $0x80, s28, s22, $0xb8;
	[tilespmem:$0x1EC00] =	vst v63  }
0x1a5: {  	s24 =	simm.s32 @!p2 $0x1C00;
	s23 =	simm.s32 @!p2 $0x8C80  }
0x1a6: {  	[tilespmem:s24], [sflag:$0x2] =	stream.indirect.gather @!p2 [hbm4b:s1+s22], $0x80, s23, s22, $0xb8;
	[tilespmem:$0x1EC00] =	vst v63  }
0x1a7: {  	s23 =	simm.s32 @!p2 $0x8D00;
	s24 =	simm.s32 @!p2 $0x3800  }
0x1a8: {  	[tilespmem:s24], [sflag:$0x3] =	stream.indirect.gather @!p2 [hbm4b:s1+s22], $0x80, s23, s22, $0xb8;
	[tilespmem:$0x1EC00] =	vst v63  }
0x1a9: {  	_ =	swait.ge [sflag:s9], $0x1900  }
0x1aa: {  	[sflag:s9] =	ssyncset.done $0x0  }
0x1ab: {  	[sflag:s9] =	ssyncadd.s32 $0xFFFFE700  }
0x1ac: {  	[spmem:s2] =	stream.indirect.scatter.add.f32 [tilespmem:s3], [sflag:$0x1], $0x80, s30, s31, $0xb8;
	[tilespmem:$0x1EC00] =	vst v63  }
0x1ad: {  	s28 =	rddreg [dreg:$0x4]  }
0x1ae: {  	[tilespmem:s10], [sflag:$0x4] =	stream.indirect.gather [hbm4b:s1+s31], $0x80, s28, s31, $0xb8;
	[tilespmem:$0x1EC00] =	vst v63  }
0x1af: {  	_ =	swait.ge [sflag:s11], $0x1900  }
0x1b0: {  	[sflag:s11] =	ssyncset.done $0x0  }
0x1b1: {  	s23 =	rddreg [dreg:$0x5];
	[sflag:s11] =	ssyncadd.s32 $0xFFFFE700  }
0x1b2: {  	[spmem:s2] =	stream.indirect.scatter.add.f32 [tilespmem:s0], [sflag:$0x2], $0x80, s23, s31, $0xb8;
	[tilespmem:$0x1EC00] =	vst v63  }
0x1b3: {  	_ =	swait.ge [sflag:s9], $0x1900  }
0x1b4: {  	[sflag:s9] =	ssyncset.done $0x0  }
0x1b5: {  	s24 =	rddreg [dreg:$0x6];
	[sflag:s9] =	ssyncadd.s32 $0xFFFFE700  }
0x1b6: {  	[tilespmem:s6], [sflag:$0x5] =	stream.indirect.gather [hbm4b:s1+s31], $0x80, s24, s31, $0xb8;
	[tilespmem:$0x1EC00] =	vst v63  }
0x1b7: {  	_ =	swait.ge [sflag:s12], $0x1900  }
0x1b8: {  	[sflag:s12] =	ssyncset.done $0x0  }
0x1b9: {  	s25 =	rddreg [dreg:$0x7];
	[sflag:s12] =	ssyncadd.s32 $0xFFFFE700  }
0x1ba: {  	[spmem:s2] =	stream.indirect.scatter.add.f32 [tilespmem:s4], [sflag:$0x3], $0x80, s25, s31, $0xb8;
	[tilespmem:$0x1EC00] =	vst v63  }
0x1bb: {  	_ =	swait.ge [sflag:s11], $0x1900  }
0x1bc: {  	[sflag:s11] =	ssyncset.done $0x0  }
0x1bd: {  	s28 =	rddreg [dreg:$0x8];
	[sflag:s11] =	ssyncadd.s32 $0xFFFFE700  }
0x1be: {  	[tilespmem:s3], [sflag:$0x1] =	stream.indirect.gather [hbm4b:s1+s31], $0x80, s28, s31, $0xb8;
	[tilespmem:$0x1EC00] =	vst v63  }
0x1bf: {  	_ =	swait.ge [sflag:s13], $0x1900  }
0x1c0: {  	[sflag:s13] =	ssyncset.done $0x0  }
0x1c1: {  	s23 =	rddreg [dreg:$0x9];
	[sflag:s13] =	ssyncadd.s32 $0xFFFFE700  }
0x1c2: {  	[spmem:s2] =	stream.indirect.scatter.add.f32 [tilespmem:s10], [sflag:$0x4], $0x80, s23, s31, $0xb8;
	[tilespmem:$0x1EC00] =	vst v63  }
0x1c3: {  	_ =	swait.ge [sflag:s12], $0x1900  }
0x1c4: {  	[sflag:s12] =	ssyncset.done $0x0  }
0x1c5: {  	s24 =	rddreg [dreg:$0xa];
	[sflag:s12] =	ssyncadd.s32 $0xFFFFE700  }
0x1c6: {  	[tilespmem:s0], [sflag:$0x2] =	stream.indirect.gather [hbm4b:s1+s31], $0x80, s24, s31, $0xb8;
	[tilespmem:$0x1EC00] =	vst v63  }
0x1c7: {  	_ =	swait.ge [sflag:s8], $0x1900  }
0x1c8: {  	[sflag:s8] =	ssyncset.done $0x0  }
0x1c9: {  	s25 =	rddreg [dreg:$0xb];
	[sflag:s8] =	ssyncadd.s32 $0xFFFFE700  }
0x1ca: {  	[spmem:s2] =	stream.indirect.scatter.add.f32 [tilespmem:s6], [sflag:$0x5], $0x80, s25, s31, $0xb8;
	[tilespmem:$0x1EC00] =	vst v63  }
0x1cb: {  	_ =	swait.ge [sflag:s13], $0x1900  }
0x1cc: {  	[sflag:s13] =	ssyncset.done $0x0  }
0x1cd: {  	s28 =	rddreg [dreg:$0xc];
	[sflag:s13] =	ssyncadd.s32 $0xFFFFE700  }
0x1ce: {  	[tilespmem:s4], [sflag:$0x3] =	stream.indirect.gather [hbm4b:s1+s31], $0x80, s28, s31, $0xb8;
	[tilespmem:$0x1EC00] =	vst v63  }
0x1cf: {  	_ =	swait.ge [sflag:s9], $0x1900  }
0x1d0: {  	[sflag:s9] =	ssyncset.done $0x0  }
0x1d1: {  	s23 =	rddreg [dreg:$0xd];
	[sflag:s9] =	ssyncadd.s32 $0xFFFFE700  }
0x1d2: {  	[spmem:s2] =	stream.indirect.scatter.add.f32 [tilespmem:s3], [sflag:$0x1], $0x80, s23, s31, $0xb8;
	[tilespmem:$0x1EC00] =	vst v63  }
0x1d3: {  	s24 =	rddreg [dreg:$0xe]  }
0x1d4: {  	[tilespmem:s10], [sflag:$0x4] =	stream.indirect.gather [hbm4b:s1+s31], $0x80, s24, s31, $0xb8;
	[tilespmem:$0x1EC00] =	vst v63  }
0x1d5: {  	_ =	swait.ge [sflag:s8], $0x1900  }
0x1d6: {  	[sflag:s8] =	ssyncset.done $0x0  }
0x1d7: {  	[sflag:s8] =	ssyncadd.s32 $0xFFFFE700  }
0x1d8: {  	_ =	swait.ge [sflag:s11], $0x1900  }
0x1d9: {  	[sflag:s11] =	ssyncset.done $0x0  }
0x1da: {  	s25 =	rddreg [dreg:$0xf];
	[sflag:s11] =	ssyncadd.s32 $0xFFFFE700  }
0x1db: {  	[spmem:s2] =	stream.indirect.scatter.add.f32 [tilespmem:s0], [sflag:$0x2], $0x80, s25, s31, $0xb8;
	[tilespmem:$0x1EC00] =	vst v63  }
0x1dc: {  	s28 =	rddreg [dreg:$0x10]  }
0x1dd: {  	[tilespmem:s6], [sflag:$0x5] =	stream.indirect.gather [hbm4b:s1+s31], $0x80, s28, s31, $0xb8;
	[tilespmem:$0x1EC00] =	vst v63  }
0x1de: {  	_ =	swait.ge [sflag:s9], $0x1900  }
0x1df: {  	[sflag:s9] =	ssyncset.done $0x0  }
0x1e0: {  	[sflag:s9] =	ssyncadd.s32 $0xFFFFE700  }
0x1e1: {  	_ =	swait.ge [sflag:s12], $0x1900  }
0x1e2: {  	[sflag:s12] =	ssyncset.done $0x0  }
0x1e3: {  	s23 =	rddreg [dreg:$0x11];
	[sflag:s12] =	ssyncadd.s32 $0xFFFFE700  }
0x1e4: {  	[spmem:s2] =	stream.indirect.scatter.add.f32 [tilespmem:s4], [sflag:$0x3], $0x80, s23, s31, $0xb8;
	[tilespmem:$0x1EC00] =	vst v63  }
0x1e5: {  	s24 =	rddreg [dreg:$0x12]  }
0x1e6: {  	[tilespmem:s3], [sflag:$0x1] =	stream.indirect.gather [hbm4b:s1+s31], $0x80, s24, s31, $0xb8;
	[tilespmem:$0x1EC00] =	vst v63  }
0x1e7: {  	_ =	swait.ge [sflag:s11], $0x1900  }
0x1e8: {  	[sflag:s11] =	ssyncset.done $0x0  }
0x1e9: {  	[sflag:s11] =	ssyncadd.s32 $0xFFFFE700  }
0x1ea: {  	_ =	swait.ge [sflag:s13], $0x1900  }
0x1eb: {  	[sflag:s13] =	ssyncset.done $0x0  }
0x1ec: {  	s25 =	rddreg [dreg:$0x13];
	[sflag:s13] =	ssyncadd.s32 $0xFFFFE700  }
0x1ed: {  	[spmem:s2] =	stream.indirect.scatter.add.f32 [tilespmem:s10], [sflag:$0x4], $0x80, s25, s31, $0xb8;
	[tilespmem:$0x1EC00] =	vst v63  }
0x1ee: {  	s28 =	rddreg [dreg:$0x14]  }
0x1ef: {  	[tilespmem:s0], [sflag:$0x2] =	stream.indirect.gather [hbm4b:s1+s31], $0x80, s28, s31, $0xb8;
	[tilespmem:$0x1EC00] =	vst v63  }
0x1f0: {  	_ =	swait.ge [sflag:s12], $0x1900  }
0x1f1: {  	[sflag:s12] =	ssyncset.done $0x0  }
0x1f2: {  	[sflag:s12] =	ssyncadd.s32 $0xFFFFE700  }
0x1f3: {  	_ =	swait.ge [sflag:s8], $0x1900  }
0x1f4: {  	[sflag:s8] =	ssyncset.done $0x0  }
0x1f5: {  	s23 =	rddreg [dreg:$0x15];
	[sflag:s8] =	ssyncadd.s32 $0xFFFFE700  }
0x1f6: {  	[spmem:s2] =	stream.indirect.scatter.add.f32 [tilespmem:s6], [sflag:$0x5], $0x80, s23, s31, $0xb8;
	[tilespmem:$0x1EC00] =	vst v63  }
0x1f7: {  	s24 =	rddreg [dreg:$0x16]  }
0x1f8: {  	[tilespmem:s4], [sflag:$0x3] =	stream.indirect.gather [hbm4b:s1+s31], $0x80, s24, s31, $0xb8;
	[tilespmem:$0x1EC00] =	vst v63  }
0x1f9: {  	_ =	swait.ge [sflag:s13], $0x1900  }
0x1fa: {  	[sflag:s13] =	ssyncset.done $0x0  }
0x1fb: {  	[sflag:s13] =	ssyncadd.s32 $0xFFFFE700  }
0x1fc: {  	_ =	swait.ge [sflag:s9], $0x1900  }
0x1fd: {  	[sflag:s9] =	ssyncset.done $0x0  }
0x1fe: {  	s25 =	rddreg [dreg:$0x17];
	[sflag:s9] =	ssyncadd.s32 $0xFFFFE700  }
0x1ff: {  	[spmem:s2] =	stream.indirect.scatter.add.f32 [tilespmem:s3], [sflag:$0x1], $0x80, s25, s31, $0xb8;
	[tilespmem:$0x1EC00] =	vst v63  }
0x200: {  	s28 =	rddreg [dreg:$0x18]  }
0x201: {  	[tilespmem:s10], [sflag:$0x4] =	stream.indirect.gather [hbm4b:s1+s31], $0x80, s28, s31, $0xb8;
	[tilespmem:$0x1EC00] =	vst v63  }
0x202: {  	_ =	swait.ge [sflag:s8], $0x1900  }
0x203: {  	[sflag:s8] =	ssyncset.done $0x0  }
0x204: {  	[sflag:s8] =	ssyncadd.s32 $0xFFFFE700  }
0x205: {  	_ =	swait.ge [sflag:s11], $0x1900  }
0x206: {  	[sflag:s11] =	ssyncset.done $0x0  }
0x207: {  	s23 =	rddreg [dreg:$0x19];
	[sflag:s11] =	ssyncadd.s32 $0xFFFFE700  }
0x208: {  	[spmem:s2] =	stream.indirect.scatter.add.f32 [tilespmem:s0], [sflag:$0x2], $0x80, s23, s31, $0xb8;
	[tilespmem:$0x1EC00] =	vst v63  }
0x209: {  	s24 =	rddreg [dreg:$0x1a]  }
0x20a: {  	[tilespmem:s6], [sflag:$0x5] =	stream.indirect.gather [hbm4b:s1+s31], $0x80, s24, s31, $0xb8;
	[tilespmem:$0x1EC00] =	vst v63  }
0x20b: {  	_ =	swait.ge [sflag:s9], $0x1900  }
0x20c: {  	[sflag:s9] =	ssyncset.done $0x0  }
0x20d: {  	[sflag:s9] =	ssyncadd.s32 $0xFFFFE700  }
0x20e: {  	_ =	swait.ge [sflag:s12], $0x1900  }
0x20f: {  	[sflag:s12] =	ssyncset.done $0x0  }
0x210: {  	s25 =	rddreg [dreg:$0x1b];
	[sflag:s12] =	ssyncadd.s32 $0xFFFFE700  }
0x211: {  	[spmem:s2] =	stream.indirect.scatter.add.f32 [tilespmem:s4], [sflag:$0x3], $0x80, s25, s31, $0xb8;
	[tilespmem:$0x1EC00] =	vst v63  }
0x212: {  	s28 =	rddreg [dreg:$0x1c]  }
0x213: {  	[tilespmem:s3], [sflag:$0x1] =	stream.indirect.gather [hbm4b:s1+s31], $0x80, s28, s31, $0xb8;
	[tilespmem:$0x1EC00] =	vst v63  }
0x214: {  	_ =	swait.ge [sflag:s11], $0x1900  }
0x215: {  	[sflag:s11] =	ssyncset.done $0x0  }
0x216: {  	[sflag:s11] =	ssyncadd.s32 $0xFFFFE700  }
0x217: {  	_ =	swait.ge [sflag:s13], $0x1900  }
0x218: {  	[sflag:s13] =	ssyncset.done $0x0  }
0x219: {  	s23 =	rddreg [dreg:$0x1d];
	[sflag:s13] =	ssyncadd.s32 $0xFFFFE700  }
0x21a: {  	[spmem:s2] =	stream.indirect.scatter.add.f32 [tilespmem:s10], [sflag:$0x4], $0x80, s23, s31, $0xb8;
	[tilespmem:$0x1EC00] =	vst v63  }
0x21b: {  	s24 =	rddreg [dreg:$0x1e]  }
0x21c: {  	[tilespmem:s0], [sflag:$0x2] =	stream.indirect.gather [hbm4b:s1+s31], $0x80, s24, s31, $0xb8;
	[tilespmem:$0x1EC00] =	vst v63  }
0x21d: {  	_ =	swait.ge [sflag:s12], $0x1900  }
0x21e: {  	[sflag:s12] =	ssyncset.done $0x0  }
0x21f: {  	[sflag:s12] =	ssyncadd.s32 $0xFFFFE700  }
0x220: {  	_ =	swait.ge [sflag:s8], $0x1900  }
0x221: {  	s25 =	rddreg [dreg:$0x1f];
	[sflag:s8] =	ssyncset.done $0x0  }
0x222: {  	s28 =	sld [smem:$0x7EA];
	[sflag:s8] =	ssyncadd.s32 $0xFFFFE700  }
0x223: {  	[spmem:s2] =	stream.indirect.scatter.add.f32 [tilespmem:s6], [sflag:$0x5], $0x80, s25, s31, $0xb8;
	[tilespmem:$0x1EC00] =	vst v63  }
0x224: {  	_ = 	snop  }
0x225: {  	[tilespmem:s4], [sflag:$0x3] =	stream.indirect.gather [hbm4b:s1+s31], $0x80, s28, s31, $0xb8;
	[tilespmem:$0x1EC00] =	vst v63  }
0x226: {  	_ =	swait.ge [sflag:s13], $0x1900  }
0x227: {  	[sflag:s13] =	ssyncset.done $0x0  }
0x228: {  	[sflag:s13] =	ssyncadd.s32 $0xFFFFE700  }
0x229: {  	_ =	swait.ge [sflag:s9], $0x1900  }
0x22a: {  	s23 =	sld [smem:$0x7EC]  }
0x22b: {  	[sflag:s9] =	ssyncset.done $0x0  }
0x22c: {  	s24 =	sld [smem:$0x7ED];
	[sflag:s9] =	ssyncadd.s32 $0xFFFFE700  }
0x22d: {  	[spmem:s2] =	stream.indirect.scatter.add.f32 [tilespmem:s3], [sflag:$0x1], $0x80, s23, s31, $0xb8;
	[tilespmem:$0x1EC00] =	vst v63  }
0x22e: {  	_ = 	snop  }
0x22f: {  	[tilespmem:s10], [sflag:$0x4] =	stream.indirect.gather [hbm4b:s1+s31], $0x80, s24, s31, $0xb8;
	[tilespmem:$0x1EC00] =	vst v63  }
0x230: {  	_ =	swait.ge [sflag:s8], $0x1900  }
0x231: {  	[sflag:s8] =	ssyncset.done $0x0  }
0x232: {  	[sflag:s8] =	ssyncadd.s32 $0xFFFFE700  }
0x233: {  	_ =	swait.ge [sflag:s11], $0x1900  }
0x234: {  	s25 =	sld [smem:$0x7EE]  }
0x235: {  	[sflag:s11] =	ssyncset.done $0x0  }
0x236: {  	s28 =	sld [smem:$0x7F0];
	[sflag:s11] =	ssyncadd.s32 $0xFFFFE700  }
0x237: {  	[spmem:s2] =	stream.indirect.scatter.add.f32 [tilespmem:s0], [sflag:$0x2], $0x80, s25, s31, $0xb8;
	[tilespmem:$0x1EC00] =	vst v63  }
0x238: {  	_ = 	snop  }
0x239: {  	[tilespmem:s6], [sflag:$0x5] =	stream.indirect.gather [hbm4b:s1+s31], $0x80, s28, s31, $0xb8;
	[tilespmem:$0x1EC00] =	vst v63  }
0x23a: {  	_ =	swait.ge [sflag:s9], $0x1900  }
0x23b: {  	[sflag:s9] =	ssyncset.done $0x0  }
0x23c: {  	[sflag:s9] =	ssyncadd.s32 $0xFFFFE700  }
0x23d: {  	_ =	swait.ge [sflag:s12], $0x1900  }
0x23e: {  	s23 =	sld [smem:$0x7F1]  }
0x23f: {  	[sflag:s12] =	ssyncset.done $0x0  }
0x240: {  	s24 =	sld [smem:$0x7F2];
	[sflag:s12] =	ssyncadd.s32 $0xFFFFE700  }
0x241: {  	[spmem:s2] =	stream.indirect.scatter.add.f32 [tilespmem:s4], [sflag:$0x3], $0x80, s23, s31, $0xb8;
	[tilespmem:$0x1EC00] =	vst v63  }
0x242: {  	_ = 	snop  }
0x243: {  	[tilespmem:s3], [sflag:$0x1] =	stream.indirect.gather [hbm4b:s1+s31], $0x80, s24, s31, $0xb8;
	[tilespmem:$0x1EC00] =	vst v63  }
0x244: {  	_ =	swait.ge [sflag:s11], $0x1900  }
0x245: {  	[sflag:s11] =	ssyncset.done $0x0  }
0x246: {  	[sflag:s11] =	ssyncadd.s32 $0xFFFFE700  }
0x247: {  	_ =	swait.ge [sflag:s13], $0x1900  }
0x248: {  	s25 =	sld [smem:$0x7F4]  }
0x249: {  	[sflag:s13] =	ssyncset.done $0x0  }
0x24a: {  	s28 =	sld [smem:$0x7F5];
	[sflag:s13] =	ssyncadd.s32 $0xFFFFE700  }
0x24b: {  	[spmem:s2] =	stream.indirect.scatter.add.f32 [tilespmem:s10], [sflag:$0x4], $0x80, s25, s31, $0xb8;
	[tilespmem:$0x1EC00] =	vst v63  }
0x24c: {  	_ = 	snop  }
0x24d: {  	[tilespmem:s0], [sflag:$0x2] =	stream.indirect.gather [hbm4b:s1+s31], $0x80, s28, s31, $0xb8;
	[tilespmem:$0x1EC00] =	vst v63  }
0x24e: {  	_ =	swait.ge [sflag:s12], $0x1900  }
0x24f: {  	[sflag:s12] =	ssyncset.done $0x0  }
0x250: {  	[sflag:s12] =	ssyncadd.s32 $0xFFFFE700  }
0x251: {  	_ =	swait.ge [sflag:s8], $0x1900  }
0x252: {  	s23 =	sld [smem:$0x7F6]  }
0x253: {  	[sflag:s8] =	ssyncset.done $0x0  }
0x254: {  	s24 =	sld [smem:$0x7F8];
	[sflag:s8] =	ssyncadd.s32 $0xFFFFE700  }
0x255: {  	[spmem:s2] =	stream.indirect.scatter.add.f32 [tilespmem:s6], [sflag:$0x5], $0x80, s23, s31, $0xb8;
	[tilespmem:$0x1EC00] =	vst v63  }
0x256: {  	_ = 	snop  }
0x257: {  	[tilespmem:s4], [sflag:$0x3] =	stream.indirect.gather [hbm4b:s1+s31], $0x80, s24, s31, $0xb8;
	[tilespmem:$0x1EC00] =	vst v63  }
0x258: {  	_ =	swait.ge [sflag:s13], $0x1900  }
0x259: {  	[sflag:s13] =	ssyncset.done $0x0  }
0x25a: {  	[sflag:s13] =	ssyncadd.s32 $0xFFFFE700  }
0x25b: {  	_ =	swait.ge [sflag:s9], $0x1900  }
0x25c: {  	s25 =	sld [smem:$0x7FA]  }
0x25d: {  	[sflag:s9] =	ssyncset.done $0x0  }
0x25e: {  	[sflag:s9] =	ssyncadd.s32 $0xFFFFE700  }
0x25f: {  	[spmem:s2] =	stream.indirect.scatter.add.f32 [tilespmem:s3], [sflag:$0x1], $0x80, s25, s31, $0xb8;
	[tilespmem:$0x1EC00] =	vst v63  }
0x260: {  	_ =	swait.ge [sflag:s8], $0x1900  }
0x261: {  	s28 =	sld [smem:$0x7FB]  }
0x262: {  	[sflag:s8] =	ssyncset.done $0x0  }
0x263: {  	[sflag:s8] =	ssyncadd.s32 $0xFFFFE700  }
0x264: {  	[tilespmem:s10], [sflag:$0x4] =	stream.indirect.gather [hbm4b:s1+s31], $0x80, s28, s31, $0xb8;
	[tilespmem:$0x1EC00] =	vst v63  }
0x265: {  	_ =	swait.ge [sflag:s11], $0x1900  }
0x266: {  	[sflag:s11] =	ssyncset.done $0x0  }
0x267: {  	[sflag:s11] =	ssyncadd.s32 $0xFFFFE700  }
0x268: {  	[spmem:s2] =	stream.indirect.scatter.add.f32 [tilespmem:s0], [sflag:$0x2], $0x80, s14, s31, $0xb8;
	[tilespmem:$0x1EC00] =	vst v63  }
0x269: {  	_ =	swait.ge [sflag:s9], $0x1900  }
0x26a: {  	[sflag:s9] =	ssyncset.done $0x0  }
0x26b: {  	[sflag:s9] =	ssyncadd.s32 $0xFFFFE700  }
0x26c: {  	[tilespmem:s6], [sflag:$0x5] =	stream.indirect.gather [hbm4b:s1+s31], $0x80, s15, s31, $0xb8;
	[tilespmem:$0x1EC00] =	vst v63  }
0x26d: {  	_ =	swait.ge [sflag:s12], $0x1900  }
0x26e: {  	[sflag:s12] =	ssyncset.done $0x0  }
0x26f: {  	[sflag:s12] =	ssyncadd.s32 $0xFFFFE700  }
0x270: {  	[spmem:s2] =	stream.indirect.scatter.add.f32 [tilespmem:s4], [sflag:$0x3], $0x80, s16, s31, $0xb8;
	[tilespmem:$0x1EC00] =	vst v63  }
0x271: {  	_ =	swait.ge [sflag:s11], $0x1900  }
0x272: {  	[sflag:s11] =	ssyncset.done $0x0  }
0x273: {  	[sflag:s11] =	ssyncadd.s32 $0xFFFFE700  }
0x274: {  	_ =	swait.ge [sflag:s13], $0x1900  }
0x275: {  	[sflag:s13] =	ssyncset.done $0x0  }
0x276: {  	[sflag:s13] =	ssyncadd.s32 $0xFFFFE700  }
0x277: {  	[spmem:s2] =	stream.indirect.scatter.add.f32 [tilespmem:s10], [sflag:$0x4], $0x80, s17, s31, $0xb8;
	[tilespmem:$0x1EC00] =	vst v63  }
0x278: {  	_ =	swait.ge [sflag:s12], $0x1900  }
0x279: {  	[sflag:s12] =	ssyncset.done $0x0  }
0x27a: {  	[sflag:s12] =	ssyncadd.s32 $0xFFFFE700  }
0x27b: {  	_ =	swait.ge [sflag:s8], $0x1900  }
0x27c: {  	s20 =	sadd.s32 $0x200, s20;
	[sflag:s8] =	ssyncset.done $0x0  }
0x27d: {  	p1 =	sne.s32 s20, $0x1000;
	[sflag:s8] =	ssyncadd.s32 $0xFFFFE700  }
0x27e: {  	[spmem:s2] =	stream.indirect.scatter.add.f32 [tilespmem:s6], [sflag:$0x5], $0x80, s18, s31, $0xb8;
	[tilespmem:$0x1EC00] =	vst v63  }
.Ltmp1:
0x27f: {  	_ = 	snop;
	(pc) =	sbr.rel @p1 .LBB2_4-.Ltmp1, $4  }
0x280: {  	_ =	swait.ge [sflag:s13], $0x1900  }
0x281: {  	[sflag:s13] =	ssyncset.done $0x0  }
0x282: {  	[sflag:s13] =	ssyncadd.s32 $0xFFFFE700  }
0x283: {  	_ =	swait.ge [sflag:s8], $0x1900  }
0x284: {  	p1 =	seq.s32 s21, $0x0  }
0x285: {  	[sflag:s8] =	ssyncset.done $0x0;
	s20 =	sadd.s32 @!p1 s21, s5;
	s21 =	simm.s32 @!p1 $0x0  }
0x286: {  	[sflag:s8] =	ssyncadd.s32 $0xFFFFE700;
	s22 =	simm.s32 @!p1 $0x8C00;
	s23 =	simm.s32 @!p1 $0x6  }
0x287: {  	[tilespmem:s22], [sflag:$0x6] =	stream.linear.gather @!p1 [hbm4b:s20+s21], $0xC80, $0x38;
	[tilespmem:$0x1EC00] =	vst v63  }
0x288: {  	_ =	swait.ge @!p1 [sflag:s23], $0xC80  }
0x289: {  	[sflag:s23] =	ssyncset.done @!p1 $0x0  }
0x28a: {  	s24 =	simm.s32 @!p1 $0x9C00;
	s20 =	sadd.s32 @!p1 $0x20000, s20;
	[sflag:s23] =	ssyncadd.s32 @!p1 $0xFFFFF380  }
0x28b: {  	[tilespmem:s24], [sflag:$0x6] =	stream.linear.gather @!p1 [hbm4b:s20+s21], $0xC80, $0x38;
	[tilespmem:$0x1EC00] =	vst v63  }
0x28c: {  	_ =	swait.ge @!p1 [sflag:s23], $0xC80  }
0x28d: {  	[sflag:s23] =	ssyncset.done @!p1 $0x0  }
0x28e: {  	s20 =	simm.s32 @!p1 $0x32;
	[sflag:s23] =	ssyncadd.s32 @!p1 $0xFFFFF380  }
0x28f: {  	[tilespmem:s21], [sflag:$0x1] =	stream.indirect.gather @!p1 [hbm4b:s1+s20], $0x80, s22, s20, $0xb8;
	[tilespmem:$0x1EC00] =	vst v63  }
0x290: {  	s21 =	simm.s32 @!p1 $0x8C80;
	s22 =	simm.s32 @!p1 $0x1C00  }
0x291: {  	[tilespmem:s22], [sflag:$0x2] =	stream.indirect.gather @!p1 [hbm4b:s1+s20], $0x80, s21, s20, $0xb8;
	[tilespmem:$0x1EC00] =	vst v63  }
0x292: {  	s21 =	simm.s32 @!p1 $0x8D00;
	s22 =	simm.s32 @!p1 $0x3800  }
0x293: {  	[tilespmem:s22], [sflag:$0x3] =	stream.indirect.gather @!p1 [hbm4b:s1+s20], $0x80, s21, s20, $0xb8;
	[tilespmem:$0x1EC00] =	vst v63  }
0x294: {  	_ =	swait.ge [sflag:s9], $0x1900  }
0x295: {  	[sflag:s9] =	ssyncset.done $0x0  }
0x296: {  	[sflag:s9] =	ssyncadd.s32 $0xFFFFE700  }
0x297: {  	[spmem:s2] =	stream.indirect.scatter.add.f32 [tilespmem:s3], [sflag:$0x1], $0x80, s30, s31, $0xb8;
	[tilespmem:$0x1EC00] =	vst v63  }
0x298: {  	s28 =	rddreg [dreg:$0x4]  }
0x299: {  	[tilespmem:s10], [sflag:$0x4] =	stream.indirect.gather [hbm4b:s1+s31], $0x80, s28, s31, $0xb8;
	[tilespmem:$0x1EC00] =	vst v63  }
0x29a: {  	_ =	swait.ge [sflag:s11], $0x1900  }
0x29b: {  	[sflag:s11] =	ssyncset.done $0x0  }
0x29c: {  	s21 =	rddreg [dreg:$0x5];
	[sflag:s11] =	ssyncadd.s32 $0xFFFFE700  }
0x29d: {  	[spmem:s2] =	stream.indirect.scatter.add.f32 [tilespmem:s0], [sflag:$0x2], $0x80, s21, s31, $0xb8;
	[tilespmem:$0x1EC00] =	vst v63  }
0x29e: {  	_ =	swait.ge [sflag:s9], $0x1900  }
0x29f: {  	[sflag:s9] =	ssyncset.done $0x0  }
0x2a0: {  	s22 =	rddreg [dreg:$0x6];
	[sflag:s9] =	ssyncadd.s32 $0xFFFFE700  }
0x2a1: {  	[tilespmem:s6], [sflag:$0x5] =	stream.indirect.gather [hbm4b:s1+s31], $0x80, s22, s31, $0xb8;
	[tilespmem:$0x1EC00] =	vst v63  }
0x2a2: {  	_ =	swait.ge [sflag:s12], $0x1900  }
0x2a3: {  	[sflag:s12] =	ssyncset.done $0x0  }
0x2a4: {  	s23 =	rddreg [dreg:$0x7];
	[sflag:s12] =	ssyncadd.s32 $0xFFFFE700  }
0x2a5: {  	[spmem:s2] =	stream.indirect.scatter.add.f32 [tilespmem:s4], [sflag:$0x3], $0x80, s23, s31, $0xb8;
	[tilespmem:$0x1EC00] =	vst v63  }
0x2a6: {  	_ =	swait.ge [sflag:s11], $0x1900  }
0x2a7: {  	[sflag:s11] =	ssyncset.done $0x0  }
0x2a8: {  	s24 =	rddreg [dreg:$0x8];
	[sflag:s11] =	ssyncadd.s32 $0xFFFFE700  }
0x2a9: {  	[tilespmem:s3], [sflag:$0x1] =	stream.indirect.gather [hbm4b:s1+s31], $0x80, s24, s31, $0xb8;
	[tilespmem:$0x1EC00] =	vst v63  }
0x2aa: {  	_ =	swait.ge [sflag:s13], $0x1900  }
0x2ab: {  	[sflag:s13] =	ssyncset.done $0x0  }
0x2ac: {  	s25 =	rddreg [dreg:$0x9];
	[sflag:s13] =	ssyncadd.s32 $0xFFFFE700  }
0x2ad: {  	[spmem:s2] =	stream.indirect.scatter.add.f32 [tilespmem:s10], [sflag:$0x4], $0x80, s25, s31, $0xb8;
	[tilespmem:$0x1EC00] =	vst v63  }
0x2ae: {  	_ =	swait.ge [sflag:s12], $0x1900  }
0x2af: {  	[sflag:s12] =	ssyncset.done $0x0  }
0x2b0: {  	s28 =	rddreg [dreg:$0xa];
	[sflag:s12] =	ssyncadd.s32 $0xFFFFE700  }
0x2b1: {  	[tilespmem:s0], [sflag:$0x2] =	stream.indirect.gather [hbm4b:s1+s31], $0x80, s28, s31, $0xb8;
	[tilespmem:$0x1EC00] =	vst v63  }
0x2b2: {  	_ =	swait.ge [sflag:s8], $0x1900  }
0x2b3: {  	[sflag:s8] =	ssyncset.done $0x0  }
0x2b4: {  	s21 =	rddreg [dreg:$0xb];
	[sflag:s8] =	ssyncadd.s32 $0xFFFFE700  }
0x2b5: {  	[spmem:s2] =	stream.indirect.scatter.add.f32 [tilespmem:s6], [sflag:$0x5], $0x80, s21, s31, $0xb8;
	[tilespmem:$0x1EC00] =	vst v63  }
0x2b6: {  	_ =	swait.ge [sflag:s13], $0x1900  }
0x2b7: {  	[sflag:s13] =	ssyncset.done $0x0  }
0x2b8: {  	s22 =	rddreg [dreg:$0xc];
	[sflag:s13] =	ssyncadd.s32 $0xFFFFE700  }
0x2b9: {  	[tilespmem:s4], [sflag:$0x3] =	stream.indirect.gather [hbm4b:s1+s31], $0x80, s22, s31, $0xb8;
	[tilespmem:$0x1EC00] =	vst v63  }
0x2ba: {  	_ =	swait.ge [sflag:s9], $0x1900  }
0x2bb: {  	[sflag:s9] =	ssyncset.done $0x0  }
0x2bc: {  	s23 =	rddreg [dreg:$0xd];
	[sflag:s9] =	ssyncadd.s32 $0xFFFFE700  }
0x2bd: {  	[spmem:s2] =	stream.indirect.scatter.add.f32 [tilespmem:s3], [sflag:$0x1], $0x80, s23, s31, $0xb8;
	[tilespmem:$0x1EC00] =	vst v63  }
0x2be: {  	s24 =	rddreg [dreg:$0xe]  }
0x2bf: {  	[tilespmem:s10], [sflag:$0x4] =	stream.indirect.gather [hbm4b:s1+s31], $0x80, s24, s31, $0xb8;
	[tilespmem:$0x1EC00] =	vst v63  }
0x2c0: {  	_ =	swait.ge [sflag:s8], $0x1900  }
0x2c1: {  	[sflag:s8] =	ssyncset.done $0x0  }
0x2c2: {  	[sflag:s8] =	ssyncadd.s32 $0xFFFFE700  }
0x2c3: {  	_ =	swait.ge [sflag:s11], $0x1900  }
0x2c4: {  	[sflag:s11] =	ssyncset.done $0x0  }
0x2c5: {  	s25 =	rddreg [dreg:$0xf];
	[sflag:s11] =	ssyncadd.s32 $0xFFFFE700  }
0x2c6: {  	[spmem:s2] =	stream.indirect.scatter.add.f32 [tilespmem:s0], [sflag:$0x2], $0x80, s25, s31, $0xb8;
	[tilespmem:$0x1EC00] =	vst v63  }
0x2c7: {  	s28 =	rddreg [dreg:$0x10]  }
0x2c8: {  	[tilespmem:s6], [sflag:$0x5] =	stream.indirect.gather [hbm4b:s1+s31], $0x80, s28, s31, $0xb8;
	[tilespmem:$0x1EC00] =	vst v63  }
0x2c9: {  	_ =	swait.ge [sflag:s9], $0x1900  }
0x2ca: {  	[sflag:s9] =	ssyncset.done $0x0  }
0x2cb: {  	[sflag:s9] =	ssyncadd.s32 $0xFFFFE700  }
0x2cc: {  	_ =	swait.ge [sflag:s12], $0x1900  }
0x2cd: {  	[sflag:s12] =	ssyncset.done $0x0  }
0x2ce: {  	s21 =	rddreg [dreg:$0x11];
	[sflag:s12] =	ssyncadd.s32 $0xFFFFE700  }
0x2cf: {  	[spmem:s2] =	stream.indirect.scatter.add.f32 [tilespmem:s4], [sflag:$0x3], $0x80, s21, s31, $0xb8;
	[tilespmem:$0x1EC00] =	vst v63  }
0x2d0: {  	s22 =	rddreg [dreg:$0x12]  }
0x2d1: {  	[tilespmem:s3], [sflag:$0x1] =	stream.indirect.gather [hbm4b:s1+s31], $0x80, s22, s31, $0xb8;
	[tilespmem:$0x1EC00] =	vst v63  }
0x2d2: {  	_ =	swait.ge [sflag:s11], $0x1900  }
0x2d3: {  	[sflag:s11] =	ssyncset.done $0x0  }
0x2d4: {  	[sflag:s11] =	ssyncadd.s32 $0xFFFFE700  }
0x2d5: {  	_ =	swait.ge [sflag:s13], $0x1900  }
0x2d6: {  	[sflag:s13] =	ssyncset.done $0x0  }
0x2d7: {  	s23 =	rddreg [dreg:$0x13];
	[sflag:s13] =	ssyncadd.s32 $0xFFFFE700  }
0x2d8: {  	[spmem:s2] =	stream.indirect.scatter.add.f32 [tilespmem:s10], [sflag:$0x4], $0x80, s23, s31, $0xb8;
	[tilespmem:$0x1EC00] =	vst v63  }
0x2d9: {  	s24 =	rddreg [dreg:$0x14]  }
0x2da: {  	[tilespmem:s0], [sflag:$0x2] =	stream.indirect.gather [hbm4b:s1+s31], $0x80, s24, s31, $0xb8;
	[tilespmem:$0x1EC00] =	vst v63  }
0x2db: {  	_ =	swait.ge [sflag:s12], $0x1900  }
0x2dc: {  	[sflag:s12] =	ssyncset.done $0x0  }
0x2dd: {  	[sflag:s12] =	ssyncadd.s32 $0xFFFFE700  }
0x2de: {  	_ =	swait.ge [sflag:s8], $0x1900  }
0x2df: {  	[sflag:s8] =	ssyncset.done $0x0  }
0x2e0: {  	s25 =	rddreg [dreg:$0x15];
	[sflag:s8] =	ssyncadd.s32 $0xFFFFE700  }
0x2e1: {  	[spmem:s2] =	stream.indirect.scatter.add.f32 [tilespmem:s6], [sflag:$0x5], $0x80, s25, s31, $0xb8;
	[tilespmem:$0x1EC00] =	vst v63  }
0x2e2: {  	s28 =	rddreg [dreg:$0x16]  }
0x2e3: {  	[tilespmem:s4], [sflag:$0x3] =	stream.indirect.gather [hbm4b:s1+s31], $0x80, s28, s31, $0xb8;
	[tilespmem:$0x1EC00] =	vst v63  }
0x2e4: {  	_ =	swait.ge [sflag:s13], $0x1900  }
0x2e5: {  	[sflag:s13] =	ssyncset.done $0x0  }
0x2e6: {  	[sflag:s13] =	ssyncadd.s32 $0xFFFFE700  }
0x2e7: {  	_ =	swait.ge [sflag:s9], $0x1900  }
0x2e8: {  	[sflag:s9] =	ssyncset.done $0x0  }
0x2e9: {  	s21 =	rddreg [dreg:$0x17];
	[sflag:s9] =	ssyncadd.s32 $0xFFFFE700  }
0x2ea: {  	[spmem:s2] =	stream.indirect.scatter.add.f32 [tilespmem:s3], [sflag:$0x1], $0x80, s21, s31, $0xb8;
	[tilespmem:$0x1EC00] =	vst v63  }
0x2eb: {  	s22 =	rddreg [dreg:$0x18]  }
0x2ec: {  	[tilespmem:s10], [sflag:$0x4] =	stream.indirect.gather [hbm4b:s1+s31], $0x80, s22, s31, $0xb8;
	[tilespmem:$0x1EC00] =	vst v63  }
0x2ed: {  	_ =	swait.ge [sflag:s8], $0x1900  }
0x2ee: {  	[sflag:s8] =	ssyncset.done $0x0  }
0x2ef: {  	[sflag:s8] =	ssyncadd.s32 $0xFFFFE700  }
0x2f0: {  	_ =	swait.ge [sflag:s11], $0x1900  }
0x2f1: {  	[sflag:s11] =	ssyncset.done $0x0  }
0x2f2: {  	s23 =	rddreg [dreg:$0x19];
	[sflag:s11] =	ssyncadd.s32 $0xFFFFE700  }
0x2f3: {  	[spmem:s2] =	stream.indirect.scatter.add.f32 [tilespmem:s0], [sflag:$0x2], $0x80, s23, s31, $0xb8;
	[tilespmem:$0x1EC00] =	vst v63  }
0x2f4: {  	s24 =	rddreg [dreg:$0x1a]  }
0x2f5: {  	[tilespmem:s6], [sflag:$0x5] =	stream.indirect.gather [hbm4b:s1+s31], $0x80, s24, s31, $0xb8;
	[tilespmem:$0x1EC00] =	vst v63  }
0x2f6: {  	_ =	swait.ge [sflag:s9], $0x1900  }
0x2f7: {  	[sflag:s9] =	ssyncset.done $0x0  }
0x2f8: {  	[sflag:s9] =	ssyncadd.s32 $0xFFFFE700  }
0x2f9: {  	_ =	swait.ge [sflag:s12], $0x1900  }
0x2fa: {  	[sflag:s12] =	ssyncset.done $0x0  }
0x2fb: {  	s25 =	rddreg [dreg:$0x1b];
	[sflag:s12] =	ssyncadd.s32 $0xFFFFE700  }
0x2fc: {  	[spmem:s2] =	stream.indirect.scatter.add.f32 [tilespmem:s4], [sflag:$0x3], $0x80, s25, s31, $0xb8;
	[tilespmem:$0x1EC00] =	vst v63  }
0x2fd: {  	s28 =	rddreg [dreg:$0x1c]  }
0x2fe: {  	[tilespmem:s3], [sflag:$0x1] =	stream.indirect.gather [hbm4b:s1+s31], $0x80, s28, s31, $0xb8;
	[tilespmem:$0x1EC00] =	vst v63  }
0x2ff: {  	_ =	swait.ge [sflag:s11], $0x1900  }
0x300: {  	[sflag:s11] =	ssyncset.done $0x0  }
0x301: {  	[sflag:s11] =	ssyncadd.s32 $0xFFFFE700  }
0x302: {  	_ =	swait.ge [sflag:s13], $0x1900  }
0x303: {  	[sflag:s13] =	ssyncset.done $0x0  }
0x304: {  	s21 =	rddreg [dreg:$0x1d];
	[sflag:s13] =	ssyncadd.s32 $0xFFFFE700  }
0x305: {  	[spmem:s2] =	stream.indirect.scatter.add.f32 [tilespmem:s10], [sflag:$0x4], $0x80, s21, s31, $0xb8;
	[tilespmem:$0x1EC00] =	vst v63  }
0x306: {  	s22 =	rddreg [dreg:$0x1e]  }
0x307: {  	[tilespmem:s0], [sflag:$0x2] =	stream.indirect.gather [hbm4b:s1+s31], $0x80, s22, s31, $0xb8;
	[tilespmem:$0x1EC00] =	vst v63  }
0x308: {  	_ =	swait.ge [sflag:s12], $0x1900  }
0x309: {  	[sflag:s12] =	ssyncset.done $0x0  }
0x30a: {  	[sflag:s12] =	ssyncadd.s32 $0xFFFFE700  }
0x30b: {  	_ =	swait.ge [sflag:s8], $0x1900  }
0x30c: {  	s23 =	rddreg [dreg:$0x1f];
	[sflag:s8] =	ssyncset.done $0x0  }
0x30d: {  	s24 =	sld [smem:$0x7EA];
	[sflag:s8] =	ssyncadd.s32 $0xFFFFE700  }
0x30e: {  	[spmem:s2] =	stream.indirect.scatter.add.f32 [tilespmem:s6], [sflag:$0x5], $0x80, s23, s31, $0xb8;
	[tilespmem:$0x1EC00] =	vst v63  }
0x30f: {  	_ = 	snop  }
0x310: {  	[tilespmem:s4], [sflag:$0x3] =	stream.indirect.gather [hbm4b:s1+s31], $0x80, s24, s31, $0xb8;
	[tilespmem:$0x1EC00] =	vst v63  }
0x311: {  	_ =	swait.ge [sflag:s13], $0x1900  }
0x312: {  	[sflag:s13] =	ssyncset.done $0x0  }
0x313: {  	[sflag:s13] =	ssyncadd.s32 $0xFFFFE700  }
0x314: {  	_ =	swait.ge [sflag:s9], $0x1900  }
0x315: {  	s25 =	sld [smem:$0x7EC]  }
0x316: {  	[sflag:s9] =	ssyncset.done $0x0  }
0x317: {  	s28 =	sld [smem:$0x7ED];
	[sflag:s9] =	ssyncadd.s32 $0xFFFFE700  }
0x318: {  	[spmem:s2] =	stream.indirect.scatter.add.f32 [tilespmem:s3], [sflag:$0x1], $0x80, s25, s31, $0xb8;
	[tilespmem:$0x1EC00] =	vst v63  }
0x319: {  	_ = 	snop  }
0x31a: {  	[tilespmem:s10], [sflag:$0x4] =	stream.indirect.gather [hbm4b:s1+s31], $0x80, s28, s31, $0xb8;
	[tilespmem:$0x1EC00] =	vst v63  }
0x31b: {  	_ =	swait.ge [sflag:s8], $0x1900  }
0x31c: {  	[sflag:s8] =	ssyncset.done $0x0  }
0x31d: {  	[sflag:s8] =	ssyncadd.s32 $0xFFFFE700  }
0x31e: {  	_ =	swait.ge [sflag:s11], $0x1900  }
0x31f: {  	s21 =	sld [smem:$0x7EE]  }
0x320: {  	[sflag:s11] =	ssyncset.done $0x0  }
0x321: {  	s22 =	sld [smem:$0x7F0];
	[sflag:s11] =	ssyncadd.s32 $0xFFFFE700  }
0x322: {  	[spmem:s2] =	stream.indirect.scatter.add.f32 [tilespmem:s0], [sflag:$0x2], $0x80, s21, s31, $0xb8;
	[tilespmem:$0x1EC00] =	vst v63  }
0x323: {  	_ = 	snop  }
0x324: {  	[tilespmem:s6], [sflag:$0x5] =	stream.indirect.gather [hbm4b:s1+s31], $0x80, s22, s31, $0xb8;
	[tilespmem:$0x1EC00] =	vst v63  }
0x325: {  	_ =	swait.ge [sflag:s9], $0x1900  }
0x326: {  	[sflag:s9] =	ssyncset.done $0x0  }
0x327: {  	[sflag:s9] =	ssyncadd.s32 $0xFFFFE700  }
0x328: {  	_ =	swait.ge [sflag:s12], $0x1900  }
0x329: {  	s23 =	sld [smem:$0x7F1]  }
0x32a: {  	[sflag:s12] =	ssyncset.done $0x0  }
0x32b: {  	s24 =	sld [smem:$0x7F2];
	[sflag:s12] =	ssyncadd.s32 $0xFFFFE700  }
0x32c: {  	[spmem:s2] =	stream.indirect.scatter.add.f32 [tilespmem:s4], [sflag:$0x3], $0x80, s23, s31, $0xb8;
	[tilespmem:$0x1EC00] =	vst v63  }
0x32d: {  	_ = 	snop  }
0x32e: {  	[tilespmem:s3], [sflag:$0x1] =	stream.indirect.gather [hbm4b:s1+s31], $0x80, s24, s31, $0xb8;
	[tilespmem:$0x1EC00] =	vst v63  }
0x32f: {  	_ =	swait.ge [sflag:s11], $0x1900  }
0x330: {  	[sflag:s11] =	ssyncset.done $0x0  }
0x331: {  	[sflag:s11] =	ssyncadd.s32 $0xFFFFE700  }
0x332: {  	_ =	swait.ge [sflag:s13], $0x1900  }
0x333: {  	s25 =	sld [smem:$0x7F4]  }
0x334: {  	[sflag:s13] =	ssyncset.done $0x0  }
0x335: {  	s28 =	sld [smem:$0x7F5];
	[sflag:s13] =	ssyncadd.s32 $0xFFFFE700  }
0x336: {  	[spmem:s2] =	stream.indirect.scatter.add.f32 [tilespmem:s10], [sflag:$0x4], $0x80, s25, s31, $0xb8;
	[tilespmem:$0x1EC00] =	vst v63  }
0x337: {  	_ = 	snop  }
0x338: {  	[tilespmem:s0], [sflag:$0x2] =	stream.indirect.gather [hbm4b:s1+s31], $0x80, s28, s31, $0xb8;
	[tilespmem:$0x1EC00] =	vst v63  }
0x339: {  	_ =	swait.ge [sflag:s12], $0x1900  }
0x33a: {  	[sflag:s12] =	ssyncset.done $0x0  }
0x33b: {  	[sflag:s12] =	ssyncadd.s32 $0xFFFFE700  }
0x33c: {  	_ =	swait.ge [sflag:s8], $0x1900  }
0x33d: {  	s22 =	sld [smem:$0x7F6]  }
0x33e: {  	[sflag:s8] =	ssyncset.done $0x0  }
0x33f: {  	s23 =	sld [smem:$0x7F8];
	[sflag:s8] =	ssyncadd.s32 $0xFFFFE700  }
0x340: {  	[spmem:s2] =	stream.indirect.scatter.add.f32 [tilespmem:s6], [sflag:$0x5], $0x80, s22, s31, $0xb8;
	[tilespmem:$0x1EC00] =	vst v63  }
0x341: {  	_ = 	snop  }
0x342: {  	[tilespmem:s4], [sflag:$0x3] =	stream.indirect.gather [hbm4b:s1+s31], $0x80, s23, s31, $0xb8;
	[tilespmem:$0x1EC00] =	vst v63  }
0x343: {  	_ =	swait.ge [sflag:s13], $0x1900  }
0x344: {  	[sflag:s13] =	ssyncset.done $0x0  }
0x345: {  	[sflag:s13] =	ssyncadd.s32 $0xFFFFE700  }
0x346: {  	_ =	swait.ge [sflag:s9], $0x1900  }
0x347: {  	s24 =	sld [smem:$0x7FA]  }
0x348: {  	[sflag:s9] =	ssyncset.done $0x0  }
0x349: {  	[sflag:s9] =	ssyncadd.s32 $0xFFFFE700  }
0x34a: {  	[spmem:s2] =	stream.indirect.scatter.add.f32 [tilespmem:s3], [sflag:$0x1], $0x80, s24, s31, $0xb8;
	[tilespmem:$0x1EC00] =	vst v63  }
0x34b: {  	_ =	swait.ge [sflag:s8], $0x1900  }
0x34c: {  	s25 =	sld [smem:$0x7FB]  }
0x34d: {  	[sflag:s8] =	ssyncset.done $0x0  }
0x34e: {  	[sflag:s8] =	ssyncadd.s32 $0xFFFFE700  }
0x34f: {  	[tilespmem:s10], [sflag:$0x4] =	stream.indirect.gather [hbm4b:s1+s31], $0x80, s25, s31, $0xb8;
	[tilespmem:$0x1EC00] =	vst v63  }
0x350: {  	_ =	swait.ge [sflag:s11], $0x1900  }
0x351: {  	[sflag:s11] =	ssyncset.done $0x0  }
0x352: {  	[sflag:s11] =	ssyncadd.s32 $0xFFFFE700  }
0x353: {  	[spmem:s2] =	stream.indirect.scatter.add.f32 [tilespmem:s0], [sflag:$0x2], $0x80, s14, s31, $0xb8;
	[tilespmem:$0x1EC00] =	vst v63  }
0x354: {  	_ =	swait.ge [sflag:s9], $0x1900  }
0x355: {  	[sflag:s9] =	ssyncset.done $0x0  }
0x356: {  	[sflag:s9] =	ssyncadd.s32 $0xFFFFE700  }
0x357: {  	[tilespmem:s6], [sflag:$0x5] =	stream.indirect.gather [hbm4b:s1+s31], $0x80, s15, s31, $0xb8;
	[tilespmem:$0x1EC00] =	vst v63  }
0x358: {  	_ =	swait.ge [sflag:s12], $0x1900  }
0x359: {  	[sflag:s12] =	ssyncset.done $0x0  }
0x35a: {  	[sflag:s12] =	ssyncadd.s32 $0xFFFFE700  }
0x35b: {  	[spmem:s2] =	stream.indirect.scatter.add.f32 [tilespmem:s4], [sflag:$0x3], $0x80, s16, s31, $0xb8;
	[tilespmem:$0x1EC00] =	vst v63  }
0x35c: {  	_ =	swait.ge [sflag:s11], $0x1900  }
0x35d: {  	[sflag:s11] =	ssyncset.done $0x0  }
0x35e: {  	[sflag:s11] =	ssyncadd.s32 $0xFFFFE700  }
0x35f: {  	_ =	swait.ge [sflag:s13], $0x1900  }
0x360: {  	[sflag:s13] =	ssyncset.done $0x0  }
0x361: {  	[sflag:s13] =	ssyncadd.s32 $0xFFFFE700  }
0x362: {  	[spmem:s2] =	stream.indirect.scatter.add.f32 [tilespmem:s10], [sflag:$0x4], $0x80, s17, s31, $0xb8;
	[tilespmem:$0x1EC00] =	vst v63  }
0x363: {  	_ =	swait.ge [sflag:s12], $0x1900  }
0x364: {  	[sflag:s12] =	ssyncset.done $0x0  }
0x365: {  	[sflag:s12] =	ssyncadd.s32 $0xFFFFE700  }
0x366: {  	_ =	swait.ge [sflag:s8], $0x1900  }
0x367: {  	[sflag:s8] =	ssyncset.done $0x0  }
0x368: {  	[sflag:s8] =	ssyncadd.s32 $0xFFFFE700  }
0x369: {  	[spmem:s2] =	stream.indirect.scatter.add.f32 [tilespmem:s6], [sflag:$0x5], $0x80, s18, s31, $0xb8;
	[tilespmem:$0x1EC00] =	vst v63  }
0x36a: {  	_ =	swait.ge [sflag:s13], $0x1900  }
0x36b: {  	[sflag:s13] =	ssyncset.done $0x0  }
0x36c: {  	[sflag:s13] =	ssyncadd.s32 $0xFFFFE700  }
0x36d: {  	_ =	swait.ge [sflag:s8], $0x1900  }
0x36e: {  	[sflag:s8] =	ssyncset.done $0x0  }
0x36f: {  	[sflag:s8] =	ssyncadd.s32 $0xFFFFE700  }
0x370: {  	[bflag:$0x0] =	sbarrier.arrive $0xFFFF  }
0x371: {  	s21 =	sld [smem:$0x7F9]  }
0x372: {  	s22 =	sld [smem:$0x7FD];
	_ =	sdelay $0x1  }
0x373: {  	s20 =	simm.s32 @p0 $0x1FC6  }
0x374: {  	[hbm:s21], [sflag:s20] =	dma.local @p0 [spmem:s22], $0x1900  }
0x375: {  	s20 =	simm.s32 @p0 $0x6  }
0x376: {  	_ =	swait.ge @p0 [sflag:s20], $0x1900  }
0x377: {  	s21 =	stileid.u32;
	s22 =	sld [smem:$0x7F3]  }
0x378: {  	s21 =	sshll.u32 @!p0 s21, $0x6;
	[sflag:s20] =	ssyncset.done @p0 $0x0  }
0x379: {  	[sflag:s20] =	ssyncadd.s32 @p0 $0xFFFFE700;
	s20 =	sor.u32 @!p0 $0x1C06, s21;
	s21 =	sshrl.u32 @!p0 s7, $0x3  }
0x37a: {  	[hbm:s22], [sflag:s20] =	dma.local @!p0 [spmem:s21], $0x2800  }
0x37b: {  	s20 =	simm.s32 @!p0 $0x6  }
0x37c: {  	_ =	swait.ge @!p0 [sflag:s20], $0x2800  }
0x37d: {  	s28 =	sld [smem:$0x7FC];
	_ =	sdelay $0x1  }
0x37e: {  	s19 =	sadd.s32 $0x1, s19  }
0x37f: {  	p1 =	sne.s32 s19, s28  }
.Ltmp2:
0x380: {  	_ = 	snop;
	(pc) =	sbr.rel @p1 .LBB2_1-.Ltmp2, $3  }
0x381: {  	_ =	sdelay $0x1  }
0x382: {  	[sflag:s20] =	ssyncset.done @!p0 $0x0  }
0x383: {  	[sflag:s20] =	ssyncadd.s32 @!p0 $0xFFFFD800  }
0x384: {  	_ =	sfence.sel $0x180000  }
0x385: {  	[bflag:$0x0] =	sbarrier.arrive $0xFFFF  }
0x386: {  	_ =	strace $0x90000047  }
0x387: {  	s0 =	stileid.u32;
	[bflag:$0x2] =	sbarrier.arrive $0xFFFF  }
0x388: {  	p0 =	sne.s32 s0, $0x0;
	s0 =	rddreg [dreg:$0x3]  }
0x389: {  	s0 =	sadd.s32 @!p0 $0x100000, s0  }
0x38a: {  	[sflag:s0] =	ssyncadd.tile.s32 @!p0 $0x1;
	_ =	shalt  }
.Lfunc_end2:
_tile_overlayer_lowered:
.L_overlay_start_2:
0x38b: {  	(tag) =	ssettag $0x2  }
0x38c: {  	s0 =	rddreg [dreg:$0x0];
	s2 =	stileid.u32  }
0x38d: {  	s1 =	rddreg [dreg:$0x1];
	p0 =	sne.s32 s2, $0x0  }
0x38e: {  	s3 =	rddreg [dreg:$0x2];
	[bflag:$0x3] =	sbarrier.arrive $0xFFFF;
	s2 =	simm.s32 @!p0 $0x1C06  }
0x38f: {  	[timem:s3], [sflag:s2] =	dma.local @!p0 [hbm:s0], s1  }
0x390: {  	s0 =	simm.s32 @!p0 $0x6  }
0x391: {  	_ =	swait.ge @!p0 [sflag:s0], s1  }
0x392: {  	s1 =	ssub.s32 @!p0 $0x0, s1;
	[sflag:s0] =	ssyncset.done @!p0 $0x0  }
0x393: {  	[sflag:s0] =	ssyncadd.s32 @!p0 s1  }
0x394: {  	[bflag:$0x3] =	sbarrier.arrive $0xFFFF  }
0x395: {  	_ =	shalt  }

</sc_bundles>
